<compile_context>
chip_gen: v7x
topology: tpu7x:2x2x1
jax: 0.10.2.dev20260603
libtpu: 0.0.44.dev20260713+nightly
codegen_flags: <defaults>
</compile_context>

<pallas_src>
import functools

import jax
import jax.numpy as jnp
from jax import lax
from jax.experimental import pallas as pl
from jax.experimental.pallas import tpu as pltpu
from jax.experimental.pallas import tpu_sc as plsc

_NE = 8192
_CD = 64
_CIN = 768
_M = 9216
_MB = 3072
_KB = 2048


def _bdot(a, b, dims=(((1,), (0,)), ((), ()))):
    return lax.dot_general(a.astype(jnp.bfloat16), b.astype(jnp.bfloat16),
                           dims, preferred_element_type=jnp.float32)


def _dist_argmin_body(z_ref, emb_ref, wct_ref, bct_ref, wc_ref, bc_ref,
                      idx_ref, cb_ref, loss_ref, cn_ref, cbb_ref, acc_ref):
    i = pl.program_id(0)

    @pl.when(i == 0)
    def _init():
        cb = _bdot(emb_ref[...].T, wct_ref[...]) + bct_ref[...]
        cbp = jnp.concatenate([cb, jnp.zeros_like(cb)], axis=1)
        cb_ref[...] = cbp
        cbb_ref[...] = cbp.astype(jnp.bfloat16)
        cn_ref[...] = jnp.sum(cb * cb, axis=1, keepdims=True)

    zc = _bdot(z_ref[...], wc_ref[...].T) + bc_ref[...]
    zcp = jnp.concatenate([zc, jnp.zeros_like(zc)], axis=1)
    zcnb = (-2.0 * zcp).astype(jnp.bfloat16)

    R = 8
    iota_sub = lax.broadcasted_iota(jnp.int32, (R, _MB), 0)

    def chunk(k, carry):
        bmin, bidx = carry
        acc = lax.dot_general(cbb_ref[pl.ds(k * _KB, _KB), :], zcnb,
                              (((1,), (1,)), ((), ())),
                              preferred_element_type=jnp.float32)
        s = acc + cn_ref[pl.ds(k * _KB, _KB), :]
        minv = s[:R, :]
        mini = jnp.zeros((R, _MB), jnp.int32)
        for r in range(1, _KB // R):
            sr = s[r * R:(r + 1) * R, :]
            c = sr < minv
            minv = jnp.where(c, sr, minv)
            mini = jnp.where(c, jnp.full((R, _MB), r * R, jnp.int32), mini)
        full_idx = mini + iota_sub + k * _KB
        take = minv < bmin
        return jnp.where(take, minv, bmin), jnp.where(take, full_idx, bidx)

    init = (jnp.full((R, _MB), jnp.inf, jnp.float32),
            jnp.zeros((R, _MB), jnp.int32))
    v, ix = lax.fori_loop(0, _NE // _KB, chunk, init)
    h = R
    while h > 1:
        h //= 2
        av, bv = v[:h, :], v[h:2 * h, :]
        ai, bi = ix[:h, :], ix[h:2 * h, :]
        c = (bv < av) | ((bv == av) & (bi < ai))
        v = jnp.where(c, bv, av)
        ix = jnp.where(c, bi, ai)
    idx_ref[...] = ix[0:1, :][None]

    part = jnp.sum(zcp * zcp) + jnp.sum(v)

    @pl.when(i == 0)
    def _first():
        acc_ref[0, 0] = part

    @pl.when(i != 0)
    def _rest():
        acc_ref[0, 0] = acc_ref[0, 0] + part

    @pl.when(i == pl.num_programs(0) - 1)
    def _last():
        loss_ref[0, 0] = 3.0 * acc_ref[0, 0] / float(_M * _CD)


def _tc_dist_argmin(z2, emb, wct, bct2, wc, bc2):
    grid = _M // _MB
    return pl.pallas_call(
        _dist_argmin_body,
        grid=(grid,),
        in_specs=[
            pl.BlockSpec((_MB, _CIN), lambda i: (i, 0)),
            pl.BlockSpec((_CD, _NE), lambda i: (0, 0)),
            pl.BlockSpec((_CD, _CD), lambda i: (0, 0)),
            pl.BlockSpec((1, _CD), lambda i: (0, 0)),
            pl.BlockSpec((_CD, _CIN), lambda i: (0, 0)),
            pl.BlockSpec((1, _CD), lambda i: (0, 0)),
        ],
        out_specs=[
            pl.BlockSpec((1, 1, _MB), lambda i: (i, 0, 0)),
            pl.BlockSpec((_NE, 2 * _CD), lambda i: (0, 0)),
            pl.BlockSpec((1, 1), lambda i: (0, 0), memory_space=pltpu.SMEM),
        ],
        out_shape=[
            jax.ShapeDtypeStruct((_M // _MB, 1, _MB), jnp.int32),
            jax.ShapeDtypeStruct((_NE, 2 * _CD), jnp.float32),
            jax.ShapeDtypeStruct((1, 1), jnp.float32),
        ],
        scratch_shapes=[
            pltpu.VMEM((_NE, 1), jnp.float32),
            pltpu.VMEM((_NE, 2 * _CD), jnp.bfloat16),
            pltpu.SMEM((1, 1), jnp.float32),
        ],
    )(z2, emb, wct, bct2, wc, bc2)


def _expand_body(zq_ref, wx_ref, bx_ref, out_ref):
    out_ref[...] = _bdot(zq_ref[...], wx_ref[...]) + bx_ref[...]


_MB2 = 3072


def _tc_expand(zq, wxp, bx2):
    grid = _M // _MB2
    return pl.pallas_call(
        _expand_body,
        grid=(grid,),
        in_specs=[
            pl.BlockSpec((_MB2, 2 * _CD), lambda i: (i, 0)),
            pl.BlockSpec((2 * _CD, _CIN), lambda i: (0, 0)),
            pl.BlockSpec((1, _CIN), lambda i: (0, 0)),
        ],
        out_specs=pl.BlockSpec((_MB2, _CIN), lambda i: (i, 0)),
        out_shape=jax.ShapeDtypeStruct((_M, _CIN), jnp.float32),
    )(zq, wxp, bx2)


def _sc_gather(table, idx):
    info = plsc.get_sparse_core_info()
    nc, ns = info.num_cores, info.num_subcores
    nw = nc * ns
    bpw = _M // nw
    mesh = plsc.VectorSubcoreMesh(core_axis_name="c", subcore_axis_name="s")

    @functools.partial(
        pl.kernel, mesh=mesh,
        out_type=jax.ShapeDtypeStruct((_M, 2 * _CD), jnp.float32),
        scratch_types=[
            pltpu.VMEM((bpw,), jnp.int32),
            pltpu.VMEM((bpw // 2, 2 * _CD), jnp.float32),
            pltpu.VMEM((bpw // 2, 2 * _CD), jnp.float32),
            pltpu.SemaphoreType.DMA,
            pltpu.SemaphoreType.DMA,
        ],
    )
    def gather(table_hbm, idx_hbm, out_hbm, idx_v, rows_a, rows_b,
               sem_a, sem_b):
        wid = lax.axis_index("s") * nc + lax.axis_index("c")
        base = wid * bpw
        h = bpw // 2
        pltpu.sync_copy(idx_hbm.at[pl.ds(base, bpw)], idx_v)
        ca = pltpu.async_copy(table_hbm.at[idx_v.at[pl.ds(0, h)]],
                              rows_a, sem_a)
        cb_ = pltpu.async_copy(table_hbm.at[idx_v.at[pl.ds(h, h)]],
                               rows_b, sem_b)
        ca.wait()
        pltpu.sync_copy(rows_a, out_hbm.at[pl.ds(base, h)])
        cb_.wait()
        pltpu.sync_copy(rows_b, out_hbm.at[pl.ds(base + h, h)])

    return gather(table, idx)


def kernel(z, emb, W_ct, b_ct, W_c, b_c, W_x, b_x):
    B, T, CIN = z.shape
    z2 = z.reshape(-1, CIN)
    idx, cb, loss = _tc_dist_argmin(z2, emb.T, W_ct, b_ct.reshape(1, -1),
                                    W_c.T, b_c.reshape(1, -1))
    zq = _sc_gather(cb, idx.reshape(-1))
    wxp = jnp.concatenate([W_x, jnp.zeros_like(W_x)], axis=0)
    out2 = _tc_expand(zq, wxp, b_x.reshape(1, -1))
    return out2.reshape(B, T, CIN), loss[0, 0]

# --- scband reference (transcript-rebuilt; emitter-appended) ---
"""Pipeline reference for scband-vector-quantizer-sim-1271310319900 (READ-ONLY COPY).

The authoritative reference and input builder live on the scoring server;
editing this copy changes nothing except your own understanding.
"""

import jax, jax.numpy as jnp
import numpy as np

N_E = 8192
C_IN = 768
C_DIM = 64
B = 16
T = 576


def setup_inputs(seed: int = 0) -> dict:
    key = jax.random.key(seed)
    ks = jax.random.split(key, 8)
    z = jax.random.normal(ks[0], (B, T, C_IN), dtype=jnp.float32)
    # trunc_normal_(mean=0, std=1, a=-3, b=3) approximated by clipped normal
    emb = jnp.clip(jax.random.normal(ks[1], (N_E, C_DIM), dtype=jnp.float32), -3.0, 3.0)
    W_ct = jax.random.normal(ks[2], (C_DIM, C_DIM), dtype=jnp.float32) / np.sqrt(C_DIM)
    b_ct = jnp.zeros((C_DIM,), dtype=jnp.float32)
    W_c = jax.random.normal(ks[3], (C_IN, C_DIM), dtype=jnp.float32) / np.sqrt(C_IN)
    b_c = jnp.zeros((C_DIM,), dtype=jnp.float32)
    W_x = jax.random.normal(ks[4], (C_DIM, C_IN), dtype=jnp.float32) / np.sqrt(C_DIM)
    b_x = jnp.zeros((C_IN,), dtype=jnp.float32)
    return {"z": z, "emb": emb, "W_ct": W_ct, "b_ct": b_ct, "W_c": W_c, "b_c": b_c, "W_x": W_x, "b_x": b_x}


def reference(z, emb, W_ct, b_ct, W_c, b_c, W_x, b_x):
    sg = jax.lax.stop_gradient
    # torch uses embedding.weight.data -> detached w.r.t. embedding table
    implicit_codebook = sg(emb) @ W_ct + b_ct  # [K, d]
    zc = z @ W_c + b_c  # compress: [B, T, d]
    z_flat = zc.reshape(-1, zc.shape[-1])  # [B*T, d]
    d = (jnp.sum(z_flat ** 2, axis=1, keepdims=True)
         + jnp.sum(implicit_codebook ** 2, axis=1)
         - 2.0 * z_flat @ implicit_codebook.T)  # [B*T, K]
    indices = jnp.argmin(d, axis=1)  # [B*T]
    z_q = jnp.take(implicit_codebook, indices, axis=0)  # gather: [B*T, d]
    loss_dict = jnp.mean((sg(z_q) - z_flat) ** 2) + 2.0 * jnp.mean((z_q - sg(z_flat)) ** 2)
    # straight-through estimator
    z_q = sg(z_q) + (z_flat - sg(z_flat))
    z_q = z_q.reshape(zc.shape)
    z_q = z_q @ W_x + b_x  # expand: [B, T, C_IN]
    return (z_q, loss_dict)

if __name__ == "__main__":
    import jax
    _d = setup_inputs()
    print(jax.jit(kernel)(*tuple(_d.values())))

</pallas_src>

<mosaic_0001>
#map = affine_map<(d0, d1) -> (0, 0)>
#map1 = affine_map<(d0, d1) -> (0)>
module attributes {stable_mosaic.version = 14 : i64} {
  func.func @gather(%arg0: i32, %arg1: i32, %arg2: memref<8192x128xf32, #tpu.memory_space<hbm>>, %arg3: memref<9216xi32, #tpu.memory_space<hbm>>, %arg4: memref<9216x128xf32, #tpu.memory_space<hbm>>, %arg5: memref<288xi32, #tpu.memory_space<vmem>>, %arg6: memref<144x128xf32, #tpu.memory_space<vmem>>, %arg7: memref<144x128xf32, #tpu.memory_space<vmem>>, %arg8: memref<!tpu.dma_semaphore, #tpu.memory_space<semaphore_mem>>, %arg9: memref<!tpu.dma_semaphore, #tpu.memory_space<semaphore_mem>>) attributes {dimension_semantics = [#tpu.dimension_semantics<core_parallel>, #tpu.dimension_semantics<subcore_parallel>], iteration_bounds = array<i64: 2, 16>, scalar_prefetch = 0 : i64, scratch_operands = 5 : i64, tpu.core_type = #tpu.core_type<sc_vector_subcore>, window_params = [{transform_indices = #map}, {transform_indices = #map1}, {transform_indices = #map}]} {
    %mul3A = arith.constant 2 : i32
    %mul3A_0 = arith.muli %arg1, %mul3A : i32
    %add3A = arith.addi %mul3A_0, %arg0 : i32
    %mul3A_1 = arith.constant 288 : i32
    %mul3A_2 = arith.muli %add3A, %mul3A_1 : i32
    "tpu.region"() ({
      %run_scoped3A = tpu.sem_alloc : memref<!tpu.dma_semaphore, #tpu.memory_space<semaphore_mem>>
      %dma_start3A_23 = tpu.memref_slice %arg3[%mul3A_2] : memref<9216xi32, #tpu.memory_space<hbm>> -> memref<288xi32, #tpu.memory_space<hbm>>
      %dma_start3A_24 = tpu.memref_slice %arg3[%mul3A_2] : memref<9216xi32, #tpu.memory_space<hbm>> -> memref<288xi32, #tpu.memory_space<hbm>>
      tpu.enqueue_dma source(%dma_start3A_24 : memref<288xi32, #tpu.memory_space<hbm>>) target(%arg5 : memref<288xi32, #tpu.memory_space<vmem>>) target_semaphore(%run_scoped3A : memref<!tpu.dma_semaphore, #tpu.memory_space<semaphore_mem>>)
      %dma_wait3A_25 = tpu.memref_slice %arg3[%mul3A_2] : memref<9216xi32, #tpu.memory_space<hbm>> -> memref<288xi32, #tpu.memory_space<hbm>>
      %dma_wait3A_26 = tpu.memref_slice %arg3[%mul3A_2] : memref<9216xi32, #tpu.memory_space<hbm>> -> memref<288xi32, #tpu.memory_space<hbm>>
      tpu.wait_dma2 semaphore(%run_scoped3A : memref<!tpu.dma_semaphore, #tpu.memory_space<semaphore_mem>>) src(%dma_wait3A_26 : memref<288xi32, #tpu.memory_space<hbm>>) dst(%arg5 : memref<288xi32, #tpu.memory_space<vmem>>)
      tpu.yield
    }) : () -> ()
    %dma_start3A = arith.constant 0 : i32
    %dma_start3A_3 = tpu.memref_slice %arg5[%dma_start3A] : memref<288xi32, #tpu.memory_space<vmem>> -> memref<144xi32, #tpu.memory_space<vmem>>
    %dma_start3A_4 = arith.constant 0 : i32
    %dma_start3A_5 = arith.constant 0 : i32
    %dma_start3A_6 = tpu.memref_slice %arg2[%dma_start3A_4, %dma_start3A_5] : memref<8192x128xf32, #tpu.memory_space<hbm>> -> memref<8192x128xf32, #tpu.memory_space<hbm>>
    tpu.enqueue_indirect_dma source(%dma_start3A_6 : memref<8192x128xf32, #tpu.memory_space<hbm>>) target(%arg6 : memref<144x128xf32, #tpu.memory_space<vmem>>) offsets(%dma_start3A_3 : memref<144xi32, #tpu.memory_space<vmem>>) semaphore(%arg8 : memref<!tpu.dma_semaphore, #tpu.memory_space<semaphore_mem>>)
    %dma_start3A_7 = arith.constant 144 : i32
    %dma_start3A_8 = tpu.memref_slice %arg5[%dma_start3A_7] : memref<288xi32, #tpu.memory_space<vmem>> -> memref<144xi32, #tpu.memory_space<vmem>>
    %dma_start3A_9 = arith.constant 0 : i32
    %dma_start3A_10 = arith.constant 0 : i32
    %dma_start3A_11 = tpu.memref_slice %arg2[%dma_start3A_9, %dma_start3A_10] : memref<8192x128xf32, #tpu.memory_space<hbm>> -> memref<8192x128xf32, #tpu.memory_space<hbm>>
    tpu.enqueue_indirect_dma source(%dma_start3A_11 : memref<8192x128xf32, #tpu.memory_space<hbm>>) target(%arg7 : memref<144x128xf32, #tpu.memory_space<vmem>>) offsets(%dma_start3A_8 : memref<144xi32, #tpu.memory_space<vmem>>) semaphore(%arg9 : memref<!tpu.dma_semaphore, #tpu.memory_space<semaphore_mem>>)
    %dma_wait3A = arith.constant 0 : i32
    %dma_wait3A_12 = tpu.memref_slice %arg5[%dma_wait3A] : memref<288xi32, #tpu.memory_space<vmem>> -> memref<144xi32, #tpu.memory_space<vmem>>
    %dma_wait3A_13 = arith.constant 0 : i32
    %dma_wait3A_14 = arith.constant 0 : i32
    %dma_wait3A_15 = tpu.memref_slice %arg2[%dma_wait3A_13, %dma_wait3A_14] : memref<8192x128xf32, #tpu.memory_space<hbm>> -> memref<8192x128xf32, #tpu.memory_space<hbm>>
    tpu.wait_indirect_dma semaphore(%arg8 : memref<!tpu.dma_semaphore, #tpu.memory_space<semaphore_mem>>) src(%dma_wait3A_15 : memref<8192x128xf32, #tpu.memory_space<hbm>>) dst(%arg6 : memref<144x128xf32, #tpu.memory_space<vmem>>)
    "tpu.region"() ({
      %run_scoped3A = tpu.sem_alloc : memref<!tpu.dma_semaphore, #tpu.memory_space<semaphore_mem>>
      %dma_start3A_23 = arith.constant 0 : i32
      %dma_start3A_24 = tpu.memref_slice %arg4[%mul3A_2, %dma_start3A_23] : memref<9216x128xf32, #tpu.memory_space<hbm>> -> memref<144x128xf32, #tpu.memory_space<hbm>>
      %dma_start3A_25 = arith.constant 0 : i32
      %dma_start3A_26 = tpu.memref_slice %arg4[%mul3A_2, %dma_start3A_25] : memref<9216x128xf32, #tpu.memory_space<hbm>> -> memref<144x128xf32, #tpu.memory_space<hbm>>
      tpu.enqueue_dma source(%arg6 : memref<144x128xf32, #tpu.memory_space<vmem>>) target(%dma_start3A_26 : memref<144x128xf32, #tpu.memory_space<hbm>>) target_semaphore(%run_scoped3A : memref<!tpu.dma_semaphore, #tpu.memory_space<semaphore_mem>>)
      %dma_wait3A_27 = arith.constant 0 : i32
      %dma_wait3A_28 = tpu.memref_slice %arg4[%mul3A_2, %dma_wait3A_27] : memref<9216x128xf32, #tpu.memory_space<hbm>> -> memref<144x128xf32, #tpu.memory_space<hbm>>
      %dma_wait3A_29 = arith.constant 0 : i32
      %dma_wait3A_30 = tpu.memref_slice %arg4[%mul3A_2, %dma_wait3A_29] : memref<9216x128xf32, #tpu.memory_space<hbm>> -> memref<144x128xf32, #tpu.memory_space<hbm>>
      tpu.wait_dma2 semaphore(%run_scoped3A : memref<!tpu.dma_semaphore, #tpu.memory_space<semaphore_mem>>) src(%arg6 : memref<144x128xf32, #tpu.memory_space<vmem>>) dst(%dma_wait3A_30 : memref<144x128xf32, #tpu.memory_space<hbm>>)
      tpu.yield
    }) : () -> ()
    %dma_wait3A_16 = arith.constant 144 : i32
    %dma_wait3A_17 = tpu.memref_slice %arg5[%dma_wait3A_16] : memref<288xi32, #tpu.memory_space<vmem>> -> memref<144xi32, #tpu.memory_space<vmem>>
    %dma_wait3A_18 = arith.constant 0 : i32
    %dma_wait3A_19 = arith.constant 0 : i32
    %dma_wait3A_20 = tpu.memref_slice %arg2[%dma_wait3A_18, %dma_wait3A_19] : memref<8192x128xf32, #tpu.memory_space<hbm>> -> memref<8192x128xf32, #tpu.memory_space<hbm>>
    tpu.wait_indirect_dma semaphore(%arg9 : memref<!tpu.dma_semaphore, #tpu.memory_space<semaphore_mem>>) src(%dma_wait3A_20 : memref<8192x128xf32, #tpu.memory_space<hbm>>) dst(%arg7 : memref<144x128xf32, #tpu.memory_space<vmem>>)
    %add3A_21 = arith.constant 144 : i32
    %add3A_22 = arith.addi %mul3A_2, %add3A_21 : i32
    "tpu.region"() ({
      %run_scoped3A = tpu.sem_alloc : memref<!tpu.dma_semaphore, #tpu.memory_space<semaphore_mem>>
      %dma_start3A_23 = arith.constant 0 : i32
      %dma_start3A_24 = tpu.memref_slice %arg4[%add3A_22, %dma_start3A_23] : memref<9216x128xf32, #tpu.memory_space<hbm>> -> memref<144x128xf32, #tpu.memory_space<hbm>>
      %dma_start3A_25 = arith.constant 0 : i32
      %dma_start3A_26 = tpu.memref_slice %arg4[%add3A_22, %dma_start3A_25] : memref<9216x128xf32, #tpu.memory_space<hbm>> -> memref<144x128xf32, #tpu.memory_space<hbm>>
      tpu.enqueue_dma source(%arg7 : memref<144x128xf32, #tpu.memory_space<vmem>>) target(%dma_start3A_26 : memref<144x128xf32, #tpu.memory_space<hbm>>) target_semaphore(%run_scoped3A : memref<!tpu.dma_semaphore, #tpu.memory_space<semaphore_mem>>)
      %dma_wait3A_27 = arith.constant 0 : i32
      %dma_wait3A_28 = tpu.memref_slice %arg4[%add3A_22, %dma_wait3A_27] : memref<9216x128xf32, #tpu.memory_space<hbm>> -> memref<144x128xf32, #tpu.memory_space<hbm>>
      %dma_wait3A_29 = arith.constant 0 : i32
      %dma_wait3A_30 = tpu.memref_slice %arg4[%add3A_22, %dma_wait3A_29] : memref<9216x128xf32, #tpu.memory_space<hbm>> -> memref<144x128xf32, #tpu.memory_space<hbm>>
      tpu.wait_dma2 semaphore(%run_scoped3A : memref<!tpu.dma_semaphore, #tpu.memory_space<semaphore_mem>>) src(%arg7 : memref<144x128xf32, #tpu.memory_space<vmem>>) dst(%dma_wait3A_30 : memref<144x128xf32, #tpu.memory_space<hbm>>)
      tpu.yield
    }) : () -> ()
    return
  }
}

module attributes {stable_mosaic.version = 14 : i64} {
  func.func @_expand_body(%arg0: i32, %arg1: memref<3072x128xf32, #tpu.memory_space<vmem>>, %arg2: memref<128x768xf32, #tpu.memory_space<vmem>>, %arg3: memref<1x768xf32, #tpu.memory_space<vmem>>, %arg4: memref<3072x768xf32, #tpu.memory_space<vmem>>) attributes {dimension_semantics = [#tpu.dimension_semantics<arbitrary>], iteration_bounds = array<i64: 3>, scalar_prefetch = 0 : i64, scratch_operands = 0 : i64, tpu.core_type = #tpu.core_type<tc>, window_params = [{transform_indices = @transform_0, window_bounds = array<i64: 3072, 128>}, {pipeline_mode = #tpu.pipeline_mode<synchronous>, transform_indices = @transform_1, window_bounds = array<i64: 128, 768>}, {pipeline_mode = #tpu.pipeline_mode<synchronous>, transform_indices = @transform_2, window_bounds = array<i64: 1, 768>}, {transform_indices = @transform_3, window_bounds = array<i64: 3072, 768>}]} {
    %get3A = arith.constant 0 : index
    %get3A_0 = arith.constant 0 : index
    %get3A_1 = vector.load %arg1[%get3A, %get3A_0] : memref<3072x128xf32, #tpu.memory_space<vmem>>, vector<3072x128xf32>
    %get3A_2 = arith.constant 0 : index
    %get3A_3 = arith.constant 0 : index
    %get3A_4 = vector.load %arg2[%get3A_2, %get3A_3] : memref<128x768xf32, #tpu.memory_space<vmem>>, vector<128x768xf32>
    %convert_element_type3A = arith.truncf %get3A_1 : vector<3072x128xf32> to vector<3072x128xbf16>
    %convert_element_type3A_5 = arith.truncf %get3A_4 : vector<128x768xf32> to vector<128x768xbf16>
    %dot_general3A = arith.constant dense<0.000000e+00> : vector<3072x768xf32>
    %dot_general3A_6 = tpu.matmul %convert_element_type3A, %convert_element_type3A_5, %dot_general3A {dimension_numbers = #tpu.dot_dimension_numbers<[1], [0], [0], [1], [0, 0, 1, 1], [], []>, transpose_lhs_hint = false} : vector<3072x128xbf16>, vector<128x768xbf16>, vector<3072x768xf32> -> vector<3072x768xf32>
    %get3A_7 = arith.constant 0 : index
    %get3A_8 = arith.constant 0 : index
    %get3A_9 = vector.load %arg3[%get3A_7, %get3A_8] : memref<1x768xf32, #tpu.memory_space<vmem>>, vector<1x768xf32>
    %add3A = vector.broadcast %get3A_9 : vector<1x768xf32> to vector<3072x768xf32>
    %add3A_10 = arith.addf %dot_general3A_6, %add3A : vector<3072x768xf32>
    %swap3A = arith.constant 0 : index
    %swap3A_11 = arith.constant 0 : index
    %swap3A_12 = vector.load %arg4[%swap3A, %swap3A_11] : memref<3072x768xf32, #tpu.memory_space<vmem>>, vector<3072x768xf32>
    tpu.vector_store %arg4[%swap3A, %swap3A_11], %add3A_10 {strides = array<i32>} : memref<3072x768xf32, #tpu.memory_space<vmem>>, vector<3072x768xf32>,
    return
  }
  func.func @transform_0(%arg0: i32) -> (i32, i32) {
    %c0_i32 = arith.constant 0 : i32
    %c0_i32_0 = arith.constant 0 : i32
    return %arg0, %c0_i32 : i32, i32
  }
  func.func @transform_1(%arg0: i32) -> (i32, i32) {
    %c0_i32 = arith.constant 0 : i32
    %c0_i32_0 = arith.constant 0 : i32
    %c0_i32_1 = arith.constant 0 : i32
    return %c0_i32, %c0_i32_0 : i32, i32
  }
  func.func @transform_2(%arg0: i32) -> (i32, i32) {
    %c0_i32 = arith.constant 0 : i32
    %c0_i32_0 = arith.constant 0 : i32
    %c0_i32_1 = arith.constant 0 : i32
    return %c0_i32, %c0_i32_0 : i32, i32
  }
  func.func @transform_3(%arg0: i32) -> (i32, i32) {
    %c0_i32 = arith.constant 0 : i32
    %c0_i32_0 = arith.constant 0 : i32
    return %arg0, %c0_i32 : i32, i32
  }
}

module attributes {stable_mosaic.version = 14 : i64} {
  func.func @_dist_argmin_body(%arg0: i32, %arg1: memref<3072x768xf32, #tpu.memory_space<vmem>>, %arg2: memref<64x8192xf32, #tpu.memory_space<vmem>>, %arg3: memref<64x64xf32, #tpu.memory_space<vmem>>, %arg4: memref<1x64xf32, #tpu.memory_space<vmem>>, %arg5: memref<64x768xf32, #tpu.memory_space<vmem>>, %arg6: memref<1x64xf32, #tpu.memory_space<vmem>>, %arg7: memref<1x1x3072xi32, #tpu.memory_space<vmem>>, %arg8: memref<8192x128xf32, #tpu.memory_space<vmem>>, %arg9: memref<1x1xf32, #tpu.memory_space<smem>>, %arg10: memref<8192x1xf32, #tpu.memory_space<vmem>>, %arg11: memref<8192x128xbf16, #tpu.memory_space<vmem>>, %arg12: memref<1x1xf32, #tpu.memory_space<smem>>) attributes {dimension_semantics = [#tpu.dimension_semantics<arbitrary>], iteration_bounds = array<i64: 3>, scalar_prefetch = 0 : i64, scratch_operands = 3 : i64, tpu.core_type = #tpu.core_type<tc>, window_params = [{transform_indices = @transform_0, window_bounds = array<i64: 3072, 768>}, {pipeline_mode = #tpu.pipeline_mode<synchronous>, transform_indices = @transform_1, window_bounds = array<i64: 64, 8192>}, {pipeline_mode = #tpu.pipeline_mode<synchronous>, transform_indices = @transform_2, window_bounds = array<i64: 64, 64>}, {pipeline_mode = #tpu.pipeline_mode<synchronous>, transform_indices = @transform_3, window_bounds = array<i64: 1, 64>}, {pipeline_mode = #tpu.pipeline_mode<synchronous>, transform_indices = @transform_4, window_bounds = array<i64: 64, 768>}, {pipeline_mode = #tpu.pipeline_mode<synchronous>, transform_indices = @transform_5, window_bounds = array<i64: 1, 64>}, {transform_indices = @transform_6, window_bounds = array<i64: 1, 1, 3072>}, {pipeline_mode = #tpu.pipeline_mode<synchronous>, transform_indices = @transform_7, window_bounds = array<i64: 8192, 128>}, {transform_indices = @transform_8, window_bounds = array<i64: 1, 1>}]} {
    %eq3A = arith.constant 0 : i32
    %eq3A_0 = arith.cmpi eq, %arg0, %eq3A : i32
    %convert_element_type3A = arith.extui %eq3A_0 : i1 to i32
    %cond3A = arith.constant 0 : i32
    %cond3A_1 = arith.cmpi ne, %convert_element_type3A, %cond3A : i32
    scf.if %cond3A_1 {
      %get3A_84 = arith.constant 0 : index
      %get3A_85 = arith.constant 0 : index
      %get3A_86 = vector.load %arg2[%get3A_84, %get3A_85] : memref<64x8192xf32, #tpu.memory_space<vmem>>, vector<64x8192xf32>
      %transpose3A_87 = tpu.transpose %get3A_86, [1, 0] : vector<64x8192xf32> -> vector<8192x64xf32>
      %get3A_88 = arith.constant 0 : index
      %get3A_89 = arith.constant 0 : index
      %get3A_90 = vector.load %arg3[%get3A_88, %get3A_89] : memref<64x64xf32, #tpu.memory_space<vmem>>, vector<64x64xf32>
      %convert_element_type3A_91 = arith.truncf %transpose3A_87 : vector<8192x64xf32> to vector<8192x64xbf16>
      %convert_element_type3A_92 = arith.truncf %get3A_90 : vector<64x64xf32> to vector<64x64xbf16>
      %dot_general3A_93 = arith.constant dense<0.000000e+00> : vector<8192x64xf32>
      %dot_general3A_94 = tpu.matmul %convert_element_type3A_91, %convert_element_type3A_92, %dot_general3A_93 {dimension_numbers = #tpu.dot_dimension_numbers<[1], [0], [0], [1], [0, 0, 1, 1], [], []>, transpose_lhs_hint = false} : vector<8192x64xbf16>, vector<64x64xbf16>, vector<8192x64xf32> -> vector<8192x64xf32>
      %get3A_95 = arith.constant 0 : index
      %get3A_96 = arith.constant 0 : index
      %get3A_97 = vector.load %arg4[%get3A_95, %get3A_96] : memref<1x64xf32, #tpu.memory_space<vmem>>, vector<1x64xf32>
      %add3A_98 = vector.broadcast %get3A_97 : vector<1x64xf32> to vector<8192x64xf32>
      %add3A_99 = arith.addf %dot_general3A_94, %add3A_98 : vector<8192x64xf32>
      %broadcast_in_dim3A_100 = arith.constant 0.000000e+00 : f32
      %broadcast_in_dim3A_101 = vector.broadcast %broadcast_in_dim3A_100 : f32 to vector<8192x64xf32>
      %concatenate3A_102 = tpu.concatenate %add3A_99, %broadcast_in_dim3A_101 in 1 : vector<8192x64xf32>, vector<8192x64xf32> -> vector<8192x128xf32>
      %swap3A_103 = arith.constant 0 : index
      %swap3A_104 = arith.constant 0 : index
      %swap3A_105 = vector.load %arg8[%swap3A_103, %swap3A_104] : memref<8192x128xf32, #tpu.memory_space<vmem>>, vector<8192x128xf32>
      tpu.vector_store %arg8[%swap3A_103, %swap3A_104], %concatenate3A_102 {strides = array<i32>} : memref<8192x128xf32, #tpu.memory_space<vmem>>, vector<8192x128xf32>,
      %convert_element_type3A_106 = arith.truncf %concatenate3A_102 : vector<8192x128xf32> to vector<8192x128xbf16>
      %swap3A_107 = arith.constant 0 : index
      %swap3A_108 = arith.constant 0 : index
      %swap3A_109 = vector.load %arg11[%swap3A_107, %swap3A_108] : memref<8192x128xbf16, #tpu.memory_space<vmem>>, vector<8192x128xbf16>
      tpu.vector_store %arg11[%swap3A_107, %swap3A_108], %convert_element_type3A_106 {strides = array<i32>} : memref<8192x128xbf16, #tpu.memory_space<vmem>>, vector<8192x128xbf16>,
      %mul3A_110 = arith.mulf %add3A_99, %add3A_99 : vector<8192x64xf32>
      %reduce_sum3A_111 = arith.constant dense<0.000000e+00> : vector<8192xf32>
      %reduce_sum3A_112 = vector.multi_reduction <add>, %mul3A_110, %reduce_sum3A_111 [1] : vector<8192x64xf32> to vector<8192xf32>
      %broadcast_in_dim3A_113 = vector.shape_cast %reduce_sum3A_112 : vector<8192xf32> to vector<8192x1xf32>
      %swap3A_114 = arith.constant 0 : index
      %swap3A_115 = arith.constant 0 : index
      %swap3A_116 = vector.load %arg10[%swap3A_114, %swap3A_115] : memref<8192x1xf32, #tpu.memory_space<vmem>>, vector<8192x1xf32>
      tpu.vector_store %arg10[%swap3A_114, %swap3A_115], %broadcast_in_dim3A_113 {strides = array<i32>} : memref<8192x1xf32, #tpu.memory_space<vmem>>, vector<8192x1xf32>,
    } else {
    }
    %get3A = arith.constant 0 : index
    %get3A_2 = arith.constant 0 : index
    %get3A_3 = vector.load %arg1[%get3A, %get3A_2] : memref<3072x768xf32, #tpu.memory_space<vmem>>, vector<3072x768xf32>
    %get3A_4 = arith.constant 0 : index
    %get3A_5 = arith.constant 0 : index
    %get3A_6 = vector.load %arg5[%get3A_4, %get3A_5] : memref<64x768xf32, #tpu.memory_space<vmem>>, vector<64x768xf32>
    %transpose3A = tpu.transpose %get3A_6, [1, 0] : vector<64x768xf32> -> vector<768x64xf32>
    %convert_element_type3A_7 = arith.truncf %get3A_3 : vector<3072x768xf32> to vector<3072x768xbf16>
    %convert_element_type3A_8 = arith.truncf %transpose3A : vector<768x64xf32> to vector<768x64xbf16>
    %dot_general3A = arith.constant dense<0.000000e+00> : vector<3072x64xf32>
    %dot_general3A_9 = tpu.matmul %convert_element_type3A_7, %convert_element_type3A_8, %dot_general3A {dimension_numbers = #tpu.dot_dimension_numbers<[1], [0], [0], [1], [0, 0, 1, 1], [], []>, transpose_lhs_hint = false} : vector<3072x768xbf16>, vector<768x64xbf16>, vector<3072x64xf32> -> vector<3072x64xf32>
    %get3A_10 = arith.constant 0 : index
    %get3A_11 = arith.constant 0 : index
    %get3A_12 = vector.load %arg6[%get3A_10, %get3A_11] : memref<1x64xf32, #tpu.memory_space<vmem>>, vector<1x64xf32>
    %add3A = vector.broadcast %get3A_12 : vector<1x64xf32> to vector<3072x64xf32>
    %add3A_13 = arith.addf %dot_general3A_9, %add3A : vector<3072x64xf32>
    %broadcast_in_dim3A = arith.constant 0.000000e+00 : f32
    %broadcast_in_dim3A_14 = vector.broadcast %broadcast_in_dim3A : f32 to vector<3072x64xf32>
    %concatenate3A = tpu.concatenate %add3A_13, %broadcast_in_dim3A_14 in 1 : vector<3072x64xf32>, vector<3072x64xf32> -> vector<3072x128xf32>
    %mul3A = arith.constant -2.000000e+00 : f32
    %mul3A_15 = vector.broadcast %mul3A : f32 to vector<3072x128xf32>
    %mul3A_16 = arith.mulf %mul3A_15, %concatenate3A : vector<3072x128xf32>
    %convert_element_type3A_17 = arith.truncf %mul3A_16 : vector<3072x128xf32> to vector<3072x128xbf16>
    %iota3A = tpu.iota {dimensions = array<i32: 0>} : vector<8x3072xi32>
    %broadcast_in_dim3A_18 = arith.constant 0x7F800000 : f32
    %broadcast_in_dim3A_19 = vector.broadcast %broadcast_in_dim3A_18 : f32 to vector<8x3072xf32>
    %broadcast_in_dim3A_20 = arith.constant 0 : i32
    %broadcast_in_dim3A_21 = vector.broadcast %broadcast_in_dim3A_20 : i32 to vector<8x3072xi32>
    %scan3A = arith.constant 0 : i32
    %scan3A_22 = arith.constant 4 : i32
    %scan3A_23 = arith.addi %scan3A, %scan3A_22 : i32
    %scan3A_24 = arith.constant 1 : i32
    %scan3A_25:2 = scf.for %scan3A_84 = %scan3A to %scan3A_23 step %scan3A_24 iter_args(%scan3A_85 = %broadcast_in_dim3A_19, %scan3A_86 = %broadcast_in_dim3A_21) -> (vector<8x3072xf32>, vector<8x3072xi32>)  : i32 {
      %mul3A_87 = arith.constant 2048 : i32
      %mul3A_88 = arith.muli %scan3A_84, %mul3A_87 : i32
      %get3A_89 = arith.index_cast %mul3A_88 : i32 to index
      %get3A_90 = arith.constant 0 : index
      %get3A_91 = vector.load %arg11[%get3A_89, %get3A_90] : memref<8192x128xbf16, #tpu.memory_space<vmem>>, vector<2048x128xbf16>
      %dot_general3A_92 = arith.constant dense<0.000000e+00> : vector<2048x3072xf32>
      %dot_general3A_93 = tpu.matmul %get3A_91, %convert_element_type3A_17, %dot_general3A_92 {dimension_numbers = #tpu.dot_dimension_numbers<[1], [1], [0], [0], [0, 0, 1, 0], [], []>, transpose_lhs_hint = false} : vector<2048x128xbf16>, vector<3072x128xbf16>, vector<2048x3072xf32> -> vector<2048x3072xf32>
      %mul3A_94 = arith.constant 2048 : i32
      %mul3A_95 = arith.muli %scan3A_84, %mul3A_94 : i32
      %get3A_96 = arith.index_cast %mul3A_95 : i32 to index
      %get3A_97 = arith.constant 0 : index
      %get3A_98 = vector.load %arg10[%get3A_96, %get3A_97] : memref<8192x1xf32, #tpu.memory_space<vmem>>, vector<2048x1xf32>
      %add3A_99 = vector.broadcast %get3A_98 : vector<2048x1xf32> to vector<2048x3072xf32>
      %add3A_100 = arith.addf %dot_general3A_93, %add3A_99 : vector<2048x3072xf32>
      %slice3A_101 = vector.extract_strided_slice %add3A_100 {offsets = [0, 0], sizes = [8, 3072], strides = [1, 1]} : vector<2048x3072xf32> to vector<8x3072xf32>
      %broadcast_in_dim3A_102 = arith.constant 0 : i32
      %broadcast_in_dim3A_103 = vector.broadcast %broadcast_in_dim3A_102 : i32 to vector<8x3072xi32>
      %slice3A_104 = vector.extract_strided_slice %add3A_100 {offsets = [8, 0], sizes = [8, 3072], strides = [1, 1]} : vector<2048x3072xf32> to vector<8x3072xf32>
      %lt3A_105 = arith.cmpf olt, %slice3A_104, %slice3A_101 : vector<8x3072xf32>
      %select_n3A_106 = arith.select %lt3A_105, %slice3A_104, %slice3A_101 : vector<8x3072xi1>, vector<8x3072xf32>
      %broadcast_in_dim3A_107 = arith.constant 8 : i32
      %broadcast_in_dim3A_108 = vector.broadcast %broadcast_in_dim3A_107 : i32 to vector<8x3072xi32>
      %select_n3A_109 = arith.select %lt3A_105, %broadcast_in_dim3A_108, %broadcast_in_dim3A_103 : vector<8x3072xi1>, vector<8x3072xi32>
      %slice3A_110 = vector.extract_strided_slice %add3A_100 {offsets = [16, 0], sizes = [8, 3072], strides = [1, 1]} : vector<2048x3072xf32> to vector<8x3072xf32>
      %lt3A_111 = arith.cmpf olt, %slice3A_110, %select_n3A_106 : vector<8x3072xf32>
      %select_n3A_112 = arith.select %lt3A_111, %slice3A_110, %select_n3A_106 : vector<8x3072xi1>, vector<8x3072xf32>
      %broadcast_in_dim3A_113 = arith.constant 16 : i32
      %broadcast_in_dim3A_114 = vector.broadcast %broadcast_in_dim3A_113 : i32 to vector<8x3072xi32>
      %select_n3A_115 = arith.select %lt3A_111, %broadcast_in_dim3A_114, %select_n3A_109 : vector<8x3072xi1>, vector<8x3072xi32>
      %slice3A_116 = vector.extract_strided_slice %add3A_100 {offsets = [24, 0], sizes = [8, 3072], strides = [1, 1]} : vector<2048x3072xf32> to vector<8x3072xf32>
      %lt3A_117 = arith.cmpf olt, %slice3A_116, %select_n3A_112 : vector<8x3072xf32>
      %select_n3A_118 = arith.select %lt3A_117, %slice3A_116, %select_n3A_112 : vector<8x3072xi1>, vector<8x3072xf32>
      %broadcast_in_dim3A_119 = arith.constant 24 : i32
      %broadcast_in_dim3A_120 = vector.broadcast %broadcast_in_dim3A_119 : i32 to vector<8x3072xi32>
      %select_n3A_121 = arith.select %lt3A_117, %broadcast_in_dim3A_120, %select_n3A_115 : vector<8x3072xi1>, vector<8x3072xi32>
      %slice3A_122 = vector.extract_strided_slice %add3A_100 {offsets = [32, 0], sizes = [8, 3072], strides = [1, 1]} : vector<2048x3072xf32> to vector<8x3072xf32>
      %lt3A_123 = arith.cmpf olt, %slice3A_122, %select_n3A_118 : vector<8x3072xf32>
      %select_n3A_124 = arith.select %lt3A_123, %slice3A_122, %select_n3A_118 : vector<8x3072xi1>, vector<8x3072xf32>
      %broadcast_in_dim3A_125 = arith.constant 32 : i32
      %broadcast_in_dim3A_126 = vector.broadcast %broadcast_in_dim3A_125 : i32 to vector<8x3072xi32>
      %select_n3A_127 = arith.select %lt3A_123, %broadcast_in_dim3A_126, %select_n3A_121 : vector<8x3072xi1>, vector<8x3072xi32>
      %slice3A_128 = vector.extract_strided_slice %add3A_100 {offsets = [40, 0], sizes = [8, 3072], strides = [1, 1]} : vector<2048x3072xf32> to vector<8x3072xf32>
      %lt3A_129 = arith.cmpf olt, %slice3A_128, %select_n3A_124 : vector<8x3072xf32>
      %select_n3A_130 = arith.select %lt3A_129, %slice3A_128, %select_n3A_124 : vector<8x3072xi1>, vector<8x3072xf32>
      %broadcast_in_dim3A_131 = arith.constant 40 : i32
      %broadcast_in_dim3A_132 = vector.broadcast %broadcast_in_dim3A_131 : i32 to vector<8x3072xi32>
      %select_n3A_133 = arith.select %lt3A_129, %broadcast_in_dim3A_132, %select_n3A_127 : vector<8x3072xi1>, vector<8x3072xi32>
      %slice3A_134 = vector.extract_strided_slice %add3A_100 {offsets = [48, 0], sizes = [8, 3072], strides = [1, 1]} : vector<2048x3072xf32> to vector<8x3072xf32>
      %lt3A_135 = arith.cmpf olt, %slice3A_134, %select_n3A_130 : vector<8x3072xf32>
      %select_n3A_136 = arith.select %lt3A_135, %slice3A_134, %select_n3A_130 : vector<8x3072xi1>, vector<8x3072xf32>
      %broadcast_in_dim3A_137 = arith.constant 48 : i32
      %broadcast_in_dim3A_138 = vector.broadcast %broadcast_in_dim3A_137 : i32 to vector<8x3072xi32>
      %select_n3A_139 = arith.select %lt3A_135, %broadcast_in_dim3A_138, %select_n3A_133 : vector<8x3072xi1>, vector<8x3072xi32>
      %slice3A_140 = vector.extract_strided_slice %add3A_100 {offsets = [56, 0], sizes = [8, 3072], strides = [1, 1]} : vector<2048x3072xf32> to vector<8x3072xf32>
      %lt3A_141 = arith.cmpf olt, %slice3A_140, %select_n3A_136 : vector<8x3072xf32>
      %select_n3A_142 = arith.select %lt3A_141, %slice3A_140, %select_n3A_136 : vector<8x3072xi1>, vector<8x3072xf32>
      %broadcast_in_dim3A_143 = arith.constant 56 : i32
      %broadcast_in_dim3A_144 = vector.broadcast %broadcast_in_dim3A_143 : i32 to vector<8x3072xi32>
      %select_n3A_145 = arith.select %lt3A_141, %broadcast_in_dim3A_144, %select_n3A_139 : vector<8x3072xi1>, vector<8x3072xi32>
      %slice3A_146 = vector.extract_strided_slice %add3A_100 {offsets = [64, 0], sizes = [8, 3072], strides = [1, 1]} : vector<2048x3072xf32> to vector<8x3072xf32>
      %lt3A_147 = arith.cmpf olt, %slice3A_146, %select_n3A_142 : vector<8x3072xf32>
      %select_n3A_148 = arith.select %lt3A_147, %slice3A_146, %select_n3A_142 : vector<8x3072xi1>, vector<8x3072xf32>
      %broadcast_in_dim3A_149 = arith.constant 64 : i32
      %broadcast_in_dim3A_150 = vector.broadcast %broadcast_in_dim3A_149 : i32 to vector<8x3072xi32>
      %select_n3A_151 = arith.select %lt3A_147, %broadcast_in_dim3A_150, %select_n3A_145 : vector<8x3072xi1>, vector<8x3072xi32>
      %slice3A_152 = vector.extract_strided_slice %add3A_100 {offsets = [72, 0], sizes = [8, 3072], strides = [1, 1]} : vector<2048x3072xf32> to vector<8x3072xf32>
      %lt3A_153 = arith.cmpf olt, %slice3A_152, %select_n3A_148 : vector<8x3072xf32>
      %select_n3A_154 = arith.select %lt3A_153, %slice3A_152, %select_n3A_148 : vector<8x3072xi1>, vector<8x3072xf32>
      %broadcast_in_dim3A_155 = arith.constant 72 : i32
      %broadcast_in_dim3A_156 = vector.broadcast %broadcast_in_dim3A_155 : i32 to vector<8x3072xi32>
      %select_n3A_157 = arith.select %lt3A_153, %broadcast_in_dim3A_156, %select_n3A_151 : vector<8x3072xi1>, vector<8x3072xi32>
      %slice3A_158 = vector.extract_strided_slice %add3A_100 {offsets = [80, 0], sizes = [8, 3072], strides = [1, 1]} : vector<2048x3072xf32> to vector<8x3072xf32>
      %lt3A_159 = arith.cmpf olt, %slice3A_158, %select_n3A_154 : vector<8x3072xf32>
      %select_n3A_160 = arith.select %lt3A_159, %slice3A_158, %select_n3A_154 : vector<8x3072xi1>, vector<8x3072xf32>
      %broadcast_in_dim3A_161 = arith.constant 80 : i32
      %broadcast_in_dim3A_162 = vector.broadcast %broadcast_in_dim3A_161 : i32 to vector<8x3072xi32>
      %select_n3A_163 = arith.select %lt3A_159, %broadcast_in_dim3A_162, %select_n3A_157 : vector<8x3072xi1>, vector<8x3072xi32>
      %slice3A_164 = vector.extract_strided_slice %add3A_100 {offsets = [88, 0], sizes = [8, 3072], strides = [1, 1]} : vector<2048x3072xf32> to vector<8x3072xf32>
      %lt3A_165 = arith.cmpf olt, %slice3A_164, %select_n3A_160 : vector<8x3072xf32>
      %select_n3A_166 = arith.select %lt3A_165, %slice3A_164, %select_n3A_160 : vector<8x3072xi1>, vector<8x3072xf32>
      %broadcast_in_dim3A_167 = arith.constant 88 : i32
      %broadcast_in_dim3A_168 = vector.broadcast %broadcast_in_dim3A_167 : i32 to vector<8x3072xi32>
      %select_n3A_169 = arith.select %lt3A_165, %broadcast_in_dim3A_168, %select_n3A_163 : vector<8x3072xi1>, vector<8x3072xi32>
      %slice3A_170 = vector.extract_strided_slice %add3A_100 {offsets = [96, 0], sizes = [8, 3072], strides = [1, 1]} : vector<2048x3072xf32> to vector<8x3072xf32>
      %lt3A_171 = arith.cmpf olt, %slice3A_170, %select_n3A_166 : vector<8x3072xf32>
      %select_n3A_172 = arith.select %lt3A_171, %slice3A_170, %select_n3A_166 : vector<8x3072xi1>, vector<8x3072xf32>
      %broadcast_in_dim3A_173 = arith.constant 96 : i32
      %broadcast_in_dim3A_174 = vector.broadcast %broadcast_in_dim3A_173 : i32 to vector<8x3072xi32>
      %select_n3A_175 = arith.select %lt3A_171, %broadcast_in_dim3A_174, %select_n3A_169 : vector<8x3072xi1>, vector<8x3072xi32>
      %slice3A_176 = vector.extract_strided_slice %add3A_100 {offsets = [104, 0], sizes = [8, 3072], strides = [1, 1]} : vector<2048x3072xf32> to vector<8x3072xf32>
      %lt3A_177 = arith.cmpf olt, %slice3A_176, %select_n3A_172 : vector<8x3072xf32>
      %select_n3A_178 = arith.select %lt3A_177, %slice3A_176, %select_n3A_172 : vector<8x3072xi1>, vector<8x3072xf32>
      %broadcast_in_dim3A_179 = arith.constant 104 : i32
      %broadcast_in_dim3A_180 = vector.broadcast %broadcast_in_dim3A_179 : i32 to vector<8x3072xi32>
      %select_n3A_181 = arith.select %lt3A_177, %broadcast_in_dim3A_180, %select_n3A_175 : vector<8x3072xi1>, vector<8x3072xi32>
      %slice3A_182 = vector.extract_strided_slice %add3A_100 {offsets = [112, 0], sizes = [8, 3072], strides = [1, 1]} : vector<2048x3072xf32> to vector<8x3072xf32>
      %lt3A_183 = arith.cmpf olt, %slice3A_182, %select_n3A_178 : vector<8x3072xf32>
      %select_n3A_184 = arith.select %lt3A_183, %slice3A_182, %select_n3A_178 : vector<8x3072xi1>, vector<8x3072xf32>
      %broadcast_in_dim3A_185 = arith.constant 112 : i32
      %broadcast_in_dim3A_186 = vector.broadcast %broadcast_in_dim3A_185 : i32 to vector<8x3072xi32>
      %select_n3A_187 = arith.select %lt3A_183, %broadcast_in_dim3A_186, %select_n3A_181 : vector<8x3072xi1>, vector<8x3072xi32>
      %slice3A_188 = vector.extract_strided_slice %add3A_100 {offsets = [120, 0], sizes = [8, 3072], strides = [1, 1]} : vector<2048x3072xf32> to vector<8x3072xf32>
      %lt3A_189 = arith.cmpf olt, %slice3A_188, %select_n3A_184 : vector<8x3072xf32>
      %select_n3A_190 = arith.select %lt3A_189, %slice3A_188, %select_n3A_184 : vector<8x3072xi1>, vector<8x3072xf32>
      %broadcast_in_dim3A_191 = arith.constant 120 : i32
      %broadcast_in_dim3A_192 = vector.broadcast %broadcast_in_dim3A_191 : i32 to vector<8x3072xi32>
      %select_n3A_193 = arith.select %lt3A_189, %broadcast_in_dim3A_192, %select_n3A_187 : vector<8x3072xi1>, vector<8x3072xi32>
      %slice3A_194 = vector.extract_strided_slice %add3A_100 {offsets = [128, 0], sizes = [8, 3072], strides = [1, 1]} : vector<2048x3072xf32> to vector<8x3072xf32>
      %lt3A_195 = arith.cmpf olt, %slice3A_194, %select_n3A_190 : vector<8x3072xf32>
      %select_n3A_196 = arith.select %lt3A_195, %slice3A_194, %select_n3A_190 : vector<8x3072xi1>, vector<8x3072xf32>
      %broadcast_in_dim3A_197 = arith.constant 128 : i32
      %broadcast_in_dim3A_198 = vector.broadcast %broadcast_in_dim3A_197 : i32 to vector<8x3072xi32>
      %select_n3A_199 = arith.select %lt3A_195, %broadcast_in_dim3A_198, %select_n3A_193 : vector<8x3072xi1>, vector<8x3072xi32>
      %slice3A_200 = vector.extract_strided_slice %add3A_100 {offsets = [136, 0], sizes = [8, 3072], strides = [1, 1]} : vector<2048x3072xf32> to vector<8x3072xf32>
      %lt3A_201 = arith.cmpf olt, %slice3A_200, %select_n3A_196 : vector<8x3072xf32>
      %select_n3A_202 = arith.select %lt3A_201, %slice3A_200, %select_n3A_196 : vector<8x3072xi1>, vector<8x3072xf32>
      %broadcast_in_dim3A_203 = arith.constant 136 : i32
      %broadcast_in_dim3A_204 = vector.broadcast %broadcast_in_dim3A_203 : i32 to vector<8x3072xi32>
      %select_n3A_205 = arith.select %lt3A_201, %broadcast_in_dim3A_204, %select_n3A_199 : vector<8x3072xi1>, vector<8x3072xi32>
      %slice3A_206 = vector.extract_strided_slice %add3A_100 {offsets = [144, 0], sizes = [8, 3072], strides = [1, 1]} : vector<2048x3072xf32> to vector<8x3072xf32>
      %lt3A_207 = arith.cmpf olt, %slice3A_206, %select_n3A_202 : vector<8x3072xf32>
      %select_n3A_208 = arith.select %lt3A_207, %slice3A_206, %select_n3A_202 : vector<8x3072xi1>, vector<8x3072xf32>
      %broadcast_in_dim3A_209 = arith.constant 144 : i32
      %broadcast_in_dim3A_210 = vector.broadcast %broadcast_in_dim3A_209 : i32 to vector<8x3072xi32>
      %select_n3A_211 = arith.select %lt3A_207, %broadcast_in_dim3A_210, %select_n3A_205 : vector<8x3072xi1>, vector<8x3072xi32>
      %slice3A_212 = vector.extract_strided_slice %add3A_100 {offsets = [152, 0], sizes = [8, 3072], strides = [1, 1]} : vector<2048x3072xf32> to vector<8x3072xf32>
      %lt3A_213 = arith.cmpf olt, %slice3A_212, %select_n3A_208 : vector<8x3072xf32>
      %select_n3A_214 = arith.select %lt3A_213, %slice3A_212, %select_n3A_208 : vector<8x3072xi1>, vector<8x3072xf32>
      %broadcast_in_dim3A_215 = arith.constant 152 : i32
      %broadcast_in_dim3A_216 = vector.broadcast %broadcast_in_dim3A_215 : i32 to vector<8x3072xi32>
      %select_n3A_217 = arith.select %lt3A_213, %broadcast_in_dim3A_216, %select_n3A_211 : vector<8x3072xi1>, vector<8x3072xi32>
      %slice3A_218 = vector.extract_strided_slice %add3A_100 {offsets = [160, 0], sizes = [8, 3072], strides = [1, 1]} : vector<2048x3072xf32> to vector<8x3072xf32>
      %lt3A_219 = arith.cmpf olt, %slice3A_218, %select_n3A_214 : vector<8x3072xf32>
      %select_n3A_220 = arith.select %lt3A_219, %slice3A_218, %select_n3A_214 : vector<8x3072xi1>, vector<8x3072xf32>
      %broadcast_in_dim3A_221 = arith.constant 160 : i32
      %broadcast_in_dim3A_222 = vector.broadcast %broadcast_in_dim3A_221 : i32 to vector<8x3072xi32>
      %select_n3A_223 = arith.select %lt3A_219, %broadcast_in_dim3A_222, %select_n3A_217 : vector<8x3072xi1>, vector<8x3072xi32>
      %slice3A_224 = vector.extract_strided_slice %add3A_100 {offsets = [168, 0], sizes = [8, 3072], strides = [1, 1]} : vector<2048x3072xf32> to vector<8x3072xf32>
      %lt3A_225 = arith.cmpf olt, %slice3A_224, %select_n3A_220 : vector<8x3072xf32>
      %select_n3A_226 = arith.select %lt3A_225, %slice3A_224, %select_n3A_220 : vector<8x3072xi1>, vector<8x3072xf32>
      %broadcast_in_dim3A_227 = arith.constant 168 : i32
      %broadcast_in_dim3A_228 = vector.broadcast %broadcast_in_dim3A_227 : i32 to vector<8x3072xi32>
      %select_n3A_229 = arith.select %lt3A_225, %broadcast_in_dim3A_228, %select_n3A_223 : vector<8x3072xi1>, vector<8x3072xi32>
      %slice3A_230 = vector.extract_strided_slice %add3A_100 {offsets = [176, 0], sizes = [8, 3072], strides = [1, 1]} : vector<2048x3072xf32> to vector<8x3072xf32>
      %lt3A_231 = arith.cmpf olt, %slice3A_230, %select_n3A_226 : vector<8x3072xf32>
      %select_n3A_232 = arith.select %lt3A_231, %slice3A_230, %select_n3A_226 : vector<8x3072xi1>, vector<8x3072xf32>
      %broadcast_in_dim3A_233 = arith.constant 176 : i32
      %broadcast_in_dim3A_234 = vector.broadcast %broadcast_in_dim3A_233 : i32 to vector<8x3072xi32>
      %select_n3A_235 = arith.select %lt3A_231, %broadcast_in_dim3A_234, %select_n3A_229 : vector<8x3072xi1>, vector<8x3072xi32>
      %slice3A_236 = vector.extract_strided_slice %add3A_100 {offsets = [184, 0], sizes = [8, 3072], strides = [1, 1]} : vector<2048x3072xf32> to vector<8x3072xf32>
      %lt3A_237 = arith.cmpf olt, %slice3A_236, %select_n3A_232 : vector<8x3072xf32>
      %select_n3A_238 = arith.select %lt3A_237, %slice3A_236, %select_n3A_232 : vector<8x3072xi1>, vector<8x3072xf32>
      %broadcast_in_dim3A_239 = arith.constant 184 : i32
      %broadcast_in_dim3A_240 = vector.broadcast %broadcast_in_dim3A_239 : i32 to vector<8x3072xi32>
      %select_n3A_241 = arith.select %lt3A_237, %broadcast_in_dim3A_240, %select_n3A_235 : vector<8x3072xi1>, vector<8x3072xi32>
      %slice3A_242 = vector.extract_strided_slice %add3A_100 {offsets = [192, 0], sizes = [8, 3072], strides = [1, 1]} : vector<2048x3072xf32> to vector<8x3072xf32>
      %lt3A_243 = arith.cmpf olt, %slice3A_242, %select_n3A_238 : vector<8x3072xf32>
      %select_n3A_244 = arith.select %lt3A_243, %slice3A_242, %select_n3A_238 : vector<8x3072xi1>, vector<8x3072xf32>
      %broadcast_in_dim3A_245 = arith.constant 192 : i32
      %broadcast_in_dim3A_246 = vector.broadcast %broadcast_in_dim3A_245 : i32 to vector<8x3072xi32>
      %select_n3A_247 = arith.select %lt3A_243, %broadcast_in_dim3A_246, %select_n3A_241 : vector<8x3072xi1>, vector<8x3072xi32>
      %slice3A_248 = vector.extract_strided_slice %add3A_100 {offsets = [200, 0], sizes = [8, 3072], strides = [1, 1]} : vector<2048x3072xf32> to vector<8x3072xf32>
      %lt3A_249 = arith.cmpf olt, %slice3A_248, %select_n3A_244 : vector<8x3072xf32>
      %select_n3A_250 = arith.select %lt3A_249, %slice3A_248, %select_n3A_244 : vector<8x3072xi1>, vector<8x3072xf32>
      %broadcast_in_dim3A_251 = arith.constant 200 : i32
      %broadcast_in_dim3A_252 = vector.broadcast %broadcast_in_dim3A_251 : i32 to vector<8x3072xi32>
      %select_n3A_253 = arith.select %lt3A_249, %broadcast_in_dim3A_252, %select_n3A_247 : vector<8x3072xi1>, vector<8x3072xi32>
      %slice3A_254 = vector.extract_strided_slice %add3A_100 {offsets = [208, 0], sizes = [8, 3072], strides = [1, 1]} : vector<2048x3072xf32> to vector<8x3072xf32>
      %lt3A_255 = arith.cmpf olt, %slice3A_254, %select_n3A_250 : vector<8x3072xf32>
      %select_n3A_256 = arith.select %lt3A_255, %slice3A_254, %select_n3A_250 : vector<8x3072xi1>, vector<8x3072xf32>
      %broadcast_in_dim3A_257 = arith.constant 208 : i32
      %broadcast_in_dim3A_258 = vector.broadcast %broadcast_in_dim3A_257 : i32 to vector<8x3072xi32>
      %select_n3A_259 = arith.select %lt3A_255, %broadcast_in_dim3A_258, %select_n3A_253 : vector<8x3072xi1>, vector<8x3072xi32>
      %slice3A_260 = vector.extract_strided_slice %add3A_100 {offsets = [216, 0], sizes = [8, 3072], strides = [1, 1]} : vector<2048x3072xf32> to vector<8x3072xf32>
      %lt3A_261 = arith.cmpf olt, %slice3A_260, %select_n3A_256 : vector<8x3072xf32>
      %select_n3A_262 = arith.select %lt3A_261, %slice3A_260, %select_n3A_256 : vector<8x3072xi1>, vector<8x3072xf32>
      %broadcast_in_dim3A_263 = arith.constant 216 : i32
      %broadcast_in_dim3A_264 = vector.broadcast %broadcast_in_dim3A_263 : i32 to vector<8x3072xi32>
      %select_n3A_265 = arith.select %lt3A_261, %broadcast_in_dim3A_264, %select_n3A_259 : vector<8x3072xi1>, vector<8x3072xi32>
      %slice3A_266 = vector.extract_strided_slice %add3A_100 {offsets = [224, 0], sizes = [8, 3072], strides = [1, 1]} : vector<2048x3072xf32> to vector<8x3072xf32>
      %lt3A_267 = arith.cmpf olt, %slice3A_266, %select_n3A_262 : vector<8x3072xf32>
      %select_n3A_268 = arith.select %lt3A_267, %slice3A_266, %select_n3A_262 : vector<8x3072xi1>, vector<8x3072xf32>
      %broadcast_in_dim3A_269 = arith.constant 224 : i32
      %broadcast_in_dim3A_270 = vector.broadcast %broadcast_in_dim3A_269 : i32 to vector<8x3072xi32>
      %select_n3A_271 = arith.select %lt3A_267, %broadcast_in_dim3A_270, %select_n3A_265 : vector<8x3072xi1>, vector<8x3072xi32>
      %slice3A_272 = vector.extract_strided_slice %add3A_100 {offsets = [232, 0], sizes = [8, 3072], strides = [1, 1]} : vector<2048x3072xf32> to vector<8x3072xf32>
      %lt3A_273 = arith.cmpf olt, %slice3A_272, %select_n3A_268 : vector<8x3072xf32>
      %select_n3A_274 = arith.select %lt3A_273, %slice3A_272, %select_n3A_268 : vector<8x3072xi1>, vector<8x3072xf32>
      %broadcast_in_dim3A_275 = arith.constant 232 : i32
      %broadcast_in_dim3A_276 = vector.broadcast %broadcast_in_dim3A_275 : i32 to vector<8x3072xi32>
      %select_n3A_277 = arith.select %lt3A_273, %broadcast_in_dim3A_276, %select_n3A_271 : vector<8x3072xi1>, vector<8x3072xi32>
      %slice3A_278 = vector.extract_strided_slice %add3A_100 {offsets = [240, 0], sizes = [8, 3072], strides = [1, 1]} : vector<2048x3072xf32> to vector<8x3072xf32>
      %lt3A_279 = arith.cmpf olt, %slice3A_278, %select_n3A_274 : vector<8x3072xf32>
      %select_n3A_280 = arith.select %lt3A_279, %slice3A_278, %select_n3A_274 : vector<8x3072xi1>, vector<8x3072xf32>
      %broadcast_in_dim3A_281 = arith.constant 240 : i32
      %broadcast_in_dim3A_282 = vector.broadcast %broadcast_in_dim3A_281 : i32 to vector<8x3072xi32>
      %select_n3A_283 = arith.select %lt3A_279, %broadcast_in_dim3A_282, %select_n3A_277 : vector<8x3072xi1>, vector<8x3072xi32>
      %slice3A_284 = vector.extract_strided_slice %add3A_100 {offsets = [248, 0], sizes = [8, 3072], strides = [1, 1]} : vector<2048x3072xf32> to vector<8x3072xf32>
      %lt3A_285 = arith.cmpf olt, %slice3A_284, %select_n3A_280 : vector<8x3072xf32>
      %select_n3A_286 = arith.select %lt3A_285, %slice3A_284, %select_n3A_280 : vector<8x3072xi1>, vector<8x3072xf32>
      %broadcast_in_dim3A_287 = arith.constant 248 : i32
      %broadcast_in_dim3A_288 = vector.broadcast %broadcast_in_dim3A_287 : i32 to vector<8x3072xi32>
      %select_n3A_289 = arith.select %lt3A_285, %broadcast_in_dim3A_288, %select_n3A_283 : vector<8x3072xi1>, vector<8x3072xi32>
      %slice3A_290 = vector.extract_strided_slice %add3A_100 {offsets = [256, 0], sizes = [8, 3072], strides = [1, 1]} : vector<2048x3072xf32> to vector<8x3072xf32>
      %lt3A_291 = arith.cmpf olt, %slice3A_290, %select_n3A_286 : vector<8x3072xf32>
      %select_n3A_292 = arith.select %lt3A_291, %slice3A_290, %select_n3A_286 : vector<8x3072xi1>, vector<8x3072xf32>
      %broadcast_in_dim3A_293 = arith.constant 256 : i32
      %broadcast_in_dim3A_294 = vector.broadcast %broadcast_in_dim3A_293 : i32 to vector<8x3072xi32>
      %select_n3A_295 = arith.select %lt3A_291, %broadcast_in_dim3A_294, %select_n3A_289 : vector<8x3072xi1>, vector<8x3072xi32>
      %slice3A_296 = vector.extract_strided_slice %add3A_100 {offsets = [264, 0], sizes = [8, 3072], strides = [1, 1]} : vector<2048x3072xf32> to vector<8x3072xf32>
      %lt3A_297 = arith.cmpf olt, %slice3A_296, %select_n3A_292 : vector<8x3072xf32>
      %select_n3A_298 = arith.select %lt3A_297, %slice3A_296, %select_n3A_292 : vector<8x3072xi1>, vector<8x3072xf32>
      %broadcast_in_dim3A_299 = arith.constant 264 : i32
      %broadcast_in_dim3A_300 = vector.broadcast %broadcast_in_dim3A_299 : i32 to vector<8x3072xi32>
      %select_n3A_301 = arith.select %lt3A_297, %broadcast_in_dim3A_300, %select_n3A_295 : vector<8x3072xi1>, vector<8x3072xi32>
      %slice3A_302 = vector.extract_strided_slice %add3A_100 {offsets = [272, 0], sizes = [8, 3072], strides = [1, 1]} : vector<2048x3072xf32> to vector<8x3072xf32>
      %lt3A_303 = arith.cmpf olt, %slice3A_302, %select_n3A_298 : vector<8x3072xf32>
      %select_n3A_304 = arith.select %lt3A_303, %slice3A_302, %select_n3A_298 : vector<8x3072xi1>, vector<8x3072xf32>
      %broadcast_in_dim3A_305 = arith.constant 272 : i32
      %broadcast_in_dim3A_306 = vector.broadcast %broadcast_in_dim3A_305 : i32 to vector<8x3072xi32>
      %select_n3A_307 = arith.select %lt3A_303, %broadcast_in_dim3A_306, %select_n3A_301 : vector<8x3072xi1>, vector<8x3072xi32>
      %slice3A_308 = vector.extract_strided_slice %add3A_100 {offsets = [280, 0], sizes = [8, 3072], strides = [1, 1]} : vector<2048x3072xf32> to vector<8x3072xf32>
      %lt3A_309 = arith.cmpf olt, %slice3A_308, %select_n3A_304 : vector<8x3072xf32>
      %select_n3A_310 = arith.select %lt3A_309, %slice3A_308, %select_n3A_304 : vector<8x3072xi1>, vector<8x3072xf32>
      %broadcast_in_dim3A_311 = arith.constant 280 : i32
      %broadcast_in_dim3A_312 = vector.broadcast %broadcast_in_dim3A_311 : i32 to vector<8x3072xi32>
      %select_n3A_313 = arith.select %lt3A_309, %broadcast_in_dim3A_312, %select_n3A_307 : vector<8x3072xi1>, vector<8x3072xi32>
      %slice3A_314 = vector.extract_strided_slice %add3A_100 {offsets = [288, 0], sizes = [8, 3072], strides = [1, 1]} : vector<2048x3072xf32> to vector<8x3072xf32>
      %lt3A_315 = arith.cmpf olt, %slice3A_314, %select_n3A_310 : vector<8x3072xf32>
      %select_n3A_316 = arith.select %lt3A_315, %slice3A_314, %select_n3A_310 : vector<8x3072xi1>, vector<8x3072xf32>
      %broadcast_in_dim3A_317 = arith.constant 288 : i32
      %broadcast_in_dim3A_318 = vector.broadcast %broadcast_in_dim3A_317 : i32 to vector<8x3072xi32>
      %select_n3A_319 = arith.select %lt3A_315, %broadcast_in_dim3A_318, %select_n3A_313 : vector<8x3072xi1>, vector<8x3072xi32>
      %slice3A_320 = vector.extract_strided_slice %add3A_100 {offsets = [296, 0], sizes = [8, 3072], strides = [1, 1]} : vector<2048x3072xf32> to vector<8x3072xf32>
      %lt3A_321 = arith.cmpf olt, %slice3A_320, %select_n3A_316 : vector<8x3072xf32>
      %select_n3A_322 = arith.select %lt3A_321, %slice3A_320, %select_n3A_316 : vector<8x3072xi1>, vector<8x3072xf32>
      %broadcast_in_dim3A_323 = arith.constant 296 : i32
      %broadcast_in_dim3A_324 = vector.broadcast %broadcast_in_dim3A_323 : i32 to vector<8x3072xi32>
      %select_n3A_325 = arith.select %lt3A_321, %broadcast_in_dim3A_324, %select_n3A_319 : vector<8x3072xi1>, vector<8x3072xi32>
      %slice3A_326 = vector.extract_strided_slice %add3A_100 {offsets = [304, 0], sizes = [8, 3072], strides = [1, 1]} : vector<2048x3072xf32> to vector<8x3072xf32>
      %lt3A_327 = arith.cmpf olt, %slice3A_326, %select_n3A_322 : vector<8x3072xf32>
      %select_n3A_328 = arith.select %lt3A_327, %slice3A_326, %select_n3A_322 : vector<8x3072xi1>, vector<8x3072xf32>
      %broadcast_in_dim3A_329 = arith.constant 304 : i32
      %broadcast_in_dim3A_330 = vector.broadcast %broadcast_in_dim3A_329 : i32 to vector<8x3072xi32>
      %select_n3A_331 = arith.select %lt3A_327, %broadcast_in_dim3A_330, %select_n3A_325 : vector<8x3072xi1>, vector<8x3072xi32>
      %slice3A_332 = vector.extract_strided_slice %add3A_100 {offsets = [312, 0], sizes = [8, 3072], strides = [1, 1]} : vector<2048x3072xf32> to vector<8x3072xf32>
      %lt3A_333 = arith.cmpf olt, %slice3A_332, %select_n3A_328 : vector<8x3072xf32>
      %select_n3A_334 = arith.select %lt3A_333, %slice3A_332, %select_n3A_328 : vector<8x3072xi1>, vector<8x3072xf32>
      %broadcast_in_dim3A_335 = arith.constant 312 : i32
      %broadcast_in_dim3A_336 = vector.broadcast %broadcast_in_dim3A_335 : i32 to vector<8x3072xi32>
      %select_n3A_337 = arith.select %lt3A_333, %broadcast_in_dim3A_336, %select_n3A_331 : vector<8x3072xi1>, vector<8x3072xi32>
      %slice3A_338 = vector.extract_strided_slice %add3A_100 {offsets = [320, 0], sizes = [8, 3072], strides = [1, 1]} : vector<2048x3072xf32> to vector<8x3072xf32>
      %lt3A_339 = arith.cmpf olt, %slice3A_338, %select_n3A_334 : vector<8x3072xf32>
      %select_n3A_340 = arith.select %lt3A_339, %slice3A_338, %select_n3A_334 : vector<8x3072xi1>, vector<8x3072xf32>
      %broadcast_in_dim3A_341 = arith.constant 320 : i32
      %broadcast_in_dim3A_342 = vector.broadcast %broadcast_in_dim3A_341 : i32 to vector<8x3072xi32>
      %select_n3A_343 = arith.select %lt3A_339, %broadcast_in_dim3A_342, %select_n3A_337 : vector<8x3072xi1>, vector<8x3072xi32>
      %slice3A_344 = vector.extract_strided_slice %add3A_100 {offsets = [328, 0], sizes = [8, 3072], strides = [1, 1]} : vector<2048x3072xf32> to vector<8x3072xf32>
      %lt3A_345 = arith.cmpf olt, %slice3A_344, %select_n3A_340 : vector<8x3072xf32>
      %select_n3A_346 = arith.select %lt3A_345, %slice3A_344, %select_n3A_340 : vector<8x3072xi1>, vector<8x3072xf32>
      %broadcast_in_dim3A_347 = arith.constant 328 : i32
      %broadcast_in_dim3A_348 = vector.broadcast %broadcast_in_dim3A_347 : i32 to vector<8x3072xi32>
      %select_n3A_349 = arith.select %lt3A_345, %broadcast_in_dim3A_348, %select_n3A_343 : vector<8x3072xi1>, vector<8x3072xi32>
      %slice3A_350 = vector.extract_strided_slice %add3A_100 {offsets = [336, 0], sizes = [8, 3072], strides = [1, 1]} : vector<2048x3072xf32> to vector<8x3072xf32>
      %lt3A_351 = arith.cmpf olt, %slice3A_350, %select_n3A_346 : vector<8x3072xf32>
      %select_n3A_352 = arith.select %lt3A_351, %slice3A_350, %select_n3A_346 : vector<8x3072xi1>, vector<8x3072xf32>
      %broadcast_in_dim3A_353 = arith.constant 336 : i32
      %broadcast_in_dim3A_354 = vector.broadcast %broadcast_in_dim3A_353 : i32 to vector<8x3072xi32>
      %select_n3A_355 = arith.select %lt3A_351, %broadcast_in_dim3A_354, %select_n3A_349 : vector<8x3072xi1>, vector<8x3072xi32>
      %slice3A_356 = vector.extract_strided_slice %add3A_100 {offsets = [344, 0], sizes = [8, 3072], strides = [1, 1]} : vector<2048x3072xf32> to vector<8x3072xf32>
      %lt3A_357 = arith.cmpf olt, %slice3A_356, %select_n3A_352 : vector<8x3072xf32>
      %select_n3A_358 = arith.select %lt3A_357, %slice3A_356, %select_n3A_352 : vector<8x3072xi1>, vector<8x3072xf32>
      %broadcast_in_dim3A_359 = arith.constant 344 : i32
      %broadcast_in_dim3A_360 = vector.broadcast %broadcast_in_dim3A_359 : i32 to vector<8x3072xi32>
      %select_n3A_361 = arith.select %lt3A_357, %broadcast_in_dim3A_360, %select_n3A_355 : vector<8x3072xi1>, vector<8x3072xi32>
      %slice3A_362 = vector.extract_strided_slice %add3A_100 {offsets = [352, 0], sizes = [8, 3072], strides = [1, 1]} : vector<2048x3072xf32> to vector<8x3072xf32>
      %lt3A_363 = arith.cmpf olt, %slice3A_362, %select_n3A_358 : vector<8x3072xf32>
      %select_n3A_364 = arith.select %lt3A_363, %slice3A_362, %select_n3A_358 : vector<8x3072xi1>, vector<8x3072xf32>
      %broadcast_in_dim3A_365 = arith.constant 352 : i32
      %broadcast_in_dim3A_366 = vector.broadcast %broadcast_in_dim3A_365 : i32 to vector<8x3072xi32>
      %select_n3A_367 = arith.select %lt3A_363, %broadcast_in_dim3A_366, %select_n3A_361 : vector<8x3072xi1>, vector<8x3072xi32>
      %slice3A_368 = vector.extract_strided_slice %add3A_100 {offsets = [360, 0], sizes = [8, 3072], strides = [1, 1]} : vector<2048x3072xf32> to vector<8x3072xf32>
      %lt3A_369 = arith.cmpf olt, %slice3A_368, %select_n3A_364 : vector<8x3072xf32>
      %select_n3A_370 = arith.select %lt3A_369, %slice3A_368, %select_n3A_364 : vector<8x3072xi1>, vector<8x3072xf32>
      %broadcast_in_dim3A_371 = arith.constant 360 : i32
      %broadcast_in_dim3A_372 = vector.broadcast %broadcast_in_dim3A_371 : i32 to vector<8x3072xi32>
      %select_n3A_373 = arith.select %lt3A_369, %broadcast_in_dim3A_372, %select_n3A_367 : vector<8x3072xi1>, vector<8x3072xi32>
      %slice3A_374 = vector.extract_strided_slice %add3A_100 {offsets = [368, 0], sizes = [8, 3072], strides = [1, 1]} : vector<2048x3072xf32> to vector<8x3072xf32>
      %lt3A_375 = arith.cmpf olt, %slice3A_374, %select_n3A_370 : vector<8x3072xf32>
      %select_n3A_376 = arith.select %lt3A_375, %slice3A_374, %select_n3A_370 : vector<8x3072xi1>, vector<8x3072xf32>
      %broadcast_in_dim3A_377 = arith.constant 368 : i32
      %broadcast_in_dim3A_378 = vector.broadcast %broadcast_in_dim3A_377 : i32 to vector<8x3072xi32>
      %select_n3A_379 = arith.select %lt3A_375, %broadcast_in_dim3A_378, %select_n3A_373 : vector<8x3072xi1>, vector<8x3072xi32>
      %slice3A_380 = vector.extract_strided_slice %add3A_100 {offsets = [376, 0], sizes = [8, 3072], strides = [1, 1]} : vector<2048x3072xf32> to vector<8x3072xf32>
      %lt3A_381 = arith.cmpf olt, %slice3A_380, %select_n3A_376 : vector<8x3072xf32>
      %select_n3A_382 = arith.select %lt3A_381, %slice3A_380, %select_n3A_376 : vector<8x3072xi1>, vector<8x3072xf32>
      %broadcast_in_dim3A_383 = arith.constant 376 : i32
      %broadcast_in_dim3A_384 = vector.broadcast %broadcast_in_dim3A_383 : i32 to vector<8x3072xi32>
      %select_n3A_385 = arith.select %lt3A_381, %broadcast_in_dim3A_384, %select_n3A_379 : vector<8x3072xi1>, vector<8x3072xi32>
      %slice3A_386 = vector.extract_strided_slice %add3A_100 {offsets = [384, 0], sizes = [8, 3072], strides = [1, 1]} : vector<2048x3072xf32> to vector<8x3072xf32>
      %lt3A_387 = arith.cmpf olt, %slice3A_386, %select_n3A_382 : vector<8x3072xf32>
      %select_n3A_388 = arith.select %lt3A_387, %slice3A_386, %select_n3A_382 : vector<8x3072xi1>, vector<8x3072xf32>
      %broadcast_in_dim3A_389 = arith.constant 384 : i32
      %broadcast_in_dim3A_390 = vector.broadcast %broadcast_in_dim3A_389 : i32 to vector<8x3072xi32>
      %select_n3A_391 = arith.select %lt3A_387, %broadcast_in_dim3A_390, %select_n3A_385 : vector<8x3072xi1>, vector<8x3072xi32>
      %slice3A_392 = vector.extract_strided_slice %add3A_100 {offsets = [392, 0], sizes = [8, 3072], strides = [1, 1]} : vector<2048x3072xf32> to vector<8x3072xf32>
      %lt3A_393 = arith.cmpf olt, %slice3A_392, %select_n3A_388 : vector<8x3072xf32>
      %select_n3A_394 = arith.select %lt3A_393, %slice3A_392, %select_n3A_388 : vector<8x3072xi1>, vector<8x3072xf32>
      %broadcast_in_dim3A_395 = arith.constant 392 : i32
      %broadcast_in_dim3A_396 = vector.broadcast %broadcast_in_dim3A_395 : i32 to vector<8x3072xi32>
      %select_n3A_397 = arith.select %lt3A_393, %broadcast_in_dim3A_396, %select_n3A_391 : vector<8x3072xi1>, vector<8x3072xi32>
      %slice3A_398 = vector.extract_strided_slice %add3A_100 {offsets = [400, 0], sizes = [8, 3072], strides = [1, 1]} : vector<2048x3072xf32> to vector<8x3072xf32>
      %lt3A_399 = arith.cmpf olt, %slice3A_398, %select_n3A_394 : vector<8x3072xf32>
      %select_n3A_400 = arith.select %lt3A_399, %slice3A_398, %select_n3A_394 : vector<8x3072xi1>, vector<8x3072xf32>
      %broadcast_in_dim3A_401 = arith.constant 400 : i32
      %broadcast_in_dim3A_402 = vector.broadcast %broadcast_in_dim3A_401 : i32 to vector<8x3072xi32>
      %select_n3A_403 = arith.select %lt3A_399, %broadcast_in_dim3A_402, %select_n3A_397 : vector<8x3072xi1>, vector<8x3072xi32>
      %slice3A_404 = vector.extract_strided_slice %add3A_100 {offsets = [408, 0], sizes = [8, 3072], strides = [1, 1]} : vector<2048x3072xf32> to vector<8x3072xf32>
      %lt3A_405 = arith.cmpf olt, %slice3A_404, %select_n3A_400 : vector<8x3072xf32>
      %select_n3A_406 = arith.select %lt3A_405, %slice3A_404, %select_n3A_400 : vector<8x3072xi1>, vector<8x3072xf32>
      %broadcast_in_dim3A_407 = arith.constant 408 : i32
      %broadcast_in_dim3A_408 = vector.broadcast %broadcast_in_dim3A_407 : i32 to vector<8x3072xi32>
      %select_n3A_409 = arith.select %lt3A_405, %broadcast_in_dim3A_408, %select_n3A_403 : vector<8x3072xi1>, vector<8x3072xi32>
      %slice3A_410 = vector.extract_strided_slice %add3A_100 {offsets = [416, 0], sizes = [8, 3072], strides = [1, 1]} : vector<2048x3072xf32> to vector<8x3072xf32>
      %lt3A_411 = arith.cmpf olt, %slice3A_410, %select_n3A_406 : vector<8x3072xf32>
      %select_n3A_412 = arith.select %lt3A_411, %slice3A_410, %select_n3A_406 : vector<8x3072xi1>, vector<8x3072xf32>
      %broadcast_in_dim3A_413 = arith.constant 416 : i32
      %broadcast_in_dim3A_414 = vector.broadcast %broadcast_in_dim3A_413 : i32 to vector<8x3072xi32>
      %select_n3A_415 = arith.select %lt3A_411, %broadcast_in_dim3A_414, %select_n3A_409 : vector<8x3072xi1>, vector<8x3072xi32>
      %slice3A_416 = vector.extract_strided_slice %add3A_100 {offsets = [424, 0], sizes = [8, 3072], strides = [1, 1]} : vector<2048x3072xf32> to vector<8x3072xf32>
      %lt3A_417 = arith.cmpf olt, %slice3A_416, %select_n3A_412 : vector<8x3072xf32>
      %select_n3A_418 = arith.select %lt3A_417, %slice3A_416, %select_n3A_412 : vector<8x3072xi1>, vector<8x3072xf32>
      %broadcast_in_dim3A_419 = arith.constant 424 : i32
      %broadcast_in_dim3A_420 = vector.broadcast %broadcast_in_dim3A_419 : i32 to vector<8x3072xi32>
      %select_n3A_421 = arith.select %lt3A_417, %broadcast_in_dim3A_420, %select_n3A_415 : vector<8x3072xi1>, vector<8x3072xi32>
      %slice3A_422 = vector.extract_strided_slice %add3A_100 {offsets = [432, 0], sizes = [8, 3072], strides = [1, 1]} : vector<2048x3072xf32> to vector<8x3072xf32>
      %lt3A_423 = arith.cmpf olt, %slice3A_422, %select_n3A_418 : vector<8x3072xf32>
      %select_n3A_424 = arith.select %lt3A_423, %slice3A_422, %select_n3A_418 : vector<8x3072xi1>, vector<8x3072xf32>
      %broadcast_in_dim3A_425 = arith.constant 432 : i32
      %broadcast_in_dim3A_426 = vector.broadcast %broadcast_in_dim3A_425 : i32 to vector<8x3072xi32>
      %select_n3A_427 = arith.select %lt3A_423, %broadcast_in_dim3A_426, %select_n3A_421 : vector<8x3072xi1>, vector<8x3072xi32>
      %slice3A_428 = vector.extract_strided_slice %add3A_100 {offsets = [440, 0], sizes = [8, 3072], strides = [1, 1]} : vector<2048x3072xf32> to vector<8x3072xf32>
      %lt3A_429 = arith.cmpf olt, %slice3A_428, %select_n3A_424 : vector<8x3072xf32>
      %select_n3A_430 = arith.select %lt3A_429, %slice3A_428, %select_n3A_424 : vector<8x3072xi1>, vector<8x3072xf32>
      %broadcast_in_dim3A_431 = arith.constant 440 : i32
      %broadcast_in_dim3A_432 = vector.broadcast %broadcast_in_dim3A_431 : i32 to vector<8x3072xi32>
      %select_n3A_433 = arith.select %lt3A_429, %broadcast_in_dim3A_432, %select_n3A_427 : vector<8x3072xi1>, vector<8x3072xi32>
      %slice3A_434 = vector.extract_strided_slice %add3A_100 {offsets = [448, 0], sizes = [8, 3072], strides = [1, 1]} : vector<2048x3072xf32> to vector<8x3072xf32>
      %lt3A_435 = arith.cmpf olt, %slice3A_434, %select_n3A_430 : vector<8x3072xf32>
      %select_n3A_436 = arith.select %lt3A_435, %slice3A_434, %select_n3A_430 : vector<8x3072xi1>, vector<8x3072xf32>
      %broadcast_in_dim3A_437 = arith.constant 448 : i32
      %broadcast_in_dim3A_438 = vector.broadcast %broadcast_in_dim3A_437 : i32 to vector<8x3072xi32>
      %select_n3A_439 = arith.select %lt3A_435, %broadcast_in_dim3A_438, %select_n3A_433 : vector<8x3072xi1>, vector<8x3072xi32>
      %slice3A_440 = vector.extract_strided_slice %add3A_100 {offsets = [456, 0], sizes = [8, 3072], strides = [1, 1]} : vector<2048x3072xf32> to vector<8x3072xf32>
      %lt3A_441 = arith.cmpf olt, %slice3A_440, %select_n3A_436 : vector<8x3072xf32>
      %select_n3A_442 = arith.select %lt3A_441, %slice3A_440, %select_n3A_436 : vector<8x3072xi1>, vector<8x3072xf32>
      %broadcast_in_dim3A_443 = arith.constant 456 : i32
      %broadcast_in_dim3A_444 = vector.broadcast %broadcast_in_dim3A_443 : i32 to vector<8x3072xi32>
      %select_n3A_445 = arith.select %lt3A_441, %broadcast_in_dim3A_444, %select_n3A_439 : vector<8x3072xi1>, vector<8x3072xi32>
      %slice3A_446 = vector.extract_strided_slice %add3A_100 {offsets = [464, 0], sizes = [8, 3072], strides = [1, 1]} : vector<2048x3072xf32> to vector<8x3072xf32>
      %lt3A_447 = arith.cmpf olt, %slice3A_446, %select_n3A_442 : vector<8x3072xf32>
      %select_n3A_448 = arith.select %lt3A_447, %slice3A_446, %select_n3A_442 : vector<8x3072xi1>, vector<8x3072xf32>
      %broadcast_in_dim3A_449 = arith.constant 464 : i32
      %broadcast_in_dim3A_450 = vector.broadcast %broadcast_in_dim3A_449 : i32 to vector<8x3072xi32>
      %select_n3A_451 = arith.select %lt3A_447, %broadcast_in_dim3A_450, %select_n3A_445 : vector<8x3072xi1>, vector<8x3072xi32>
      %slice3A_452 = vector.extract_strided_slice %add3A_100 {offsets = [472, 0], sizes = [8, 3072], strides = [1, 1]} : vector<2048x3072xf32> to vector<8x3072xf32>
      %lt3A_453 = arith.cmpf olt, %slice3A_452, %select_n3A_448 : vector<8x3072xf32>
      %select_n3A_454 = arith.select %lt3A_453, %slice3A_452, %select_n3A_448 : vector<8x3072xi1>, vector<8x3072xf32>
      %broadcast_in_dim3A_455 = arith.constant 472 : i32
      %broadcast_in_dim3A_456 = vector.broadcast %broadcast_in_dim3A_455 : i32 to vector<8x3072xi32>
      %select_n3A_457 = arith.select %lt3A_453, %broadcast_in_dim3A_456, %select_n3A_451 : vector<8x3072xi1>, vector<8x3072xi32>
      %slice3A_458 = vector.extract_strided_slice %add3A_100 {offsets = [480, 0], sizes = [8, 3072], strides = [1, 1]} : vector<2048x3072xf32> to vector<8x3072xf32>
      %lt3A_459 = arith.cmpf olt, %slice3A_458, %select_n3A_454 : vector<8x3072xf32>
      %select_n3A_460 = arith.select %lt3A_459, %slice3A_458, %select_n3A_454 : vector<8x3072xi1>, vector<8x3072xf32>
      %broadcast_in_dim3A_461 = arith.constant 480 : i32
      %broadcast_in_dim3A_462 = vector.broadcast %broadcast_in_dim3A_461 : i32 to vector<8x3072xi32>
      %select_n3A_463 = arith.select %lt3A_459, %broadcast_in_dim3A_462, %select_n3A_457 : vector<8x3072xi1>, vector<8x3072xi32>
      %slice3A_464 = vector.extract_strided_slice %add3A_100 {offsets = [488, 0], sizes = [8, 3072], strides = [1, 1]} : vector<2048x3072xf32> to vector<8x3072xf32>
      %lt3A_465 = arith.cmpf olt, %slice3A_464, %select_n3A_460 : vector<8x3072xf32>
      %select_n3A_466 = arith.select %lt3A_465, %slice3A_464, %select_n3A_460 : vector<8x3072xi1>, vector<8x3072xf32>
      %broadcast_in_dim3A_467 = arith.constant 488 : i32
      %broadcast_in_dim3A_468 = vector.broadcast %broadcast_in_dim3A_467 : i32 to vector<8x3072xi32>
      %select_n3A_469 = arith.select %lt3A_465, %broadcast_in_dim3A_468, %select_n3A_463 : vector<8x3072xi1>, vector<8x3072xi32>
      %slice3A_470 = vector.extract_strided_slice %add3A_100 {offsets = [496, 0], sizes = [8, 3072], strides = [1, 1]} : vector<2048x3072xf32> to vector<8x3072xf32>
      %lt3A_471 = arith.cmpf olt, %slice3A_470, %select_n3A_466 : vector<8x3072xf32>
      %select_n3A_472 = arith.select %lt3A_471, %slice3A_470, %select_n3A_466 : vector<8x3072xi1>, vector<8x3072xf32>
      %broadcast_in_dim3A_473 = arith.constant 496 : i32
      %broadcast_in_dim3A_474 = vector.broadcast %broadcast_in_dim3A_473 : i32 to vector<8x3072xi32>
      %select_n3A_475 = arith.select %lt3A_471, %broadcast_in_dim3A_474, %select_n3A_469 : vector<8x3072xi1>, vector<8x3072xi32>
      %slice3A_476 = vector.extract_strided_slice %add3A_100 {offsets = [504, 0], sizes = [8, 3072], strides = [1, 1]} : vector<2048x3072xf32> to vector<8x3072xf32>
      %lt3A_477 = arith.cmpf olt, %slice3A_476, %select_n3A_472 : vector<8x3072xf32>
      %select_n3A_478 = arith.select %lt3A_477, %slice3A_476, %select_n3A_472 : vector<8x3072xi1>, vector<8x3072xf32>
      %broadcast_in_dim3A_479 = arith.constant 504 : i32
      %broadcast_in_dim3A_480 = vector.broadcast %broadcast_in_dim3A_479 : i32 to vector<8x3072xi32>
      %select_n3A_481 = arith.select %lt3A_477, %broadcast_in_dim3A_480, %select_n3A_475 : vector<8x3072xi1>, vector<8x3072xi32>
      %slice3A_482 = vector.extract_strided_slice %add3A_100 {offsets = [512, 0], sizes = [8, 3072], strides = [1, 1]} : vector<2048x3072xf32> to vector<8x3072xf32>
      %lt3A_483 = arith.cmpf olt, %slice3A_482, %select_n3A_478 : vector<8x3072xf32>
      %select_n3A_484 = arith.select %lt3A_483, %slice3A_482, %select_n3A_478 : vector<8x3072xi1>, vector<8x3072xf32>
      %broadcast_in_dim3A_485 = arith.constant 512 : i32
      %broadcast_in_dim3A_486 = vector.broadcast %broadcast_in_dim3A_485 : i32 to vector<8x3072xi32>
      %select_n3A_487 = arith.select %lt3A_483, %broadcast_in_dim3A_486, %select_n3A_481 : vector<8x3072xi1>, vector<8x3072xi32>
      %slice3A_488 = vector.extract_strided_slice %add3A_100 {offsets = [520, 0], sizes = [8, 3072], strides = [1, 1]} : vector<2048x3072xf32> to vector<8x3072xf32>
      %lt3A_489 = arith.cmpf olt, %slice3A_488, %select_n3A_484 : vector<8x3072xf32>
      %select_n3A_490 = arith.select %lt3A_489, %slice3A_488, %select_n3A_484 : vector<8x3072xi1>, vector<8x3072xf32>
      %broadcast_in_dim3A_491 = arith.constant 520 : i32
      %broadcast_in_dim3A_492 = vector.broadcast %broadcast_in_dim3A_491 : i32 to vector<8x3072xi32>
      %select_n3A_493 = arith.select %lt3A_489, %broadcast_in_dim3A_492, %select_n3A_487 : vector<8x3072xi1>, vector<8x3072xi32>
      %slice3A_494 = vector.extract_strided_slice %add3A_100 {offsets = [528, 0], sizes = [8, 3072], strides = [1, 1]} : vector<2048x3072xf32> to vector<8x3072xf32>
      %lt3A_495 = arith.cmpf olt, %slice3A_494, %select_n3A_490 : vector<8x3072xf32>
      %select_n3A_496 = arith.select %lt3A_495, %slice3A_494, %select_n3A_490 : vector<8x3072xi1>, vector<8x3072xf32>
      %broadcast_in_dim3A_497 = arith.constant 528 : i32
      %broadcast_in_dim3A_498 = vector.broadcast %broadcast_in_dim3A_497 : i32 to vector<8x3072xi32>
      %select_n3A_499 = arith.select %lt3A_495, %broadcast_in_dim3A_498, %select_n3A_493 : vector<8x3072xi1>, vector<8x3072xi32>
      %slice3A_500 = vector.extract_strided_slice %add3A_100 {offsets = [536, 0], sizes = [8, 3072], strides = [1, 1]} : vector<2048x3072xf32> to vector<8x3072xf32>
      %lt3A_501 = arith.cmpf olt, %slice3A_500, %select_n3A_496 : vector<8x3072xf32>
      %select_n3A_502 = arith.select %lt3A_501, %slice3A_500, %select_n3A_496 : vector<8x3072xi1>, vector<8x3072xf32>
      %broadcast_in_dim3A_503 = arith.constant 536 : i32
      %broadcast_in_dim3A_504 = vector.broadcast %broadcast_in_dim3A_503 : i32 to vector<8x3072xi32>
      %select_n3A_505 = arith.select %lt3A_501, %broadcast_in_dim3A_504, %select_n3A_499 : vector<8x3072xi1>, vector<8x3072xi32>
      %slice3A_506 = vector.extract_strided_slice %add3A_100 {offsets = [544, 0], sizes = [8, 3072], strides = [1, 1]} : vector<2048x3072xf32> to vector<8x3072xf32>
      %lt3A_507 = arith.cmpf olt, %slice3A_506, %select_n3A_502 : vector<8x3072xf32>
      %select_n3A_508 = arith.select %lt3A_507, %slice3A_506, %select_n3A_502 : vector<8x3072xi1>, vector<8x3072xf32>
      %broadcast_in_dim3A_509 = arith.constant 544 : i32
      %broadcast_in_dim3A_510 = vector.broadcast %broadcast_in_dim3A_509 : i32 to vector<8x3072xi32>
      %select_n3A_511 = arith.select %lt3A_507, %broadcast_in_dim3A_510, %select_n3A_505 : vector<8x3072xi1>, vector<8x3072xi32>
      %slice3A_512 = vector.extract_strided_slice %add3A_100 {offsets = [552, 0], sizes = [8, 3072], strides = [1, 1]} : vector<2048x3072xf32> to vector<8x3072xf32>
      %lt3A_513 = arith.cmpf olt, %slice3A_512, %select_n3A_508 : vector<8x3072xf32>
      %select_n3A_514 = arith.select %lt3A_513, %slice3A_512, %select_n3A_508 : vector<8x3072xi1>, vector<8x3072xf32>
      %broadcast_in_dim3A_515 = arith.constant 552 : i32
      %broadcast_in_dim3A_516 = vector.broadcast %broadcast_in_dim3A_515 : i32 to vector<8x3072xi32>
      %select_n3A_517 = arith.select %lt3A_513, %broadcast_in_dim3A_516, %select_n3A_511 : vector<8x3072xi1>, vector<8x3072xi32>
      %slice3A_518 = vector.extract_strided_slice %add3A_100 {offsets = [560, 0], sizes = [8, 3072], strides = [1, 1]} : vector<2048x3072xf32> to vector<8x3072xf32>
      %lt3A_519 = arith.cmpf olt, %slice3A_518, %select_n3A_514 : vector<8x3072xf32>
      %select_n3A_520 = arith.select %lt3A_519, %slice3A_518, %select_n3A_514 : vector<8x3072xi1>, vector<8x3072xf32>
      %broadcast_in_dim3A_521 = arith.constant 560 : i32
      %broadcast_in_dim3A_522 = vector.broadcast %broadcast_in_dim3A_521 : i32 to vector<8x3072xi32>
      %select_n3A_523 = arith.select %lt3A_519, %broadcast_in_dim3A_522, %select_n3A_517 : vector<8x3072xi1>, vector<8x3072xi32>
      %slice3A_524 = vector.extract_strided_slice %add3A_100 {offsets = [568, 0], sizes = [8, 3072], strides = [1, 1]} : vector<2048x3072xf32> to vector<8x3072xf32>
      %lt3A_525 = arith.cmpf olt, %slice3A_524, %select_n3A_520 : vector<8x3072xf32>
      %select_n3A_526 = arith.select %lt3A_525, %slice3A_524, %select_n3A_520 : vector<8x3072xi1>, vector<8x3072xf32>
      %broadcast_in_dim3A_527 = arith.constant 568 : i32
      %broadcast_in_dim3A_528 = vector.broadcast %broadcast_in_dim3A_527 : i32 to vector<8x3072xi32>
      %select_n3A_529 = arith.select %lt3A_525, %broadcast_in_dim3A_528, %select_n3A_523 : vector<8x3072xi1>, vector<8x3072xi32>
      %slice3A_530 = vector.extract_strided_slice %add3A_100 {offsets = [576, 0], sizes = [8, 3072], strides = [1, 1]} : vector<2048x3072xf32> to vector<8x3072xf32>
      %lt3A_531 = arith.cmpf olt, %slice3A_530, %select_n3A_526 : vector<8x3072xf32>
      %select_n3A_532 = arith.select %lt3A_531, %slice3A_530, %select_n3A_526 : vector<8x3072xi1>, vector<8x3072xf32>
      %broadcast_in_dim3A_533 = arith.constant 576 : i32
      %broadcast_in_dim3A_534 = vector.broadcast %broadcast_in_dim3A_533 : i32 to vector<8x3072xi32>
      %select_n3A_535 = arith.select %lt3A_531, %broadcast_in_dim3A_534, %select_n3A_529 : vector<8x3072xi1>, vector<8x3072xi32>
      %slice3A_536 = vector.extract_strided_slice %add3A_100 {offsets = [584, 0], sizes = [8, 3072], strides = [1, 1]} : vector<2048x3072xf32> to vector<8x3072xf32>
      %lt3A_537 = arith.cmpf olt, %slice3A_536, %select_n3A_532 : vector<8x3072xf32>
      %select_n3A_538 = arith.select %lt3A_537, %slice3A_536, %select_n3A_532 : vector<8x3072xi1>, vector<8x3072xf32>
      %broadcast_in_dim3A_539 = arith.constant 584 : i32
      %broadcast_in_dim3A_540 = vector.broadcast %broadcast_in_dim3A_539 : i32 to vector<8x3072xi32>
      %select_n3A_541 = arith.select %lt3A_537, %broadcast_in_dim3A_540, %select_n3A_535 : vector<8x3072xi1>, vector<8x3072xi32>
      %slice3A_542 = vector.extract_strided_slice %add3A_100 {offsets = [592, 0], sizes = [8, 3072], strides = [1, 1]} : vector<2048x3072xf32> to vector<8x3072xf32>
      %lt3A_543 = arith.cmpf olt, %slice3A_542, %select_n3A_538 : vector<8x3072xf32>
      %select_n3A_544 = arith.select %lt3A_543, %slice3A_542, %select_n3A_538 : vector<8x3072xi1>, vector<8x3072xf32>
      %broadcast_in_dim3A_545 = arith.constant 592 : i32
      %broadcast_in_dim3A_546 = vector.broadcast %broadcast_in_dim3A_545 : i32 to vector<8x3072xi32>
      %select_n3A_547 = arith.select %lt3A_543, %broadcast_in_dim3A_546, %select_n3A_541 : vector<8x3072xi1>, vector<8x3072xi32>
      %slice3A_548 = vector.extract_strided_slice %add3A_100 {offsets = [600, 0], sizes = [8, 3072], strides = [1, 1]} : vector<2048x3072xf32> to vector<8x3072xf32>
      %lt3A_549 = arith.cmpf olt, %slice3A_548, %select_n3A_544 : vector<8x3072xf32>
      %select_n3A_550 = arith.select %lt3A_549, %slice3A_548, %select_n3A_544 : vector<8x3072xi1>, vector<8x3072xf32>
      %broadcast_in_dim3A_551 = arith.constant 600 : i32
      %broadcast_in_dim3A_552 = vector.broadcast %broadcast_in_dim3A_551 : i32 to vector<8x3072xi32>
      %select_n3A_553 = arith.select %lt3A_549, %broadcast_in_dim3A_552, %select_n3A_547 : vector<8x3072xi1>, vector<8x3072xi32>
      %slice3A_554 = vector.extract_strided_slice %add3A_100 {offsets = [608, 0], sizes = [8, 3072], strides = [1, 1]} : vector<2048x3072xf32> to vector<8x3072xf32>
      %lt3A_555 = arith.cmpf olt, %slice3A_554, %select_n3A_550 : vector<8x3072xf32>
      %select_n3A_556 = arith.select %lt3A_555, %slice3A_554, %select_n3A_550 : vector<8x3072xi1>, vector<8x3072xf32>
      %broadcast_in_dim3A_557 = arith.constant 608 : i32
      %broadcast_in_dim3A_558 = vector.broadcast %broadcast_in_dim3A_557 : i32 to vector<8x3072xi32>
      %select_n3A_559 = arith.select %lt3A_555, %broadcast_in_dim3A_558, %select_n3A_553 : vector<8x3072xi1>, vector<8x3072xi32>
      %slice3A_560 = vector.extract_strided_slice %add3A_100 {offsets = [616, 0], sizes = [8, 3072], strides = [1, 1]} : vector<2048x3072xf32> to vector<8x3072xf32>
      %lt3A_561 = arith.cmpf olt, %slice3A_560, %select_n3A_556 : vector<8x3072xf32>
      %select_n3A_562 = arith.select %lt3A_561, %slice3A_560, %select_n3A_556 : vector<8x3072xi1>, vector<8x3072xf32>
      %broadcast_in_dim3A_563 = arith.constant 616 : i32
      %broadcast_in_dim3A_564 = vector.broadcast %broadcast_in_dim3A_563 : i32 to vector<8x3072xi32>
      %select_n3A_565 = arith.select %lt3A_561, %broadcast_in_dim3A_564, %select_n3A_559 : vector<8x3072xi1>, vector<8x3072xi32>
      %slice3A_566 = vector.extract_strided_slice %add3A_100 {offsets = [624, 0], sizes = [8, 3072], strides = [1, 1]} : vector<2048x3072xf32> to vector<8x3072xf32>
      %lt3A_567 = arith.cmpf olt, %slice3A_566, %select_n3A_562 : vector<8x3072xf32>
      %select_n3A_568 = arith.select %lt3A_567, %slice3A_566, %select_n3A_562 : vector<8x3072xi1>, vector<8x3072xf32>
      %broadcast_in_dim3A_569 = arith.constant 624 : i32
      %broadcast_in_dim3A_570 = vector.broadcast %broadcast_in_dim3A_569 : i32 to vector<8x3072xi32>
      %select_n3A_571 = arith.select %lt3A_567, %broadcast_in_dim3A_570, %select_n3A_565 : vector<8x3072xi1>, vector<8x3072xi32>
      %slice3A_572 = vector.extract_strided_slice %add3A_100 {offsets = [632, 0], sizes = [8, 3072], strides = [1, 1]} : vector<2048x3072xf32> to vector<8x3072xf32>
      %lt3A_573 = arith.cmpf olt, %slice3A_572, %select_n3A_568 : vector<8x3072xf32>
      %select_n3A_574 = arith.select %lt3A_573, %slice3A_572, %select_n3A_568 : vector<8x3072xi1>, vector<8x3072xf32>
      %broadcast_in_dim3A_575 = arith.constant 632 : i32
      %broadcast_in_dim3A_576 = vector.broadcast %broadcast_in_dim3A_575 : i32 to vector<8x3072xi32>
      %select_n3A_577 = arith.select %lt3A_573, %broadcast_in_dim3A_576, %select_n3A_571 : vector<8x3072xi1>, vector<8x3072xi32>
      %slice3A_578 = vector.extract_strided_slice %add3A_100 {offsets = [640, 0], sizes = [8, 3072], strides = [1, 1]} : vector<2048x3072xf32> to vector<8x3072xf32>
      %lt3A_579 = arith.cmpf olt, %slice3A_578, %select_n3A_574 : vector<8x3072xf32>
      %select_n3A_580 = arith.select %lt3A_579, %slice3A_578, %select_n3A_574 : vector<8x3072xi1>, vector<8x3072xf32>
      %broadcast_in_dim3A_581 = arith.constant 640 : i32
      %broadcast_in_dim3A_582 = vector.broadcast %broadcast_in_dim3A_581 : i32 to vector<8x3072xi32>
      %select_n3A_583 = arith.select %lt3A_579, %broadcast_in_dim3A_582, %select_n3A_577 : vector<8x3072xi1>, vector<8x3072xi32>
      %slice3A_584 = vector.extract_strided_slice %add3A_100 {offsets = [648, 0], sizes = [8, 3072], strides = [1, 1]} : vector<2048x3072xf32> to vector<8x3072xf32>
      %lt3A_585 = arith.cmpf olt, %slice3A_584, %select_n3A_580 : vector<8x3072xf32>
      %select_n3A_586 = arith.select %lt3A_585, %slice3A_584, %select_n3A_580 : vector<8x3072xi1>, vector<8x3072xf32>
      %broadcast_in_dim3A_587 = arith.constant 648 : i32
      %broadcast_in_dim3A_588 = vector.broadcast %broadcast_in_dim3A_587 : i32 to vector<8x3072xi32>
      %select_n3A_589 = arith.select %lt3A_585, %broadcast_in_dim3A_588, %select_n3A_583 : vector<8x3072xi1>, vector<8x3072xi32>
      %slice3A_590 = vector.extract_strided_slice %add3A_100 {offsets = [656, 0], sizes = [8, 3072], strides = [1, 1]} : vector<2048x3072xf32> to vector<8x3072xf32>
      %lt3A_591 = arith.cmpf olt, %slice3A_590, %select_n3A_586 : vector<8x3072xf32>
      %select_n3A_592 = arith.select %lt3A_591, %slice3A_590, %select_n3A_586 : vector<8x3072xi1>, vector<8x3072xf32>
      %broadcast_in_dim3A_593 = arith.constant 656 : i32
      %broadcast_in_dim3A_594 = vector.broadcast %broadcast_in_dim3A_593 : i32 to vector<8x3072xi32>
      %select_n3A_595 = arith.select %lt3A_591, %broadcast_in_dim3A_594, %select_n3A_589 : vector<8x3072xi1>, vector<8x3072xi32>
      %slice3A_596 = vector.extract_strided_slice %add3A_100 {offsets = [664, 0], sizes = [8, 3072], strides = [1, 1]} : vector<2048x3072xf32> to vector<8x3072xf32>
      %lt3A_597 = arith.cmpf olt, %slice3A_596, %select_n3A_592 : vector<8x3072xf32>
      %select_n3A_598 = arith.select %lt3A_597, %slice3A_596, %select_n3A_592 : vector<8x3072xi1>, vector<8x3072xf32>
      %broadcast_in_dim3A_599 = arith.constant 664 : i32
      %broadcast_in_dim3A_600 = vector.broadcast %broadcast_in_dim3A_599 : i32 to vector<8x3072xi32>
      %select_n3A_601 = arith.select %lt3A_597, %broadcast_in_dim3A_600, %select_n3A_595 : vector<8x3072xi1>, vector<8x3072xi32>
      %slice3A_602 = vector.extract_strided_slice %add3A_100 {offsets = [672, 0], sizes = [8, 3072], strides = [1, 1]} : vector<2048x3072xf32> to vector<8x3072xf32>
      %lt3A_603 = arith.cmpf olt, %slice3A_602, %select_n3A_598 : vector<8x3072xf32>
      %select_n3A_604 = arith.select %lt3A_603, %slice3A_602, %select_n3A_598 : vector<8x3072xi1>, vector<8x3072xf32>
      %broadcast_in_dim3A_605 = arith.constant 672 : i32
      %broadcast_in_dim3A_606 = vector.broadcast %broadcast_in_dim3A_605 : i32 to vector<8x3072xi32>
      %select_n3A_607 = arith.select %lt3A_603, %broadcast_in_dim3A_606, %select_n3A_601 : vector<8x3072xi1>, vector<8x3072xi32>
      %slice3A_608 = vector.extract_strided_slice %add3A_100 {offsets = [680, 0], sizes = [8, 3072], strides = [1, 1]} : vector<2048x3072xf32> to vector<8x3072xf32>
      %lt3A_609 = arith.cmpf olt, %slice3A_608, %select_n3A_604 : vector<8x3072xf32>
      %select_n3A_610 = arith.select %lt3A_609, %slice3A_608, %select_n3A_604 : vector<8x3072xi1>, vector<8x3072xf32>
      %broadcast_in_dim3A_611 = arith.constant 680 : i32
      %broadcast_in_dim3A_612 = vector.broadcast %broadcast_in_dim3A_611 : i32 to vector<8x3072xi32>
      %select_n3A_613 = arith.select %lt3A_609, %broadcast_in_dim3A_612, %select_n3A_607 : vector<8x3072xi1>, vector<8x3072xi32>
      %slice3A_614 = vector.extract_strided_slice %add3A_100 {offsets = [688, 0], sizes = [8, 3072], strides = [1, 1]} : vector<2048x3072xf32> to vector<8x3072xf32>
      %lt3A_615 = arith.cmpf olt, %slice3A_614, %select_n3A_610 : vector<8x3072xf32>
      %select_n3A_616 = arith.select %lt3A_615, %slice3A_614, %select_n3A_610 : vector<8x3072xi1>, vector<8x3072xf32>
      %broadcast_in_dim3A_617 = arith.constant 688 : i32
      %broadcast_in_dim3A_618 = vector.broadcast %broadcast_in_dim3A_617 : i32 to vector<8x3072xi32>
      %select_n3A_619 = arith.select %lt3A_615, %broadcast_in_dim3A_618, %select_n3A_613 : vector<8x3072xi1>, vector<8x3072xi32>
      %slice3A_620 = vector.extract_strided_slice %add3A_100 {offsets = [696, 0], sizes = [8, 3072], strides = [1, 1]} : vector<2048x3072xf32> to vector<8x3072xf32>
      %lt3A_621 = arith.cmpf olt, %slice3A_620, %select_n3A_616 : vector<8x3072xf32>
      %select_n3A_622 = arith.select %lt3A_621, %slice3A_620, %select_n3A_616 : vector<8x3072xi1>, vector<8x3072xf32>
      %broadcast_in_dim3A_623 = arith.constant 696 : i32
      %broadcast_in_dim3A_624 = vector.broadcast %broadcast_in_dim3A_623 : i32 to vector<8x3072xi32>
      %select_n3A_625 = arith.select %lt3A_621, %broadcast_in_dim3A_624, %select_n3A_619 : vector<8x3072xi1>, vector<8x3072xi32>
      %slice3A_626 = vector.extract_strided_slice %add3A_100 {offsets = [704, 0], sizes = [8, 3072], strides = [1, 1]} : vector<2048x3072xf32> to vector<8x3072xf32>
      %lt3A_627 = arith.cmpf olt, %slice3A_626, %select_n3A_622 : vector<8x3072xf32>
      %select_n3A_628 = arith.select %lt3A_627, %slice3A_626, %select_n3A_622 : vector<8x3072xi1>, vector<8x3072xf32>
      %broadcast_in_dim3A_629 = arith.constant 704 : i32
      %broadcast_in_dim3A_630 = vector.broadcast %broadcast_in_dim3A_629 : i32 to vector<8x3072xi32>
      %select_n3A_631 = arith.select %lt3A_627, %broadcast_in_dim3A_630, %select_n3A_625 : vector<8x3072xi1>, vector<8x3072xi32>
      %slice3A_632 = vector.extract_strided_slice %add3A_100 {offsets = [712, 0], sizes = [8, 3072], strides = [1, 1]} : vector<2048x3072xf32> to vector<8x3072xf32>
      %lt3A_633 = arith.cmpf olt, %slice3A_632, %select_n3A_628 : vector<8x3072xf32>
      %select_n3A_634 = arith.select %lt3A_633, %slice3A_632, %select_n3A_628 : vector<8x3072xi1>, vector<8x3072xf32>
      %broadcast_in_dim3A_635 = arith.constant 712 : i32
      %broadcast_in_dim3A_636 = vector.broadcast %broadcast_in_dim3A_635 : i32 to vector<8x3072xi32>
      %select_n3A_637 = arith.select %lt3A_633, %broadcast_in_dim3A_636, %select_n3A_631 : vector<8x3072xi1>, vector<8x3072xi32>
      %slice3A_638 = vector.extract_strided_slice %add3A_100 {offsets = [720, 0], sizes = [8, 3072], strides = [1, 1]} : vector<2048x3072xf32> to vector<8x3072xf32>
      %lt3A_639 = arith.cmpf olt, %slice3A_638, %select_n3A_634 : vector<8x3072xf32>
      %select_n3A_640 = arith.select %lt3A_639, %slice3A_638, %select_n3A_634 : vector<8x3072xi1>, vector<8x3072xf32>
      %broadcast_in_dim3A_641 = arith.constant 720 : i32
      %broadcast_in_dim3A_642 = vector.broadcast %broadcast_in_dim3A_641 : i32 to vector<8x3072xi32>
      %select_n3A_643 = arith.select %lt3A_639, %broadcast_in_dim3A_642, %select_n3A_637 : vector<8x3072xi1>, vector<8x3072xi32>
      %slice3A_644 = vector.extract_strided_slice %add3A_100 {offsets = [728, 0], sizes = [8, 3072], strides = [1, 1]} : vector<2048x3072xf32> to vector<8x3072xf32>
      %lt3A_645 = arith.cmpf olt, %slice3A_644, %select_n3A_640 : vector<8x3072xf32>
      %select_n3A_646 = arith.select %lt3A_645, %slice3A_644, %select_n3A_640 : vector<8x3072xi1>, vector<8x3072xf32>
      %broadcast_in_dim3A_647 = arith.constant 728 : i32
      %broadcast_in_dim3A_648 = vector.broadcast %broadcast_in_dim3A_647 : i32 to vector<8x3072xi32>
      %select_n3A_649 = arith.select %lt3A_645, %broadcast_in_dim3A_648, %select_n3A_643 : vector<8x3072xi1>, vector<8x3072xi32>
      %slice3A_650 = vector.extract_strided_slice %add3A_100 {offsets = [736, 0], sizes = [8, 3072], strides = [1, 1]} : vector<2048x3072xf32> to vector<8x3072xf32>
      %lt3A_651 = arith.cmpf olt, %slice3A_650, %select_n3A_646 : vector<8x3072xf32>
      %select_n3A_652 = arith.select %lt3A_651, %slice3A_650, %select_n3A_646 : vector<8x3072xi1>, vector<8x3072xf32>
      %broadcast_in_dim3A_653 = arith.constant 736 : i32
      %broadcast_in_dim3A_654 = vector.broadcast %broadcast_in_dim3A_653 : i32 to vector<8x3072xi32>
      %select_n3A_655 = arith.select %lt3A_651, %broadcast_in_dim3A_654, %select_n3A_649 : vector<8x3072xi1>, vector<8x3072xi32>
      %slice3A_656 = vector.extract_strided_slice %add3A_100 {offsets = [744, 0], sizes = [8, 3072], strides = [1, 1]} : vector<2048x3072xf32> to vector<8x3072xf32>
      %lt3A_657 = arith.cmpf olt, %slice3A_656, %select_n3A_652 : vector<8x3072xf32>
      %select_n3A_658 = arith.select %lt3A_657, %slice3A_656, %select_n3A_652 : vector<8x3072xi1>, vector<8x3072xf32>
      %broadcast_in_dim3A_659 = arith.constant 744 : i32
      %broadcast_in_dim3A_660 = vector.broadcast %broadcast_in_dim3A_659 : i32 to vector<8x3072xi32>
      %select_n3A_661 = arith.select %lt3A_657, %broadcast_in_dim3A_660, %select_n3A_655 : vector<8x3072xi1>, vector<8x3072xi32>
      %slice3A_662 = vector.extract_strided_slice %add3A_100 {offsets = [752, 0], sizes = [8, 3072], strides = [1, 1]} : vector<2048x3072xf32> to vector<8x3072xf32>
      %lt3A_663 = arith.cmpf olt, %slice3A_662, %select_n3A_658 : vector<8x3072xf32>
      %select_n3A_664 = arith.select %lt3A_663, %slice3A_662, %select_n3A_658 : vector<8x3072xi1>, vector<8x3072xf32>
      %broadcast_in_dim3A_665 = arith.constant 752 : i32
      %broadcast_in_dim3A_666 = vector.broadcast %broadcast_in_dim3A_665 : i32 to vector<8x3072xi32>
      %select_n3A_667 = arith.select %lt3A_663, %broadcast_in_dim3A_666, %select_n3A_661 : vector<8x3072xi1>, vector<8x3072xi32>
      %slice3A_668 = vector.extract_strided_slice %add3A_100 {offsets = [760, 0], sizes = [8, 3072], strides = [1, 1]} : vector<2048x3072xf32> to vector<8x3072xf32>
      %lt3A_669 = arith.cmpf olt, %slice3A_668, %select_n3A_664 : vector<8x3072xf32>
      %select_n3A_670 = arith.select %lt3A_669, %slice3A_668, %select_n3A_664 : vector<8x3072xi1>, vector<8x3072xf32>
      %broadcast_in_dim3A_671 = arith.constant 760 : i32
      %broadcast_in_dim3A_672 = vector.broadcast %broadcast_in_dim3A_671 : i32 to vector<8x3072xi32>
      %select_n3A_673 = arith.select %lt3A_669, %broadcast_in_dim3A_672, %select_n3A_667 : vector<8x3072xi1>, vector<8x3072xi32>
      %slice3A_674 = vector.extract_strided_slice %add3A_100 {offsets = [768, 0], sizes = [8, 3072], strides = [1, 1]} : vector<2048x3072xf32> to vector<8x3072xf32>
      %lt3A_675 = arith.cmpf olt, %slice3A_674, %select_n3A_670 : vector<8x3072xf32>
      %select_n3A_676 = arith.select %lt3A_675, %slice3A_674, %select_n3A_670 : vector<8x3072xi1>, vector<8x3072xf32>
      %broadcast_in_dim3A_677 = arith.constant 768 : i32
      %broadcast_in_dim3A_678 = vector.broadcast %broadcast_in_dim3A_677 : i32 to vector<8x3072xi32>
      %select_n3A_679 = arith.select %lt3A_675, %broadcast_in_dim3A_678, %select_n3A_673 : vector<8x3072xi1>, vector<8x3072xi32>
      %slice3A_680 = vector.extract_strided_slice %add3A_100 {offsets = [776, 0], sizes = [8, 3072], strides = [1, 1]} : vector<2048x3072xf32> to vector<8x3072xf32>
      %lt3A_681 = arith.cmpf olt, %slice3A_680, %select_n3A_676 : vector<8x3072xf32>
      %select_n3A_682 = arith.select %lt3A_681, %slice3A_680, %select_n3A_676 : vector<8x3072xi1>, vector<8x3072xf32>
      %broadcast_in_dim3A_683 = arith.constant 776 : i32
      %broadcast_in_dim3A_684 = vector.broadcast %broadcast_in_dim3A_683 : i32 to vector<8x3072xi32>
      %select_n3A_685 = arith.select %lt3A_681, %broadcast_in_dim3A_684, %select_n3A_679 : vector<8x3072xi1>, vector<8x3072xi32>
      %slice3A_686 = vector.extract_strided_slice %add3A_100 {offsets = [784, 0], sizes = [8, 3072], strides = [1, 1]} : vector<2048x3072xf32> to vector<8x3072xf32>
      %lt3A_687 = arith.cmpf olt, %slice3A_686, %select_n3A_682 : vector<8x3072xf32>
      %select_n3A_688 = arith.select %lt3A_687, %slice3A_686, %select_n3A_682 : vector<8x3072xi1>, vector<8x3072xf32>
      %broadcast_in_dim3A_689 = arith.constant 784 : i32
      %broadcast_in_dim3A_690 = vector.broadcast %broadcast_in_dim3A_689 : i32 to vector<8x3072xi32>
      %select_n3A_691 = arith.select %lt3A_687, %broadcast_in_dim3A_690, %select_n3A_685 : vector<8x3072xi1>, vector<8x3072xi32>
      %slice3A_692 = vector.extract_strided_slice %add3A_100 {offsets = [792, 0], sizes = [8, 3072], strides = [1, 1]} : vector<2048x3072xf32> to vector<8x3072xf32>
      %lt3A_693 = arith.cmpf olt, %slice3A_692, %select_n3A_688 : vector<8x3072xf32>
      %select_n3A_694 = arith.select %lt3A_693, %slice3A_692, %select_n3A_688 : vector<8x3072xi1>, vector<8x3072xf32>
      %broadcast_in_dim3A_695 = arith.constant 792 : i32
      %broadcast_in_dim3A_696 = vector.broadcast %broadcast_in_dim3A_695 : i32 to vector<8x3072xi32>
      %select_n3A_697 = arith.select %lt3A_693, %broadcast_in_dim3A_696, %select_n3A_691 : vector<8x3072xi1>, vector<8x3072xi32>
      %slice3A_698 = vector.extract_strided_slice %add3A_100 {offsets = [800, 0], sizes = [8, 3072], strides = [1, 1]} : vector<2048x3072xf32> to vector<8x3072xf32>
      %lt3A_699 = arith.cmpf olt, %slice3A_698, %select_n3A_694 : vector<8x3072xf32>
      %select_n3A_700 = arith.select %lt3A_699, %slice3A_698, %select_n3A_694 : vector<8x3072xi1>, vector<8x3072xf32>
      %broadcast_in_dim3A_701 = arith.constant 800 : i32
      %broadcast_in_dim3A_702 = vector.broadcast %broadcast_in_dim3A_701 : i32 to vector<8x3072xi32>
      %select_n3A_703 = arith.select %lt3A_699, %broadcast_in_dim3A_702, %select_n3A_697 : vector<8x3072xi1>, vector<8x3072xi32>
      %slice3A_704 = vector.extract_strided_slice %add3A_100 {offsets = [808, 0], sizes = [8, 3072], strides = [1, 1]} : vector<2048x3072xf32> to vector<8x3072xf32>
      %lt3A_705 = arith.cmpf olt, %slice3A_704, %select_n3A_700 : vector<8x3072xf32>
      %select_n3A_706 = arith.select %lt3A_705, %slice3A_704, %select_n3A_700 : vector<8x3072xi1>, vector<8x3072xf32>
      %broadcast_in_dim3A_707 = arith.constant 808 : i32
      %broadcast_in_dim3A_708 = vector.broadcast %broadcast_in_dim3A_707 : i32 to vector<8x3072xi32>
      %select_n3A_709 = arith.select %lt3A_705, %broadcast_in_dim3A_708, %select_n3A_703 : vector<8x3072xi1>, vector<8x3072xi32>
      %slice3A_710 = vector.extract_strided_slice %add3A_100 {offsets = [816, 0], sizes = [8, 3072], strides = [1, 1]} : vector<2048x3072xf32> to vector<8x3072xf32>
      %lt3A_711 = arith.cmpf olt, %slice3A_710, %select_n3A_706 : vector<8x3072xf32>
      %select_n3A_712 = arith.select %lt3A_711, %slice3A_710, %select_n3A_706 : vector<8x3072xi1>, vector<8x3072xf32>
      %broadcast_in_dim3A_713 = arith.constant 816 : i32
      %broadcast_in_dim3A_714 = vector.broadcast %broadcast_in_dim3A_713 : i32 to vector<8x3072xi32>
      %select_n3A_715 = arith.select %lt3A_711, %broadcast_in_dim3A_714, %select_n3A_709 : vector<8x3072xi1>, vector<8x3072xi32>
      %slice3A_716 = vector.extract_strided_slice %add3A_100 {offsets = [824, 0], sizes = [8, 3072], strides = [1, 1]} : vector<2048x3072xf32> to vector<8x3072xf32>
      %lt3A_717 = arith.cmpf olt, %slice3A_716, %select_n3A_712 : vector<8x3072xf32>
      %select_n3A_718 = arith.select %lt3A_717, %slice3A_716, %select_n3A_712 : vector<8x3072xi1>, vector<8x3072xf32>
      %broadcast_in_dim3A_719 = arith.constant 824 : i32
      %broadcast_in_dim3A_720 = vector.broadcast %broadcast_in_dim3A_719 : i32 to vector<8x3072xi32>
      %select_n3A_721 = arith.select %lt3A_717, %broadcast_in_dim3A_720, %select_n3A_715 : vector<8x3072xi1>, vector<8x3072xi32>
      %slice3A_722 = vector.extract_strided_slice %add3A_100 {offsets = [832, 0], sizes = [8, 3072], strides = [1, 1]} : vector<2048x3072xf32> to vector<8x3072xf32>
      %lt3A_723 = arith.cmpf olt, %slice3A_722, %select_n3A_718 : vector<8x3072xf32>
      %select_n3A_724 = arith.select %lt3A_723, %slice3A_722, %select_n3A_718 : vector<8x3072xi1>, vector<8x3072xf32>
      %broadcast_in_dim3A_725 = arith.constant 832 : i32
      %broadcast_in_dim3A_726 = vector.broadcast %broadcast_in_dim3A_725 : i32 to vector<8x3072xi32>
      %select_n3A_727 = arith.select %lt3A_723, %broadcast_in_dim3A_726, %select_n3A_721 : vector<8x3072xi1>, vector<8x3072xi32>
      %slice3A_728 = vector.extract_strided_slice %add3A_100 {offsets = [840, 0], sizes = [8, 3072], strides = [1, 1]} : vector<2048x3072xf32> to vector<8x3072xf32>
      %lt3A_729 = arith.cmpf olt, %slice3A_728, %select_n3A_724 : vector<8x3072xf32>
      %select_n3A_730 = arith.select %lt3A_729, %slice3A_728, %select_n3A_724 : vector<8x3072xi1>, vector<8x3072xf32>
      %broadcast_in_dim3A_731 = arith.constant 840 : i32
      %broadcast_in_dim3A_732 = vector.broadcast %broadcast_in_dim3A_731 : i32 to vector<8x3072xi32>
      %select_n3A_733 = arith.select %lt3A_729, %broadcast_in_dim3A_732, %select_n3A_727 : vector<8x3072xi1>, vector<8x3072xi32>
      %slice3A_734 = vector.extract_strided_slice %add3A_100 {offsets = [848, 0], sizes = [8, 3072], strides = [1, 1]} : vector<2048x3072xf32> to vector<8x3072xf32>
      %lt3A_735 = arith.cmpf olt, %slice3A_734, %select_n3A_730 : vector<8x3072xf32>
      %select_n3A_736 = arith.select %lt3A_735, %slice3A_734, %select_n3A_730 : vector<8x3072xi1>, vector<8x3072xf32>
      %broadcast_in_dim3A_737 = arith.constant 848 : i32
      %broadcast_in_dim3A_738 = vector.broadcast %broadcast_in_dim3A_737 : i32 to vector<8x3072xi32>
      %select_n3A_739 = arith.select %lt3A_735, %broadcast_in_dim3A_738, %select_n3A_733 : vector<8x3072xi1>, vector<8x3072xi32>
      %slice3A_740 = vector.extract_strided_slice %add3A_100 {offsets = [856, 0], sizes = [8, 3072], strides = [1, 1]} : vector<2048x3072xf32> to vector<8x3072xf32>
      %lt3A_741 = arith.cmpf olt, %slice3A_740, %select_n3A_736 : vector<8x3072xf32>
      %select_n3A_742 = arith.select %lt3A_741, %slice3A_740, %select_n3A_736 : vector<8x3072xi1>, vector<8x3072xf32>
      %broadcast_in_dim3A_743 = arith.constant 856 : i32
      %broadcast_in_dim3A_744 = vector.broadcast %broadcast_in_dim3A_743 : i32 to vector<8x3072xi32>
      %select_n3A_745 = arith.select %lt3A_741, %broadcast_in_dim3A_744, %select_n3A_739 : vector<8x3072xi1>, vector<8x3072xi32>
      %slice3A_746 = vector.extract_strided_slice %add3A_100 {offsets = [864, 0], sizes = [8, 3072], strides = [1, 1]} : vector<2048x3072xf32> to vector<8x3072xf32>
      %lt3A_747 = arith.cmpf olt, %slice3A_746, %select_n3A_742 : vector<8x3072xf32>
      %select_n3A_748 = arith.select %lt3A_747, %slice3A_746, %select_n3A_742 : vector<8x3072xi1>, vector<8x3072xf32>
      %broadcast_in_dim3A_749 = arith.constant 864 : i32
      %broadcast_in_dim3A_750 = vector.broadcast %broadcast_in_dim3A_749 : i32 to vector<8x3072xi32>
      %select_n3A_751 = arith.select %lt3A_747, %broadcast_in_dim3A_750, %select_n3A_745 : vector<8x3072xi1>, vector<8x3072xi32>
      %slice3A_752 = vector.extract_strided_slice %add3A_100 {offsets = [872, 0], sizes = [8, 3072], strides = [1, 1]} : vector<2048x3072xf32> to vector<8x3072xf32>
      %lt3A_753 = arith.cmpf olt, %slice3A_752, %select_n3A_748 : vector<8x3072xf32>
      %select_n3A_754 = arith.select %lt3A_753, %slice3A_752, %select_n3A_748 : vector<8x3072xi1>, vector<8x3072xf32>
      %broadcast_in_dim3A_755 = arith.constant 872 : i32
      %broadcast_in_dim3A_756 = vector.broadcast %broadcast_in_dim3A_755 : i32 to vector<8x3072xi32>
      %select_n3A_757 = arith.select %lt3A_753, %broadcast_in_dim3A_756, %select_n3A_751 : vector<8x3072xi1>, vector<8x3072xi32>
      %slice3A_758 = vector.extract_strided_slice %add3A_100 {offsets = [880, 0], sizes = [8, 3072], strides = [1, 1]} : vector<2048x3072xf32> to vector<8x3072xf32>
      %lt3A_759 = arith.cmpf olt, %slice3A_758, %select_n3A_754 : vector<8x3072xf32>
      %select_n3A_760 = arith.select %lt3A_759, %slice3A_758, %select_n3A_754 : vector<8x3072xi1>, vector<8x3072xf32>
      %broadcast_in_dim3A_761 = arith.constant 880 : i32
      %broadcast_in_dim3A_762 = vector.broadcast %broadcast_in_dim3A_761 : i32 to vector<8x3072xi32>
      %select_n3A_763 = arith.select %lt3A_759, %broadcast_in_dim3A_762, %select_n3A_757 : vector<8x3072xi1>, vector<8x3072xi32>
      %slice3A_764 = vector.extract_strided_slice %add3A_100 {offsets = [888, 0], sizes = [8, 3072], strides = [1, 1]} : vector<2048x3072xf32> to vector<8x3072xf32>
      %lt3A_765 = arith.cmpf olt, %slice3A_764, %select_n3A_760 : vector<8x3072xf32>
      %select_n3A_766 = arith.select %lt3A_765, %slice3A_764, %select_n3A_760 : vector<8x3072xi1>, vector<8x3072xf32>
      %broadcast_in_dim3A_767 = arith.constant 888 : i32
      %broadcast_in_dim3A_768 = vector.broadcast %broadcast_in_dim3A_767 : i32 to vector<8x3072xi32>
      %select_n3A_769 = arith.select %lt3A_765, %broadcast_in_dim3A_768, %select_n3A_763 : vector<8x3072xi1>, vector<8x3072xi32>
      %slice3A_770 = vector.extract_strided_slice %add3A_100 {offsets = [896, 0], sizes = [8, 3072], strides = [1, 1]} : vector<2048x3072xf32> to vector<8x3072xf32>
      %lt3A_771 = arith.cmpf olt, %slice3A_770, %select_n3A_766 : vector<8x3072xf32>
      %select_n3A_772 = arith.select %lt3A_771, %slice3A_770, %select_n3A_766 : vector<8x3072xi1>, vector<8x3072xf32>
      %broadcast_in_dim3A_773 = arith.constant 896 : i32
      %broadcast_in_dim3A_774 = vector.broadcast %broadcast_in_dim3A_773 : i32 to vector<8x3072xi32>
      %select_n3A_775 = arith.select %lt3A_771, %broadcast_in_dim3A_774, %select_n3A_769 : vector<8x3072xi1>, vector<8x3072xi32>
      %slice3A_776 = vector.extract_strided_slice %add3A_100 {offsets = [904, 0], sizes = [8, 3072], strides = [1, 1]} : vector<2048x3072xf32> to vector<8x3072xf32>
      %lt3A_777 = arith.cmpf olt, %slice3A_776, %select_n3A_772 : vector<8x3072xf32>
      %select_n3A_778 = arith.select %lt3A_777, %slice3A_776, %select_n3A_772 : vector<8x3072xi1>, vector<8x3072xf32>
      %broadcast_in_dim3A_779 = arith.constant 904 : i32
      %broadcast_in_dim3A_780 = vector.broadcast %broadcast_in_dim3A_779 : i32 to vector<8x3072xi32>
      %select_n3A_781 = arith.select %lt3A_777, %broadcast_in_dim3A_780, %select_n3A_775 : vector<8x3072xi1>, vector<8x3072xi32>
      %slice3A_782 = vector.extract_strided_slice %add3A_100 {offsets = [912, 0], sizes = [8, 3072], strides = [1, 1]} : vector<2048x3072xf32> to vector<8x3072xf32>
      %lt3A_783 = arith.cmpf olt, %slice3A_782, %select_n3A_778 : vector<8x3072xf32>
      %select_n3A_784 = arith.select %lt3A_783, %slice3A_782, %select_n3A_778 : vector<8x3072xi1>, vector<8x3072xf32>
      %broadcast_in_dim3A_785 = arith.constant 912 : i32
      %broadcast_in_dim3A_786 = vector.broadcast %broadcast_in_dim3A_785 : i32 to vector<8x3072xi32>
      %select_n3A_787 = arith.select %lt3A_783, %broadcast_in_dim3A_786, %select_n3A_781 : vector<8x3072xi1>, vector<8x3072xi32>
      %slice3A_788 = vector.extract_strided_slice %add3A_100 {offsets = [920, 0], sizes = [8, 3072], strides = [1, 1]} : vector<2048x3072xf32> to vector<8x3072xf32>
      %lt3A_789 = arith.cmpf olt, %slice3A_788, %select_n3A_784 : vector<8x3072xf32>
      %select_n3A_790 = arith.select %lt3A_789, %slice3A_788, %select_n3A_784 : vector<8x3072xi1>, vector<8x3072xf32>
      %broadcast_in_dim3A_791 = arith.constant 920 : i32
      %broadcast_in_dim3A_792 = vector.broadcast %broadcast_in_dim3A_791 : i32 to vector<8x3072xi32>
      %select_n3A_793 = arith.select %lt3A_789, %broadcast_in_dim3A_792, %select_n3A_787 : vector<8x3072xi1>, vector<8x3072xi32>
      %slice3A_794 = vector.extract_strided_slice %add3A_100 {offsets = [928, 0], sizes = [8, 3072], strides = [1, 1]} : vector<2048x3072xf32> to vector<8x3072xf32>
      %lt3A_795 = arith.cmpf olt, %slice3A_794, %select_n3A_790 : vector<8x3072xf32>
      %select_n3A_796 = arith.select %lt3A_795, %slice3A_794, %select_n3A_790 : vector<8x3072xi1>, vector<8x3072xf32>
      %broadcast_in_dim3A_797 = arith.constant 928 : i32
      %broadcast_in_dim3A_798 = vector.broadcast %broadcast_in_dim3A_797 : i32 to vector<8x3072xi32>
      %select_n3A_799 = arith.select %lt3A_795, %broadcast_in_dim3A_798, %select_n3A_793 : vector<8x3072xi1>, vector<8x3072xi32>
      %slice3A_800 = vector.extract_strided_slice %add3A_100 {offsets = [936, 0], sizes = [8, 3072], strides = [1, 1]} : vector<2048x3072xf32> to vector<8x3072xf32>
      %lt3A_801 = arith.cmpf olt, %slice3A_800, %select_n3A_796 : vector<8x3072xf32>
      %select_n3A_802 = arith.select %lt3A_801, %slice3A_800, %select_n3A_796 : vector<8x3072xi1>, vector<8x3072xf32>
      %broadcast_in_dim3A_803 = arith.constant 936 : i32
      %broadcast_in_dim3A_804 = vector.broadcast %broadcast_in_dim3A_803 : i32 to vector<8x3072xi32>
      %select_n3A_805 = arith.select %lt3A_801, %broadcast_in_dim3A_804, %select_n3A_799 : vector<8x3072xi1>, vector<8x3072xi32>
      %slice3A_806 = vector.extract_strided_slice %add3A_100 {offsets = [944, 0], sizes = [8, 3072], strides = [1, 1]} : vector<2048x3072xf32> to vector<8x3072xf32>
      %lt3A_807 = arith.cmpf olt, %slice3A_806, %select_n3A_802 : vector<8x3072xf32>
      %select_n3A_808 = arith.select %lt3A_807, %slice3A_806, %select_n3A_802 : vector<8x3072xi1>, vector<8x3072xf32>
      %broadcast_in_dim3A_809 = arith.constant 944 : i32
      %broadcast_in_dim3A_810 = vector.broadcast %broadcast_in_dim3A_809 : i32 to vector<8x3072xi32>
      %select_n3A_811 = arith.select %lt3A_807, %broadcast_in_dim3A_810, %select_n3A_805 : vector<8x3072xi1>, vector<8x3072xi32>
      %slice3A_812 = vector.extract_strided_slice %add3A_100 {offsets = [952, 0], sizes = [8, 3072], strides = [1, 1]} : vector<2048x3072xf32> to vector<8x3072xf32>
      %lt3A_813 = arith.cmpf olt, %slice3A_812, %select_n3A_808 : vector<8x3072xf32>
      %select_n3A_814 = arith.select %lt3A_813, %slice3A_812, %select_n3A_808 : vector<8x3072xi1>, vector<8x3072xf32>
      %broadcast_in_dim3A_815 = arith.constant 952 : i32
      %broadcast_in_dim3A_816 = vector.broadcast %broadcast_in_dim3A_815 : i32 to vector<8x3072xi32>
      %select_n3A_817 = arith.select %lt3A_813, %broadcast_in_dim3A_816, %select_n3A_811 : vector<8x3072xi1>, vector<8x3072xi32>
      %slice3A_818 = vector.extract_strided_slice %add3A_100 {offsets = [960, 0], sizes = [8, 3072], strides = [1, 1]} : vector<2048x3072xf32> to vector<8x3072xf32>
      %lt3A_819 = arith.cmpf olt, %slice3A_818, %select_n3A_814 : vector<8x3072xf32>
      %select_n3A_820 = arith.select %lt3A_819, %slice3A_818, %select_n3A_814 : vector<8x3072xi1>, vector<8x3072xf32>
      %broadcast_in_dim3A_821 = arith.constant 960 : i32
      %broadcast_in_dim3A_822 = vector.broadcast %broadcast_in_dim3A_821 : i32 to vector<8x3072xi32>
      %select_n3A_823 = arith.select %lt3A_819, %broadcast_in_dim3A_822, %select_n3A_817 : vector<8x3072xi1>, vector<8x3072xi32>
      %slice3A_824 = vector.extract_strided_slice %add3A_100 {offsets = [968, 0], sizes = [8, 3072], strides = [1, 1]} : vector<2048x3072xf32> to vector<8x3072xf32>
      %lt3A_825 = arith.cmpf olt, %slice3A_824, %select_n3A_820 : vector<8x3072xf32>
      %select_n3A_826 = arith.select %lt3A_825, %slice3A_824, %select_n3A_820 : vector<8x3072xi1>, vector<8x3072xf32>
      %broadcast_in_dim3A_827 = arith.constant 968 : i32
      %broadcast_in_dim3A_828 = vector.broadcast %broadcast_in_dim3A_827 : i32 to vector<8x3072xi32>
      %select_n3A_829 = arith.select %lt3A_825, %broadcast_in_dim3A_828, %select_n3A_823 : vector<8x3072xi1>, vector<8x3072xi32>
      %slice3A_830 = vector.extract_strided_slice %add3A_100 {offsets = [976, 0], sizes = [8, 3072], strides = [1, 1]} : vector<2048x3072xf32> to vector<8x3072xf32>
      %lt3A_831 = arith.cmpf olt, %slice3A_830, %select_n3A_826 : vector<8x3072xf32>
      %select_n3A_832 = arith.select %lt3A_831, %slice3A_830, %select_n3A_826 : vector<8x3072xi1>, vector<8x3072xf32>
      %broadcast_in_dim3A_833 = arith.constant 976 : i32
      %broadcast_in_dim3A_834 = vector.broadcast %broadcast_in_dim3A_833 : i32 to vector<8x3072xi32>
      %select_n3A_835 = arith.select %lt3A_831, %broadcast_in_dim3A_834, %select_n3A_829 : vector<8x3072xi1>, vector<8x3072xi32>
      %slice3A_836 = vector.extract_strided_slice %add3A_100 {offsets = [984, 0], sizes = [8, 3072], strides = [1, 1]} : vector<2048x3072xf32> to vector<8x3072xf32>
      %lt3A_837 = arith.cmpf olt, %slice3A_836, %select_n3A_832 : vector<8x3072xf32>
      %select_n3A_838 = arith.select %lt3A_837, %slice3A_836, %select_n3A_832 : vector<8x3072xi1>, vector<8x3072xf32>
      %broadcast_in_dim3A_839 = arith.constant 984 : i32
      %broadcast_in_dim3A_840 = vector.broadcast %broadcast_in_dim3A_839 : i32 to vector<8x3072xi32>
      %select_n3A_841 = arith.select %lt3A_837, %broadcast_in_dim3A_840, %select_n3A_835 : vector<8x3072xi1>, vector<8x3072xi32>
      %slice3A_842 = vector.extract_strided_slice %add3A_100 {offsets = [992, 0], sizes = [8, 3072], strides = [1, 1]} : vector<2048x3072xf32> to vector<8x3072xf32>
      %lt3A_843 = arith.cmpf olt, %slice3A_842, %select_n3A_838 : vector<8x3072xf32>
      %select_n3A_844 = arith.select %lt3A_843, %slice3A_842, %select_n3A_838 : vector<8x3072xi1>, vector<8x3072xf32>
      %broadcast_in_dim3A_845 = arith.constant 992 : i32
      %broadcast_in_dim3A_846 = vector.broadcast %broadcast_in_dim3A_845 : i32 to vector<8x3072xi32>
      %select_n3A_847 = arith.select %lt3A_843, %broadcast_in_dim3A_846, %select_n3A_841 : vector<8x3072xi1>, vector<8x3072xi32>
      %slice3A_848 = vector.extract_strided_slice %add3A_100 {offsets = [1000, 0], sizes = [8, 3072], strides = [1, 1]} : vector<2048x3072xf32> to vector<8x3072xf32>
      %lt3A_849 = arith.cmpf olt, %slice3A_848, %select_n3A_844 : vector<8x3072xf32>
      %select_n3A_850 = arith.select %lt3A_849, %slice3A_848, %select_n3A_844 : vector<8x3072xi1>, vector<8x3072xf32>
      %broadcast_in_dim3A_851 = arith.constant 1000 : i32
      %broadcast_in_dim3A_852 = vector.broadcast %broadcast_in_dim3A_851 : i32 to vector<8x3072xi32>
      %select_n3A_853 = arith.select %lt3A_849, %broadcast_in_dim3A_852, %select_n3A_847 : vector<8x3072xi1>, vector<8x3072xi32>
      %slice3A_854 = vector.extract_strided_slice %add3A_100 {offsets = [1008, 0], sizes = [8, 3072], strides = [1, 1]} : vector<2048x3072xf32> to vector<8x3072xf32>
      %lt3A_855 = arith.cmpf olt, %slice3A_854, %select_n3A_850 : vector<8x3072xf32>
      %select_n3A_856 = arith.select %lt3A_855, %slice3A_854, %select_n3A_850 : vector<8x3072xi1>, vector<8x3072xf32>
      %broadcast_in_dim3A_857 = arith.constant 1008 : i32
      %broadcast_in_dim3A_858 = vector.broadcast %broadcast_in_dim3A_857 : i32 to vector<8x3072xi32>
      %select_n3A_859 = arith.select %lt3A_855, %broadcast_in_dim3A_858, %select_n3A_853 : vector<8x3072xi1>, vector<8x3072xi32>
      %slice3A_860 = vector.extract_strided_slice %add3A_100 {offsets = [1016, 0], sizes = [8, 3072], strides = [1, 1]} : vector<2048x3072xf32> to vector<8x3072xf32>
      %lt3A_861 = arith.cmpf olt, %slice3A_860, %select_n3A_856 : vector<8x3072xf32>
      %select_n3A_862 = arith.select %lt3A_861, %slice3A_860, %select_n3A_856 : vector<8x3072xi1>, vector<8x3072xf32>
      %broadcast_in_dim3A_863 = arith.constant 1016 : i32
      %broadcast_in_dim3A_864 = vector.broadcast %broadcast_in_dim3A_863 : i32 to vector<8x3072xi32>
      %select_n3A_865 = arith.select %lt3A_861, %broadcast_in_dim3A_864, %select_n3A_859 : vector<8x3072xi1>, vector<8x3072xi32>
      %slice3A_866 = vector.extract_strided_slice %add3A_100 {offsets = [1024, 0], sizes = [8, 3072], strides = [1, 1]} : vector<2048x3072xf32> to vector<8x3072xf32>
      %lt3A_867 = arith.cmpf olt, %slice3A_866, %select_n3A_862 : vector<8x3072xf32>
      %select_n3A_868 = arith.select %lt3A_867, %slice3A_866, %select_n3A_862 : vector<8x3072xi1>, vector<8x3072xf32>
      %broadcast_in_dim3A_869 = arith.constant 1024 : i32
      %broadcast_in_dim3A_870 = vector.broadcast %broadcast_in_dim3A_869 : i32 to vector<8x3072xi32>
      %select_n3A_871 = arith.select %lt3A_867, %broadcast_in_dim3A_870, %select_n3A_865 : vector<8x3072xi1>, vector<8x3072xi32>
      %slice3A_872 = vector.extract_strided_slice %add3A_100 {offsets = [1032, 0], sizes = [8, 3072], strides = [1, 1]} : vector<2048x3072xf32> to vector<8x3072xf32>
      %lt3A_873 = arith.cmpf olt, %slice3A_872, %select_n3A_868 : vector<8x3072xf32>
      %select_n3A_874 = arith.select %lt3A_873, %slice3A_872, %select_n3A_868 : vector<8x3072xi1>, vector<8x3072xf32>
      %broadcast_in_dim3A_875 = arith.constant 1032 : i32
      %broadcast_in_dim3A_876 = vector.broadcast %broadcast_in_dim3A_875 : i32 to vector<8x3072xi32>
      %select_n3A_877 = arith.select %lt3A_873, %broadcast_in_dim3A_876, %select_n3A_871 : vector<8x3072xi1>, vector<8x3072xi32>
      %slice3A_878 = vector.extract_strided_slice %add3A_100 {offsets = [1040, 0], sizes = [8, 3072], strides = [1, 1]} : vector<2048x3072xf32> to vector<8x3072xf32>
      %lt3A_879 = arith.cmpf olt, %slice3A_878, %select_n3A_874 : vector<8x3072xf32>
      %select_n3A_880 = arith.select %lt3A_879, %slice3A_878, %select_n3A_874 : vector<8x3072xi1>, vector<8x3072xf32>
      %broadcast_in_dim3A_881 = arith.constant 1040 : i32
      %broadcast_in_dim3A_882 = vector.broadcast %broadcast_in_dim3A_881 : i32 to vector<8x3072xi32>
      %select_n3A_883 = arith.select %lt3A_879, %broadcast_in_dim3A_882, %select_n3A_877 : vector<8x3072xi1>, vector<8x3072xi32>
      %slice3A_884 = vector.extract_strided_slice %add3A_100 {offsets = [1048, 0], sizes = [8, 3072], strides = [1, 1]} : vector<2048x3072xf32> to vector<8x3072xf32>
      %lt3A_885 = arith.cmpf olt, %slice3A_884, %select_n3A_880 : vector<8x3072xf32>
      %select_n3A_886 = arith.select %lt3A_885, %slice3A_884, %select_n3A_880 : vector<8x3072xi1>, vector<8x3072xf32>
      %broadcast_in_dim3A_887 = arith.constant 1048 : i32
      %broadcast_in_dim3A_888 = vector.broadcast %broadcast_in_dim3A_887 : i32 to vector<8x3072xi32>
      %select_n3A_889 = arith.select %lt3A_885, %broadcast_in_dim3A_888, %select_n3A_883 : vector<8x3072xi1>, vector<8x3072xi32>
      %slice3A_890 = vector.extract_strided_slice %add3A_100 {offsets = [1056, 0], sizes = [8, 3072], strides = [1, 1]} : vector<2048x3072xf32> to vector<8x3072xf32>
      %lt3A_891 = arith.cmpf olt, %slice3A_890, %select_n3A_886 : vector<8x3072xf32>
      %select_n3A_892 = arith.select %lt3A_891, %slice3A_890, %select_n3A_886 : vector<8x3072xi1>, vector<8x3072xf32>
      %broadcast_in_dim3A_893 = arith.constant 1056 : i32
      %broadcast_in_dim3A_894 = vector.broadcast %broadcast_in_dim3A_893 : i32 to vector<8x3072xi32>
      %select_n3A_895 = arith.select %lt3A_891, %broadcast_in_dim3A_894, %select_n3A_889 : vector<8x3072xi1>, vector<8x3072xi32>
      %slice3A_896 = vector.extract_strided_slice %add3A_100 {offsets = [1064, 0], sizes = [8, 3072], strides = [1, 1]} : vector<2048x3072xf32> to vector<8x3072xf32>
      %lt3A_897 = arith.cmpf olt, %slice3A_896, %select_n3A_892 : vector<8x3072xf32>
      %select_n3A_898 = arith.select %lt3A_897, %slice3A_896, %select_n3A_892 : vector<8x3072xi1>, vector<8x3072xf32>
      %broadcast_in_dim3A_899 = arith.constant 1064 : i32
      %broadcast_in_dim3A_900 = vector.broadcast %broadcast_in_dim3A_899 : i32 to vector<8x3072xi32>
      %select_n3A_901 = arith.select %lt3A_897, %broadcast_in_dim3A_900, %select_n3A_895 : vector<8x3072xi1>, vector<8x3072xi32>
      %slice3A_902 = vector.extract_strided_slice %add3A_100 {offsets = [1072, 0], sizes = [8, 3072], strides = [1, 1]} : vector<2048x3072xf32> to vector<8x3072xf32>
      %lt3A_903 = arith.cmpf olt, %slice3A_902, %select_n3A_898 : vector<8x3072xf32>
      %select_n3A_904 = arith.select %lt3A_903, %slice3A_902, %select_n3A_898 : vector<8x3072xi1>, vector<8x3072xf32>
      %broadcast_in_dim3A_905 = arith.constant 1072 : i32
      %broadcast_in_dim3A_906 = vector.broadcast %broadcast_in_dim3A_905 : i32 to vector<8x3072xi32>
      %select_n3A_907 = arith.select %lt3A_903, %broadcast_in_dim3A_906, %select_n3A_901 : vector<8x3072xi1>, vector<8x3072xi32>
      %slice3A_908 = vector.extract_strided_slice %add3A_100 {offsets = [1080, 0], sizes = [8, 3072], strides = [1, 1]} : vector<2048x3072xf32> to vector<8x3072xf32>
      %lt3A_909 = arith.cmpf olt, %slice3A_908, %select_n3A_904 : vector<8x3072xf32>
      %select_n3A_910 = arith.select %lt3A_909, %slice3A_908, %select_n3A_904 : vector<8x3072xi1>, vector<8x3072xf32>
      %broadcast_in_dim3A_911 = arith.constant 1080 : i32
      %broadcast_in_dim3A_912 = vector.broadcast %broadcast_in_dim3A_911 : i32 to vector<8x3072xi32>
      %select_n3A_913 = arith.select %lt3A_909, %broadcast_in_dim3A_912, %select_n3A_907 : vector<8x3072xi1>, vector<8x3072xi32>
      %slice3A_914 = vector.extract_strided_slice %add3A_100 {offsets = [1088, 0], sizes = [8, 3072], strides = [1, 1]} : vector<2048x3072xf32> to vector<8x3072xf32>
      %lt3A_915 = arith.cmpf olt, %slice3A_914, %select_n3A_910 : vector<8x3072xf32>
      %select_n3A_916 = arith.select %lt3A_915, %slice3A_914, %select_n3A_910 : vector<8x3072xi1>, vector<8x3072xf32>
      %broadcast_in_dim3A_917 = arith.constant 1088 : i32
      %broadcast_in_dim3A_918 = vector.broadcast %broadcast_in_dim3A_917 : i32 to vector<8x3072xi32>
      %select_n3A_919 = arith.select %lt3A_915, %broadcast_in_dim3A_918, %select_n3A_913 : vector<8x3072xi1>, vector<8x3072xi32>
      %slice3A_920 = vector.extract_strided_slice %add3A_100 {offsets = [1096, 0], sizes = [8, 3072], strides = [1, 1]} : vector<2048x3072xf32> to vector<8x3072xf32>
      %lt3A_921 = arith.cmpf olt, %slice3A_920, %select_n3A_916 : vector<8x3072xf32>
      %select_n3A_922 = arith.select %lt3A_921, %slice3A_920, %select_n3A_916 : vector<8x3072xi1>, vector<8x3072xf32>
      %broadcast_in_dim3A_923 = arith.constant 1096 : i32
      %broadcast_in_dim3A_924 = vector.broadcast %broadcast_in_dim3A_923 : i32 to vector<8x3072xi32>
      %select_n3A_925 = arith.select %lt3A_921, %broadcast_in_dim3A_924, %select_n3A_919 : vector<8x3072xi1>, vector<8x3072xi32>
      %slice3A_926 = vector.extract_strided_slice %add3A_100 {offsets = [1104, 0], sizes = [8, 3072], strides = [1, 1]} : vector<2048x3072xf32> to vector<8x3072xf32>
      %lt3A_927 = arith.cmpf olt, %slice3A_926, %select_n3A_922 : vector<8x3072xf32>
      %select_n3A_928 = arith.select %lt3A_927, %slice3A_926, %select_n3A_922 : vector<8x3072xi1>, vector<8x3072xf32>
      %broadcast_in_dim3A_929 = arith.constant 1104 : i32
      %broadcast_in_dim3A_930 = vector.broadcast %broadcast_in_dim3A_929 : i32 to vector<8x3072xi32>
      %select_n3A_931 = arith.select %lt3A_927, %broadcast_in_dim3A_930, %select_n3A_925 : vector<8x3072xi1>, vector<8x3072xi32>
      %slice3A_932 = vector.extract_strided_slice %add3A_100 {offsets = [1112, 0], sizes = [8, 3072], strides = [1, 1]} : vector<2048x3072xf32> to vector<8x3072xf32>
      %lt3A_933 = arith.cmpf olt, %slice3A_932, %select_n3A_928 : vector<8x3072xf32>
      %select_n3A_934 = arith.select %lt3A_933, %slice3A_932, %select_n3A_928 : vector<8x3072xi1>, vector<8x3072xf32>
      %broadcast_in_dim3A_935 = arith.constant 1112 : i32
      %broadcast_in_dim3A_936 = vector.broadcast %broadcast_in_dim3A_935 : i32 to vector<8x3072xi32>
      %select_n3A_937 = arith.select %lt3A_933, %broadcast_in_dim3A_936, %select_n3A_931 : vector<8x3072xi1>, vector<8x3072xi32>
      %slice3A_938 = vector.extract_strided_slice %add3A_100 {offsets = [1120, 0], sizes = [8, 3072], strides = [1, 1]} : vector<2048x3072xf32> to vector<8x3072xf32>
      %lt3A_939 = arith.cmpf olt, %slice3A_938, %select_n3A_934 : vector<8x3072xf32>
      %select_n3A_940 = arith.select %lt3A_939, %slice3A_938, %select_n3A_934 : vector<8x3072xi1>, vector<8x3072xf32>
      %broadcast_in_dim3A_941 = arith.constant 1120 : i32
      %broadcast_in_dim3A_942 = vector.broadcast %broadcast_in_dim3A_941 : i32 to vector<8x3072xi32>
      %select_n3A_943 = arith.select %lt3A_939, %broadcast_in_dim3A_942, %select_n3A_937 : vector<8x3072xi1>, vector<8x3072xi32>
      %slice3A_944 = vector.extract_strided_slice %add3A_100 {offsets = [1128, 0], sizes = [8, 3072], strides = [1, 1]} : vector<2048x3072xf32> to vector<8x3072xf32>
      %lt3A_945 = arith.cmpf olt, %slice3A_944, %select_n3A_940 : vector<8x3072xf32>
      %select_n3A_946 = arith.select %lt3A_945, %slice3A_944, %select_n3A_940 : vector<8x3072xi1>, vector<8x3072xf32>
      %broadcast_in_dim3A_947 = arith.constant 1128 : i32
      %broadcast_in_dim3A_948 = vector.broadcast %broadcast_in_dim3A_947 : i32 to vector<8x3072xi32>
      %select_n3A_949 = arith.select %lt3A_945, %broadcast_in_dim3A_948, %select_n3A_943 : vector<8x3072xi1>, vector<8x3072xi32>
      %slice3A_950 = vector.extract_strided_slice %add3A_100 {offsets = [1136, 0], sizes = [8, 3072], strides = [1, 1]} : vector<2048x3072xf32> to vector<8x3072xf32>
      %lt3A_951 = arith.cmpf olt, %slice3A_950, %select_n3A_946 : vector<8x3072xf32>
      %select_n3A_952 = arith.select %lt3A_951, %slice3A_950, %select_n3A_946 : vector<8x3072xi1>, vector<8x3072xf32>
      %broadcast_in_dim3A_953 = arith.constant 1136 : i32
      %broadcast_in_dim3A_954 = vector.broadcast %broadcast_in_dim3A_953 : i32 to vector<8x3072xi32>
      %select_n3A_955 = arith.select %lt3A_951, %broadcast_in_dim3A_954, %select_n3A_949 : vector<8x3072xi1>, vector<8x3072xi32>
      %slice3A_956 = vector.extract_strided_slice %add3A_100 {offsets = [1144, 0], sizes = [8, 3072], strides = [1, 1]} : vector<2048x3072xf32> to vector<8x3072xf32>
      %lt3A_957 = arith.cmpf olt, %slice3A_956, %select_n3A_952 : vector<8x3072xf32>
      %select_n3A_958 = arith.select %lt3A_957, %slice3A_956, %select_n3A_952 : vector<8x3072xi1>, vector<8x3072xf32>
      %broadcast_in_dim3A_959 = arith.constant 1144 : i32
      %broadcast_in_dim3A_960 = vector.broadcast %broadcast_in_dim3A_959 : i32 to vector<8x3072xi32>
      %select_n3A_961 = arith.select %lt3A_957, %broadcast_in_dim3A_960, %select_n3A_955 : vector<8x3072xi1>, vector<8x3072xi32>
      %slice3A_962 = vector.extract_strided_slice %add3A_100 {offsets = [1152, 0], sizes = [8, 3072], strides = [1, 1]} : vector<2048x3072xf32> to vector<8x3072xf32>
      %lt3A_963 = arith.cmpf olt, %slice3A_962, %select_n3A_958 : vector<8x3072xf32>
      %select_n3A_964 = arith.select %lt3A_963, %slice3A_962, %select_n3A_958 : vector<8x3072xi1>, vector<8x3072xf32>
      %broadcast_in_dim3A_965 = arith.constant 1152 : i32
      %broadcast_in_dim3A_966 = vector.broadcast %broadcast_in_dim3A_965 : i32 to vector<8x3072xi32>
      %select_n3A_967 = arith.select %lt3A_963, %broadcast_in_dim3A_966, %select_n3A_961 : vector<8x3072xi1>, vector<8x3072xi32>
      %slice3A_968 = vector.extract_strided_slice %add3A_100 {offsets = [1160, 0], sizes = [8, 3072], strides = [1, 1]} : vector<2048x3072xf32> to vector<8x3072xf32>
      %lt3A_969 = arith.cmpf olt, %slice3A_968, %select_n3A_964 : vector<8x3072xf32>
      %select_n3A_970 = arith.select %lt3A_969, %slice3A_968, %select_n3A_964 : vector<8x3072xi1>, vector<8x3072xf32>
      %broadcast_in_dim3A_971 = arith.constant 1160 : i32
      %broadcast_in_dim3A_972 = vector.broadcast %broadcast_in_dim3A_971 : i32 to vector<8x3072xi32>
      %select_n3A_973 = arith.select %lt3A_969, %broadcast_in_dim3A_972, %select_n3A_967 : vector<8x3072xi1>, vector<8x3072xi32>
      %slice3A_974 = vector.extract_strided_slice %add3A_100 {offsets = [1168, 0], sizes = [8, 3072], strides = [1, 1]} : vector<2048x3072xf32> to vector<8x3072xf32>
      %lt3A_975 = arith.cmpf olt, %slice3A_974, %select_n3A_970 : vector<8x3072xf32>
      %select_n3A_976 = arith.select %lt3A_975, %slice3A_974, %select_n3A_970 : vector<8x3072xi1>, vector<8x3072xf32>
      %broadcast_in_dim3A_977 = arith.constant 1168 : i32
      %broadcast_in_dim3A_978 = vector.broadcast %broadcast_in_dim3A_977 : i32 to vector<8x3072xi32>
      %select_n3A_979 = arith.select %lt3A_975, %broadcast_in_dim3A_978, %select_n3A_973 : vector<8x3072xi1>, vector<8x3072xi32>
      %slice3A_980 = vector.extract_strided_slice %add3A_100 {offsets = [1176, 0], sizes = [8, 3072], strides = [1, 1]} : vector<2048x3072xf32> to vector<8x3072xf32>
      %lt3A_981 = arith.cmpf olt, %slice3A_980, %select_n3A_976 : vector<8x3072xf32>
      %select_n3A_982 = arith.select %lt3A_981, %slice3A_980, %select_n3A_976 : vector<8x3072xi1>, vector<8x3072xf32>
      %broadcast_in_dim3A_983 = arith.constant 1176 : i32
      %broadcast_in_dim3A_984 = vector.broadcast %broadcast_in_dim3A_983 : i32 to vector<8x3072xi32>
      %select_n3A_985 = arith.select %lt3A_981, %broadcast_in_dim3A_984, %select_n3A_979 : vector<8x3072xi1>, vector<8x3072xi32>
      %slice3A_986 = vector.extract_strided_slice %add3A_100 {offsets = [1184, 0], sizes = [8, 3072], strides = [1, 1]} : vector<2048x3072xf32> to vector<8x3072xf32>
      %lt3A_987 = arith.cmpf olt, %slice3A_986, %select_n3A_982 : vector<8x3072xf32>
      %select_n3A_988 = arith.select %lt3A_987, %slice3A_986, %select_n3A_982 : vector<8x3072xi1>, vector<8x3072xf32>
      %broadcast_in_dim3A_989 = arith.constant 1184 : i32
      %broadcast_in_dim3A_990 = vector.broadcast %broadcast_in_dim3A_989 : i32 to vector<8x3072xi32>
      %select_n3A_991 = arith.select %lt3A_987, %broadcast_in_dim3A_990, %select_n3A_985 : vector<8x3072xi1>, vector<8x3072xi32>
      %slice3A_992 = vector.extract_strided_slice %add3A_100 {offsets = [1192, 0], sizes = [8, 3072], strides = [1, 1]} : vector<2048x3072xf32> to vector<8x3072xf32>
      %lt3A_993 = arith.cmpf olt, %slice3A_992, %select_n3A_988 : vector<8x3072xf32>
      %select_n3A_994 = arith.select %lt3A_993, %slice3A_992, %select_n3A_988 : vector<8x3072xi1>, vector<8x3072xf32>
      %broadcast_in_dim3A_995 = arith.constant 1192 : i32
      %broadcast_in_dim3A_996 = vector.broadcast %broadcast_in_dim3A_995 : i32 to vector<8x3072xi32>
      %select_n3A_997 = arith.select %lt3A_993, %broadcast_in_dim3A_996, %select_n3A_991 : vector<8x3072xi1>, vector<8x3072xi32>
      %slice3A_998 = vector.extract_strided_slice %add3A_100 {offsets = [1200, 0], sizes = [8, 3072], strides = [1, 1]} : vector<2048x3072xf32> to vector<8x3072xf32>
      %lt3A_999 = arith.cmpf olt, %slice3A_998, %select_n3A_994 : vector<8x3072xf32>
      %select_n3A_1000 = arith.select %lt3A_999, %slice3A_998, %select_n3A_994 : vector<8x3072xi1>, vector<8x3072xf32>
      %broadcast_in_dim3A_1001 = arith.constant 1200 : i32
      %broadcast_in_dim3A_1002 = vector.broadcast %broadcast_in_dim3A_1001 : i32 to vector<8x3072xi32>
      %select_n3A_1003 = arith.select %lt3A_999, %broadcast_in_dim3A_1002, %select_n3A_997 : vector<8x3072xi1>, vector<8x3072xi32>
      %slice3A_1004 = vector.extract_strided_slice %add3A_100 {offsets = [1208, 0], sizes = [8, 3072], strides = [1, 1]} : vector<2048x3072xf32> to vector<8x3072xf32>
      %lt3A_1005 = arith.cmpf olt, %slice3A_1004, %select_n3A_1000 : vector<8x3072xf32>
      %select_n3A_1006 = arith.select %lt3A_1005, %slice3A_1004, %select_n3A_1000 : vector<8x3072xi1>, vector<8x3072xf32>
      %broadcast_in_dim3A_1007 = arith.constant 1208 : i32
      %broadcast_in_dim3A_1008 = vector.broadcast %broadcast_in_dim3A_1007 : i32 to vector<8x3072xi32>
      %select_n3A_1009 = arith.select %lt3A_1005, %broadcast_in_dim3A_1008, %select_n3A_1003 : vector<8x3072xi1>, vector<8x3072xi32>
      %slice3A_1010 = vector.extract_strided_slice %add3A_100 {offsets = [1216, 0], sizes = [8, 3072], strides = [1, 1]} : vector<2048x3072xf32> to vector<8x3072xf32>
      %lt3A_1011 = arith.cmpf olt, %slice3A_1010, %select_n3A_1006 : vector<8x3072xf32>
      %select_n3A_1012 = arith.select %lt3A_1011, %slice3A_1010, %select_n3A_1006 : vector<8x3072xi1>, vector<8x3072xf32>
      %broadcast_in_dim3A_1013 = arith.constant 1216 : i32
      %broadcast_in_dim3A_1014 = vector.broadcast %broadcast_in_dim3A_1013 : i32 to vector<8x3072xi32>
      %select_n3A_1015 = arith.select %lt3A_1011, %broadcast_in_dim3A_1014, %select_n3A_1009 : vector<8x3072xi1>, vector<8x3072xi32>
      %slice3A_1016 = vector.extract_strided_slice %add3A_100 {offsets = [1224, 0], sizes = [8, 3072], strides = [1, 1]} : vector<2048x3072xf32> to vector<8x3072xf32>
      %lt3A_1017 = arith.cmpf olt, %slice3A_1016, %select_n3A_1012 : vector<8x3072xf32>
      %select_n3A_1018 = arith.select %lt3A_1017, %slice3A_1016, %select_n3A_1012 : vector<8x3072xi1>, vector<8x3072xf32>
      %broadcast_in_dim3A_1019 = arith.constant 1224 : i32
      %broadcast_in_dim3A_1020 = vector.broadcast %broadcast_in_dim3A_1019 : i32 to vector<8x3072xi32>
      %select_n3A_1021 = arith.select %lt3A_1017, %broadcast_in_dim3A_1020, %select_n3A_1015 : vector<8x3072xi1>, vector<8x3072xi32>
      %slice3A_1022 = vector.extract_strided_slice %add3A_100 {offsets = [1232, 0], sizes = [8, 3072], strides = [1, 1]} : vector<2048x3072xf32> to vector<8x3072xf32>
      %lt3A_1023 = arith.cmpf olt, %slice3A_1022, %select_n3A_1018 : vector<8x3072xf32>
      %select_n3A_1024 = arith.select %lt3A_1023, %slice3A_1022, %select_n3A_1018 : vector<8x3072xi1>, vector<8x3072xf32>
      %broadcast_in_dim3A_1025 = arith.constant 1232 : i32
      %broadcast_in_dim3A_1026 = vector.broadcast %broadcast_in_dim3A_1025 : i32 to vector<8x3072xi32>
      %select_n3A_1027 = arith.select %lt3A_1023, %broadcast_in_dim3A_1026, %select_n3A_1021 : vector<8x3072xi1>, vector<8x3072xi32>
      %slice3A_1028 = vector.extract_strided_slice %add3A_100 {offsets = [1240, 0], sizes = [8, 3072], strides = [1, 1]} : vector<2048x3072xf32> to vector<8x3072xf32>
      %lt3A_1029 = arith.cmpf olt, %slice3A_1028, %select_n3A_1024 : vector<8x3072xf32>
      %select_n3A_1030 = arith.select %lt3A_1029, %slice3A_1028, %select_n3A_1024 : vector<8x3072xi1>, vector<8x3072xf32>
      %broadcast_in_dim3A_1031 = arith.constant 1240 : i32
      %broadcast_in_dim3A_1032 = vector.broadcast %broadcast_in_dim3A_1031 : i32 to vector<8x3072xi32>
      %select_n3A_1033 = arith.select %lt3A_1029, %broadcast_in_dim3A_1032, %select_n3A_1027 : vector<8x3072xi1>, vector<8x3072xi32>
      %slice3A_1034 = vector.extract_strided_slice %add3A_100 {offsets = [1248, 0], sizes = [8, 3072], strides = [1, 1]} : vector<2048x3072xf32> to vector<8x3072xf32>
      %lt3A_1035 = arith.cmpf olt, %slice3A_1034, %select_n3A_1030 : vector<8x3072xf32>
      %select_n3A_1036 = arith.select %lt3A_1035, %slice3A_1034, %select_n3A_1030 : vector<8x3072xi1>, vector<8x3072xf32>
      %broadcast_in_dim3A_1037 = arith.constant 1248 : i32
      %broadcast_in_dim3A_1038 = vector.broadcast %broadcast_in_dim3A_1037 : i32 to vector<8x3072xi32>
      %select_n3A_1039 = arith.select %lt3A_1035, %broadcast_in_dim3A_1038, %select_n3A_1033 : vector<8x3072xi1>, vector<8x3072xi32>
      %slice3A_1040 = vector.extract_strided_slice %add3A_100 {offsets = [1256, 0], sizes = [8, 3072], strides = [1, 1]} : vector<2048x3072xf32> to vector<8x3072xf32>
      %lt3A_1041 = arith.cmpf olt, %slice3A_1040, %select_n3A_1036 : vector<8x3072xf32>
      %select_n3A_1042 = arith.select %lt3A_1041, %slice3A_1040, %select_n3A_1036 : vector<8x3072xi1>, vector<8x3072xf32>
      %broadcast_in_dim3A_1043 = arith.constant 1256 : i32
      %broadcast_in_dim3A_1044 = vector.broadcast %broadcast_in_dim3A_1043 : i32 to vector<8x3072xi32>
      %select_n3A_1045 = arith.select %lt3A_1041, %broadcast_in_dim3A_1044, %select_n3A_1039 : vector<8x3072xi1>, vector<8x3072xi32>
      %slice3A_1046 = vector.extract_strided_slice %add3A_100 {offsets = [1264, 0], sizes = [8, 3072], strides = [1, 1]} : vector<2048x3072xf32> to vector<8x3072xf32>
      %lt3A_1047 = arith.cmpf olt, %slice3A_1046, %select_n3A_1042 : vector<8x3072xf32>
      %select_n3A_1048 = arith.select %lt3A_1047, %slice3A_1046, %select_n3A_1042 : vector<8x3072xi1>, vector<8x3072xf32>
      %broadcast_in_dim3A_1049 = arith.constant 1264 : i32
      %broadcast_in_dim3A_1050 = vector.broadcast %broadcast_in_dim3A_1049 : i32 to vector<8x3072xi32>
      %select_n3A_1051 = arith.select %lt3A_1047, %broadcast_in_dim3A_1050, %select_n3A_1045 : vector<8x3072xi1>, vector<8x3072xi32>
      %slice3A_1052 = vector.extract_strided_slice %add3A_100 {offsets = [1272, 0], sizes = [8, 3072], strides = [1, 1]} : vector<2048x3072xf32> to vector<8x3072xf32>
      %lt3A_1053 = arith.cmpf olt, %slice3A_1052, %select_n3A_1048 : vector<8x3072xf32>
      %select_n3A_1054 = arith.select %lt3A_1053, %slice3A_1052, %select_n3A_1048 : vector<8x3072xi1>, vector<8x3072xf32>
      %broadcast_in_dim3A_1055 = arith.constant 1272 : i32
      %broadcast_in_dim3A_1056 = vector.broadcast %broadcast_in_dim3A_1055 : i32 to vector<8x3072xi32>
      %select_n3A_1057 = arith.select %lt3A_1053, %broadcast_in_dim3A_1056, %select_n3A_1051 : vector<8x3072xi1>, vector<8x3072xi32>
      %slice3A_1058 = vector.extract_strided_slice %add3A_100 {offsets = [1280, 0], sizes = [8, 3072], strides = [1, 1]} : vector<2048x3072xf32> to vector<8x3072xf32>
      %lt3A_1059 = arith.cmpf olt, %slice3A_1058, %select_n3A_1054 : vector<8x3072xf32>
      %select_n3A_1060 = arith.select %lt3A_1059, %slice3A_1058, %select_n3A_1054 : vector<8x3072xi1>, vector<8x3072xf32>
      %broadcast_in_dim3A_1061 = arith.constant 1280 : i32
      %broadcast_in_dim3A_1062 = vector.broadcast %broadcast_in_dim3A_1061 : i32 to vector<8x3072xi32>
      %select_n3A_1063 = arith.select %lt3A_1059, %broadcast_in_dim3A_1062, %select_n3A_1057 : vector<8x3072xi1>, vector<8x3072xi32>
      %slice3A_1064 = vector.extract_strided_slice %add3A_100 {offsets = [1288, 0], sizes = [8, 3072], strides = [1, 1]} : vector<2048x3072xf32> to vector<8x3072xf32>
      %lt3A_1065 = arith.cmpf olt, %slice3A_1064, %select_n3A_1060 : vector<8x3072xf32>
      %select_n3A_1066 = arith.select %lt3A_1065, %slice3A_1064, %select_n3A_1060 : vector<8x3072xi1>, vector<8x3072xf32>
      %broadcast_in_dim3A_1067 = arith.constant 1288 : i32
      %broadcast_in_dim3A_1068 = vector.broadcast %broadcast_in_dim3A_1067 : i32 to vector<8x3072xi32>
      %select_n3A_1069 = arith.select %lt3A_1065, %broadcast_in_dim3A_1068, %select_n3A_1063 : vector<8x3072xi1>, vector<8x3072xi32>
      %slice3A_1070 = vector.extract_strided_slice %add3A_100 {offsets = [1296, 0], sizes = [8, 3072], strides = [1, 1]} : vector<2048x3072xf32> to vector<8x3072xf32>
      %lt3A_1071 = arith.cmpf olt, %slice3A_1070, %select_n3A_1066 : vector<8x3072xf32>
      %select_n3A_1072 = arith.select %lt3A_1071, %slice3A_1070, %select_n3A_1066 : vector<8x3072xi1>, vector<8x3072xf32>
      %broadcast_in_dim3A_1073 = arith.constant 1296 : i32
      %broadcast_in_dim3A_1074 = vector.broadcast %broadcast_in_dim3A_1073 : i32 to vector<8x3072xi32>
      %select_n3A_1075 = arith.select %lt3A_1071, %broadcast_in_dim3A_1074, %select_n3A_1069 : vector<8x3072xi1>, vector<8x3072xi32>
      %slice3A_1076 = vector.extract_strided_slice %add3A_100 {offsets = [1304, 0], sizes = [8, 3072], strides = [1, 1]} : vector<2048x3072xf32> to vector<8x3072xf32>
      %lt3A_1077 = arith.cmpf olt, %slice3A_1076, %select_n3A_1072 : vector<8x3072xf32>
      %select_n3A_1078 = arith.select %lt3A_1077, %slice3A_1076, %select_n3A_1072 : vector<8x3072xi1>, vector<8x3072xf32>
      %broadcast_in_dim3A_1079 = arith.constant 1304 : i32
      %broadcast_in_dim3A_1080 = vector.broadcast %broadcast_in_dim3A_1079 : i32 to vector<8x3072xi32>
      %select_n3A_1081 = arith.select %lt3A_1077, %broadcast_in_dim3A_1080, %select_n3A_1075 : vector<8x3072xi1>, vector<8x3072xi32>
      %slice3A_1082 = vector.extract_strided_slice %add3A_100 {offsets = [1312, 0], sizes = [8, 3072], strides = [1, 1]} : vector<2048x3072xf32> to vector<8x3072xf32>
      %lt3A_1083 = arith.cmpf olt, %slice3A_1082, %select_n3A_1078 : vector<8x3072xf32>
      %select_n3A_1084 = arith.select %lt3A_1083, %slice3A_1082, %select_n3A_1078 : vector<8x3072xi1>, vector<8x3072xf32>
      %broadcast_in_dim3A_1085 = arith.constant 1312 : i32
      %broadcast_in_dim3A_1086 = vector.broadcast %broadcast_in_dim3A_1085 : i32 to vector<8x3072xi32>
      %select_n3A_1087 = arith.select %lt3A_1083, %broadcast_in_dim3A_1086, %select_n3A_1081 : vector<8x3072xi1>, vector<8x3072xi32>
      %slice3A_1088 = vector.extract_strided_slice %add3A_100 {offsets = [1320, 0], sizes = [8, 3072], strides = [1, 1]} : vector<2048x3072xf32> to vector<8x3072xf32>
      %lt3A_1089 = arith.cmpf olt, %slice3A_1088, %select_n3A_1084 : vector<8x3072xf32>
      %select_n3A_1090 = arith.select %lt3A_1089, %slice3A_1088, %select_n3A_1084 : vector<8x3072xi1>, vector<8x3072xf32>
      %broadcast_in_dim3A_1091 = arith.constant 1320 : i32
      %broadcast_in_dim3A_1092 = vector.broadcast %broadcast_in_dim3A_1091 : i32 to vector<8x3072xi32>
      %select_n3A_1093 = arith.select %lt3A_1089, %broadcast_in_dim3A_1092, %select_n3A_1087 : vector<8x3072xi1>, vector<8x3072xi32>
      %slice3A_1094 = vector.extract_strided_slice %add3A_100 {offsets = [1328, 0], sizes = [8, 3072], strides = [1, 1]} : vector<2048x3072xf32> to vector<8x3072xf32>
      %lt3A_1095 = arith.cmpf olt, %slice3A_1094, %select_n3A_1090 : vector<8x3072xf32>
      %select_n3A_1096 = arith.select %lt3A_1095, %slice3A_1094, %select_n3A_1090 : vector<8x3072xi1>, vector<8x3072xf32>
      %broadcast_in_dim3A_1097 = arith.constant 1328 : i32
      %broadcast_in_dim3A_1098 = vector.broadcast %broadcast_in_dim3A_1097 : i32 to vector<8x3072xi32>
      %select_n3A_1099 = arith.select %lt3A_1095, %broadcast_in_dim3A_1098, %select_n3A_1093 : vector<8x3072xi1>, vector<8x3072xi32>
      %slice3A_1100 = vector.extract_strided_slice %add3A_100 {offsets = [1336, 0], sizes = [8, 3072], strides = [1, 1]} : vector<2048x3072xf32> to vector<8x3072xf32>
      %lt3A_1101 = arith.cmpf olt, %slice3A_1100, %select_n3A_1096 : vector<8x3072xf32>
      %select_n3A_1102 = arith.select %lt3A_1101, %slice3A_1100, %select_n3A_1096 : vector<8x3072xi1>, vector<8x3072xf32>
      %broadcast_in_dim3A_1103 = arith.constant 1336 : i32
      %broadcast_in_dim3A_1104 = vector.broadcast %broadcast_in_dim3A_1103 : i32 to vector<8x3072xi32>
      %select_n3A_1105 = arith.select %lt3A_1101, %broadcast_in_dim3A_1104, %select_n3A_1099 : vector<8x3072xi1>, vector<8x3072xi32>
      %slice3A_1106 = vector.extract_strided_slice %add3A_100 {offsets = [1344, 0], sizes = [8, 3072], strides = [1, 1]} : vector<2048x3072xf32> to vector<8x3072xf32>
      %lt3A_1107 = arith.cmpf olt, %slice3A_1106, %select_n3A_1102 : vector<8x3072xf32>
      %select_n3A_1108 = arith.select %lt3A_1107, %slice3A_1106, %select_n3A_1102 : vector<8x3072xi1>, vector<8x3072xf32>
      %broadcast_in_dim3A_1109 = arith.constant 1344 : i32
      %broadcast_in_dim3A_1110 = vector.broadcast %broadcast_in_dim3A_1109 : i32 to vector<8x3072xi32>
      %select_n3A_1111 = arith.select %lt3A_1107, %broadcast_in_dim3A_1110, %select_n3A_1105 : vector<8x3072xi1>, vector<8x3072xi32>
      %slice3A_1112 = vector.extract_strided_slice %add3A_100 {offsets = [1352, 0], sizes = [8, 3072], strides = [1, 1]} : vector<2048x3072xf32> to vector<8x3072xf32>
      %lt3A_1113 = arith.cmpf olt, %slice3A_1112, %select_n3A_1108 : vector<8x3072xf32>
      %select_n3A_1114 = arith.select %lt3A_1113, %slice3A_1112, %select_n3A_1108 : vector<8x3072xi1>, vector<8x3072xf32>
      %broadcast_in_dim3A_1115 = arith.constant 1352 : i32
      %broadcast_in_dim3A_1116 = vector.broadcast %broadcast_in_dim3A_1115 : i32 to vector<8x3072xi32>
      %select_n3A_1117 = arith.select %lt3A_1113, %broadcast_in_dim3A_1116, %select_n3A_1111 : vector<8x3072xi1>, vector<8x3072xi32>
      %slice3A_1118 = vector.extract_strided_slice %add3A_100 {offsets = [1360, 0], sizes = [8, 3072], strides = [1, 1]} : vector<2048x3072xf32> to vector<8x3072xf32>
      %lt3A_1119 = arith.cmpf olt, %slice3A_1118, %select_n3A_1114 : vector<8x3072xf32>
      %select_n3A_1120 = arith.select %lt3A_1119, %slice3A_1118, %select_n3A_1114 : vector<8x3072xi1>, vector<8x3072xf32>
      %broadcast_in_dim3A_1121 = arith.constant 1360 : i32
      %broadcast_in_dim3A_1122 = vector.broadcast %broadcast_in_dim3A_1121 : i32 to vector<8x3072xi32>
      %select_n3A_1123 = arith.select %lt3A_1119, %broadcast_in_dim3A_1122, %select_n3A_1117 : vector<8x3072xi1>, vector<8x3072xi32>
      %slice3A_1124 = vector.extract_strided_slice %add3A_100 {offsets = [1368, 0], sizes = [8, 3072], strides = [1, 1]} : vector<2048x3072xf32> to vector<8x3072xf32>
      %lt3A_1125 = arith.cmpf olt, %slice3A_1124, %select_n3A_1120 : vector<8x3072xf32>
      %select_n3A_1126 = arith.select %lt3A_1125, %slice3A_1124, %select_n3A_1120 : vector<8x3072xi1>, vector<8x3072xf32>
      %broadcast_in_dim3A_1127 = arith.constant 1368 : i32
      %broadcast_in_dim3A_1128 = vector.broadcast %broadcast_in_dim3A_1127 : i32 to vector<8x3072xi32>
      %select_n3A_1129 = arith.select %lt3A_1125, %broadcast_in_dim3A_1128, %select_n3A_1123 : vector<8x3072xi1>, vector<8x3072xi32>
      %slice3A_1130 = vector.extract_strided_slice %add3A_100 {offsets = [1376, 0], sizes = [8, 3072], strides = [1, 1]} : vector<2048x3072xf32> to vector<8x3072xf32>
      %lt3A_1131 = arith.cmpf olt, %slice3A_1130, %select_n3A_1126 : vector<8x3072xf32>
      %select_n3A_1132 = arith.select %lt3A_1131, %slice3A_1130, %select_n3A_1126 : vector<8x3072xi1>, vector<8x3072xf32>
      %broadcast_in_dim3A_1133 = arith.constant 1376 : i32
      %broadcast_in_dim3A_1134 = vector.broadcast %broadcast_in_dim3A_1133 : i32 to vector<8x3072xi32>
      %select_n3A_1135 = arith.select %lt3A_1131, %broadcast_in_dim3A_1134, %select_n3A_1129 : vector<8x3072xi1>, vector<8x3072xi32>
      %slice3A_1136 = vector.extract_strided_slice %add3A_100 {offsets = [1384, 0], sizes = [8, 3072], strides = [1, 1]} : vector<2048x3072xf32> to vector<8x3072xf32>
      %lt3A_1137 = arith.cmpf olt, %slice3A_1136, %select_n3A_1132 : vector<8x3072xf32>
      %select_n3A_1138 = arith.select %lt3A_1137, %slice3A_1136, %select_n3A_1132 : vector<8x3072xi1>, vector<8x3072xf32>
      %broadcast_in_dim3A_1139 = arith.constant 1384 : i32
      %broadcast_in_dim3A_1140 = vector.broadcast %broadcast_in_dim3A_1139 : i32 to vector<8x3072xi32>
      %select_n3A_1141 = arith.select %lt3A_1137, %broadcast_in_dim3A_1140, %select_n3A_1135 : vector<8x3072xi1>, vector<8x3072xi32>
      %slice3A_1142 = vector.extract_strided_slice %add3A_100 {offsets = [1392, 0], sizes = [8, 3072], strides = [1, 1]} : vector<2048x3072xf32> to vector<8x3072xf32>
      %lt3A_1143 = arith.cmpf olt, %slice3A_1142, %select_n3A_1138 : vector<8x3072xf32>
      %select_n3A_1144 = arith.select %lt3A_1143, %slice3A_1142, %select_n3A_1138 : vector<8x3072xi1>, vector<8x3072xf32>
      %broadcast_in_dim3A_1145 = arith.constant 1392 : i32
      %broadcast_in_dim3A_1146 = vector.broadcast %broadcast_in_dim3A_1145 : i32 to vector<8x3072xi32>
      %select_n3A_1147 = arith.select %lt3A_1143, %broadcast_in_dim3A_1146, %select_n3A_1141 : vector<8x3072xi1>, vector<8x3072xi32>
      %slice3A_1148 = vector.extract_strided_slice %add3A_100 {offsets = [1400, 0], sizes = [8, 3072], strides = [1, 1]} : vector<2048x3072xf32> to vector<8x3072xf32>
      %lt3A_1149 = arith.cmpf olt, %slice3A_1148, %select_n3A_1144 : vector<8x3072xf32>
      %select_n3A_1150 = arith.select %lt3A_1149, %slice3A_1148, %select_n3A_1144 : vector<8x3072xi1>, vector<8x3072xf32>
      %broadcast_in_dim3A_1151 = arith.constant 1400 : i32
      %broadcast_in_dim3A_1152 = vector.broadcast %broadcast_in_dim3A_1151 : i32 to vector<8x3072xi32>
      %select_n3A_1153 = arith.select %lt3A_1149, %broadcast_in_dim3A_1152, %select_n3A_1147 : vector<8x3072xi1>, vector<8x3072xi32>
      %slice3A_1154 = vector.extract_strided_slice %add3A_100 {offsets = [1408, 0], sizes = [8, 3072], strides = [1, 1]} : vector<2048x3072xf32> to vector<8x3072xf32>
      %lt3A_1155 = arith.cmpf olt, %slice3A_1154, %select_n3A_1150 : vector<8x3072xf32>
      %select_n3A_1156 = arith.select %lt3A_1155, %slice3A_1154, %select_n3A_1150 : vector<8x3072xi1>, vector<8x3072xf32>
      %broadcast_in_dim3A_1157 = arith.constant 1408 : i32
      %broadcast_in_dim3A_1158 = vector.broadcast %broadcast_in_dim3A_1157 : i32 to vector<8x3072xi32>
      %select_n3A_1159 = arith.select %lt3A_1155, %broadcast_in_dim3A_1158, %select_n3A_1153 : vector<8x3072xi1>, vector<8x3072xi32>
      %slice3A_1160 = vector.extract_strided_slice %add3A_100 {offsets = [1416, 0], sizes = [8, 3072], strides = [1, 1]} : vector<2048x3072xf32> to vector<8x3072xf32>
      %lt3A_1161 = arith.cmpf olt, %slice3A_1160, %select_n3A_1156 : vector<8x3072xf32>
      %select_n3A_1162 = arith.select %lt3A_1161, %slice3A_1160, %select_n3A_1156 : vector<8x3072xi1>, vector<8x3072xf32>
      %broadcast_in_dim3A_1163 = arith.constant 1416 : i32
      %broadcast_in_dim3A_1164 = vector.broadcast %broadcast_in_dim3A_1163 : i32 to vector<8x3072xi32>
      %select_n3A_1165 = arith.select %lt3A_1161, %broadcast_in_dim3A_1164, %select_n3A_1159 : vector<8x3072xi1>, vector<8x3072xi32>
      %slice3A_1166 = vector.extract_strided_slice %add3A_100 {offsets = [1424, 0], sizes = [8, 3072], strides = [1, 1]} : vector<2048x3072xf32> to vector<8x3072xf32>
      %lt3A_1167 = arith.cmpf olt, %slice3A_1166, %select_n3A_1162 : vector<8x3072xf32>
      %select_n3A_1168 = arith.select %lt3A_1167, %slice3A_1166, %select_n3A_1162 : vector<8x3072xi1>, vector<8x3072xf32>
      %broadcast_in_dim3A_1169 = arith.constant 1424 : i32
      %broadcast_in_dim3A_1170 = vector.broadcast %broadcast_in_dim3A_1169 : i32 to vector<8x3072xi32>
      %select_n3A_1171 = arith.select %lt3A_1167, %broadcast_in_dim3A_1170, %select_n3A_1165 : vector<8x3072xi1>, vector<8x3072xi32>
      %slice3A_1172 = vector.extract_strided_slice %add3A_100 {offsets = [1432, 0], sizes = [8, 3072], strides = [1, 1]} : vector<2048x3072xf32> to vector<8x3072xf32>
      %lt3A_1173 = arith.cmpf olt, %slice3A_1172, %select_n3A_1168 : vector<8x3072xf32>
      %select_n3A_1174 = arith.select %lt3A_1173, %slice3A_1172, %select_n3A_1168 : vector<8x3072xi1>, vector<8x3072xf32>
      %broadcast_in_dim3A_1175 = arith.constant 1432 : i32
      %broadcast_in_dim3A_1176 = vector.broadcast %broadcast_in_dim3A_1175 : i32 to vector<8x3072xi32>
      %select_n3A_1177 = arith.select %lt3A_1173, %broadcast_in_dim3A_1176, %select_n3A_1171 : vector<8x3072xi1>, vector<8x3072xi32>
      %slice3A_1178 = vector.extract_strided_slice %add3A_100 {offsets = [1440, 0], sizes = [8, 3072], strides = [1, 1]} : vector<2048x3072xf32> to vector<8x3072xf32>
      %lt3A_1179 = arith.cmpf olt, %slice3A_1178, %select_n3A_1174 : vector<8x3072xf32>
      %select_n3A_1180 = arith.select %lt3A_1179, %slice3A_1178, %select_n3A_1174 : vector<8x3072xi1>, vector<8x3072xf32>
      %broadcast_in_dim3A_1181 = arith.constant 1440 : i32
      %broadcast_in_dim3A_1182 = vector.broadcast %broadcast_in_dim3A_1181 : i32 to vector<8x3072xi32>
      %select_n3A_1183 = arith.select %lt3A_1179, %broadcast_in_dim3A_1182, %select_n3A_1177 : vector<8x3072xi1>, vector<8x3072xi32>
      %slice3A_1184 = vector.extract_strided_slice %add3A_100 {offsets = [1448, 0], sizes = [8, 3072], strides = [1, 1]} : vector<2048x3072xf32> to vector<8x3072xf32>
      %lt3A_1185 = arith.cmpf olt, %slice3A_1184, %select_n3A_1180 : vector<8x3072xf32>
      %select_n3A_1186 = arith.select %lt3A_1185, %slice3A_1184, %select_n3A_1180 : vector<8x3072xi1>, vector<8x3072xf32>
      %broadcast_in_dim3A_1187 = arith.constant 1448 : i32
      %broadcast_in_dim3A_1188 = vector.broadcast %broadcast_in_dim3A_1187 : i32 to vector<8x3072xi32>
      %select_n3A_1189 = arith.select %lt3A_1185, %broadcast_in_dim3A_1188, %select_n3A_1183 : vector<8x3072xi1>, vector<8x3072xi32>
      %slice3A_1190 = vector.extract_strided_slice %add3A_100 {offsets = [1456, 0], sizes = [8, 3072], strides = [1, 1]} : vector<2048x3072xf32> to vector<8x3072xf32>
      %lt3A_1191 = arith.cmpf olt, %slice3A_1190, %select_n3A_1186 : vector<8x3072xf32>
      %select_n3A_1192 = arith.select %lt3A_1191, %slice3A_1190, %select_n3A_1186 : vector<8x3072xi1>, vector<8x3072xf32>
      %broadcast_in_dim3A_1193 = arith.constant 1456 : i32
      %broadcast_in_dim3A_1194 = vector.broadcast %broadcast_in_dim3A_1193 : i32 to vector<8x3072xi32>
      %select_n3A_1195 = arith.select %lt3A_1191, %broadcast_in_dim3A_1194, %select_n3A_1189 : vector<8x3072xi1>, vector<8x3072xi32>
      %slice3A_1196 = vector.extract_strided_slice %add3A_100 {offsets = [1464, 0], sizes = [8, 3072], strides = [1, 1]} : vector<2048x3072xf32> to vector<8x3072xf32>
      %lt3A_1197 = arith.cmpf olt, %slice3A_1196, %select_n3A_1192 : vector<8x3072xf32>
      %select_n3A_1198 = arith.select %lt3A_1197, %slice3A_1196, %select_n3A_1192 : vector<8x3072xi1>, vector<8x3072xf32>
      %broadcast_in_dim3A_1199 = arith.constant 1464 : i32
      %broadcast_in_dim3A_1200 = vector.broadcast %broadcast_in_dim3A_1199 : i32 to vector<8x3072xi32>
      %select_n3A_1201 = arith.select %lt3A_1197, %broadcast_in_dim3A_1200, %select_n3A_1195 : vector<8x3072xi1>, vector<8x3072xi32>
      %slice3A_1202 = vector.extract_strided_slice %add3A_100 {offsets = [1472, 0], sizes = [8, 3072], strides = [1, 1]} : vector<2048x3072xf32> to vector<8x3072xf32>
      %lt3A_1203 = arith.cmpf olt, %slice3A_1202, %select_n3A_1198 : vector<8x3072xf32>
      %select_n3A_1204 = arith.select %lt3A_1203, %slice3A_1202, %select_n3A_1198 : vector<8x3072xi1>, vector<8x3072xf32>
      %broadcast_in_dim3A_1205 = arith.constant 1472 : i32
      %broadcast_in_dim3A_1206 = vector.broadcast %broadcast_in_dim3A_1205 : i32 to vector<8x3072xi32>
      %select_n3A_1207 = arith.select %lt3A_1203, %broadcast_in_dim3A_1206, %select_n3A_1201 : vector<8x3072xi1>, vector<8x3072xi32>
      %slice3A_1208 = vector.extract_strided_slice %add3A_100 {offsets = [1480, 0], sizes = [8, 3072], strides = [1, 1]} : vector<2048x3072xf32> to vector<8x3072xf32>
      %lt3A_1209 = arith.cmpf olt, %slice3A_1208, %select_n3A_1204 : vector<8x3072xf32>
      %select_n3A_1210 = arith.select %lt3A_1209, %slice3A_1208, %select_n3A_1204 : vector<8x3072xi1>, vector<8x3072xf32>
      %broadcast_in_dim3A_1211 = arith.constant 1480 : i32
      %broadcast_in_dim3A_1212 = vector.broadcast %broadcast_in_dim3A_1211 : i32 to vector<8x3072xi32>
      %select_n3A_1213 = arith.select %lt3A_1209, %broadcast_in_dim3A_1212, %select_n3A_1207 : vector<8x3072xi1>, vector<8x3072xi32>
      %slice3A_1214 = vector.extract_strided_slice %add3A_100 {offsets = [1488, 0], sizes = [8, 3072], strides = [1, 1]} : vector<2048x3072xf32> to vector<8x3072xf32>
      %lt3A_1215 = arith.cmpf olt, %slice3A_1214, %select_n3A_1210 : vector<8x3072xf32>
      %select_n3A_1216 = arith.select %lt3A_1215, %slice3A_1214, %select_n3A_1210 : vector<8x3072xi1>, vector<8x3072xf32>
      %broadcast_in_dim3A_1217 = arith.constant 1488 : i32
      %broadcast_in_dim3A_1218 = vector.broadcast %broadcast_in_dim3A_1217 : i32 to vector<8x3072xi32>
      %select_n3A_1219 = arith.select %lt3A_1215, %broadcast_in_dim3A_1218, %select_n3A_1213 : vector<8x3072xi1>, vector<8x3072xi32>
      %slice3A_1220 = vector.extract_strided_slice %add3A_100 {offsets = [1496, 0], sizes = [8, 3072], strides = [1, 1]} : vector<2048x3072xf32> to vector<8x3072xf32>
      %lt3A_1221 = arith.cmpf olt, %slice3A_1220, %select_n3A_1216 : vector<8x3072xf32>
      %select_n3A_1222 = arith.select %lt3A_1221, %slice3A_1220, %select_n3A_1216 : vector<8x3072xi1>, vector<8x3072xf32>
      %broadcast_in_dim3A_1223 = arith.constant 1496 : i32
      %broadcast_in_dim3A_1224 = vector.broadcast %broadcast_in_dim3A_1223 : i32 to vector<8x3072xi32>
      %select_n3A_1225 = arith.select %lt3A_1221, %broadcast_in_dim3A_1224, %select_n3A_1219 : vector<8x3072xi1>, vector<8x3072xi32>
      %slice3A_1226 = vector.extract_strided_slice %add3A_100 {offsets = [1504, 0], sizes = [8, 3072], strides = [1, 1]} : vector<2048x3072xf32> to vector<8x3072xf32>
      %lt3A_1227 = arith.cmpf olt, %slice3A_1226, %select_n3A_1222 : vector<8x3072xf32>
      %select_n3A_1228 = arith.select %lt3A_1227, %slice3A_1226, %select_n3A_1222 : vector<8x3072xi1>, vector<8x3072xf32>
      %broadcast_in_dim3A_1229 = arith.constant 1504 : i32
      %broadcast_in_dim3A_1230 = vector.broadcast %broadcast_in_dim3A_1229 : i32 to vector<8x3072xi32>
      %select_n3A_1231 = arith.select %lt3A_1227, %broadcast_in_dim3A_1230, %select_n3A_1225 : vector<8x3072xi1>, vector<8x3072xi32>
      %slice3A_1232 = vector.extract_strided_slice %add3A_100 {offsets = [1512, 0], sizes = [8, 3072], strides = [1, 1]} : vector<2048x3072xf32> to vector<8x3072xf32>
      %lt3A_1233 = arith.cmpf olt, %slice3A_1232, %select_n3A_1228 : vector<8x3072xf32>
      %select_n3A_1234 = arith.select %lt3A_1233, %slice3A_1232, %select_n3A_1228 : vector<8x3072xi1>, vector<8x3072xf32>
      %broadcast_in_dim3A_1235 = arith.constant 1512 : i32
      %broadcast_in_dim3A_1236 = vector.broadcast %broadcast_in_dim3A_1235 : i32 to vector<8x3072xi32>
      %select_n3A_1237 = arith.select %lt3A_1233, %broadcast_in_dim3A_1236, %select_n3A_1231 : vector<8x3072xi1>, vector<8x3072xi32>
      %slice3A_1238 = vector.extract_strided_slice %add3A_100 {offsets = [1520, 0], sizes = [8, 3072], strides = [1, 1]} : vector<2048x3072xf32> to vector<8x3072xf32>
      %lt3A_1239 = arith.cmpf olt, %slice3A_1238, %select_n3A_1234 : vector<8x3072xf32>
      %select_n3A_1240 = arith.select %lt3A_1239, %slice3A_1238, %select_n3A_1234 : vector<8x3072xi1>, vector<8x3072xf32>
      %broadcast_in_dim3A_1241 = arith.constant 1520 : i32
      %broadcast_in_dim3A_1242 = vector.broadcast %broadcast_in_dim3A_1241 : i32 to vector<8x3072xi32>
      %select_n3A_1243 = arith.select %lt3A_1239, %broadcast_in_dim3A_1242, %select_n3A_1237 : vector<8x3072xi1>, vector<8x3072xi32>
      %slice3A_1244 = vector.extract_strided_slice %add3A_100 {offsets = [1528, 0], sizes = [8, 3072], strides = [1, 1]} : vector<2048x3072xf32> to vector<8x3072xf32>
      %lt3A_1245 = arith.cmpf olt, %slice3A_1244, %select_n3A_1240 : vector<8x3072xf32>
      %select_n3A_1246 = arith.select %lt3A_1245, %slice3A_1244, %select_n3A_1240 : vector<8x3072xi1>, vector<8x3072xf32>
      %broadcast_in_dim3A_1247 = arith.constant 1528 : i32
      %broadcast_in_dim3A_1248 = vector.broadcast %broadcast_in_dim3A_1247 : i32 to vector<8x3072xi32>
      %select_n3A_1249 = arith.select %lt3A_1245, %broadcast_in_dim3A_1248, %select_n3A_1243 : vector<8x3072xi1>, vector<8x3072xi32>
      %slice3A_1250 = vector.extract_strided_slice %add3A_100 {offsets = [1536, 0], sizes = [8, 3072], strides = [1, 1]} : vector<2048x3072xf32> to vector<8x3072xf32>
      %lt3A_1251 = arith.cmpf olt, %slice3A_1250, %select_n3A_1246 : vector<8x3072xf32>
      %select_n3A_1252 = arith.select %lt3A_1251, %slice3A_1250, %select_n3A_1246 : vector<8x3072xi1>, vector<8x3072xf32>
      %broadcast_in_dim3A_1253 = arith.constant 1536 : i32
      %broadcast_in_dim3A_1254 = vector.broadcast %broadcast_in_dim3A_1253 : i32 to vector<8x3072xi32>
      %select_n3A_1255 = arith.select %lt3A_1251, %broadcast_in_dim3A_1254, %select_n3A_1249 : vector<8x3072xi1>, vector<8x3072xi32>
      %slice3A_1256 = vector.extract_strided_slice %add3A_100 {offsets = [1544, 0], sizes = [8, 3072], strides = [1, 1]} : vector<2048x3072xf32> to vector<8x3072xf32>
      %lt3A_1257 = arith.cmpf olt, %slice3A_1256, %select_n3A_1252 : vector<8x3072xf32>
      %select_n3A_1258 = arith.select %lt3A_1257, %slice3A_1256, %select_n3A_1252 : vector<8x3072xi1>, vector<8x3072xf32>
      %broadcast_in_dim3A_1259 = arith.constant 1544 : i32
      %broadcast_in_dim3A_1260 = vector.broadcast %broadcast_in_dim3A_1259 : i32 to vector<8x3072xi32>
      %select_n3A_1261 = arith.select %lt3A_1257, %broadcast_in_dim3A_1260, %select_n3A_1255 : vector<8x3072xi1>, vector<8x3072xi32>
      %slice3A_1262 = vector.extract_strided_slice %add3A_100 {offsets = [1552, 0], sizes = [8, 3072], strides = [1, 1]} : vector<2048x3072xf32> to vector<8x3072xf32>
      %lt3A_1263 = arith.cmpf olt, %slice3A_1262, %select_n3A_1258 : vector<8x3072xf32>
      %select_n3A_1264 = arith.select %lt3A_1263, %slice3A_1262, %select_n3A_1258 : vector<8x3072xi1>, vector<8x3072xf32>
      %broadcast_in_dim3A_1265 = arith.constant 1552 : i32
      %broadcast_in_dim3A_1266 = vector.broadcast %broadcast_in_dim3A_1265 : i32 to vector<8x3072xi32>
      %select_n3A_1267 = arith.select %lt3A_1263, %broadcast_in_dim3A_1266, %select_n3A_1261 : vector<8x3072xi1>, vector<8x3072xi32>
      %slice3A_1268 = vector.extract_strided_slice %add3A_100 {offsets = [1560, 0], sizes = [8, 3072], strides = [1, 1]} : vector<2048x3072xf32> to vector<8x3072xf32>
      %lt3A_1269 = arith.cmpf olt, %slice3A_1268, %select_n3A_1264 : vector<8x3072xf32>
      %select_n3A_1270 = arith.select %lt3A_1269, %slice3A_1268, %select_n3A_1264 : vector<8x3072xi1>, vector<8x3072xf32>
      %broadcast_in_dim3A_1271 = arith.constant 1560 : i32
      %broadcast_in_dim3A_1272 = vector.broadcast %broadcast_in_dim3A_1271 : i32 to vector<8x3072xi32>
      %select_n3A_1273 = arith.select %lt3A_1269, %broadcast_in_dim3A_1272, %select_n3A_1267 : vector<8x3072xi1>, vector<8x3072xi32>
      %slice3A_1274 = vector.extract_strided_slice %add3A_100 {offsets = [1568, 0], sizes = [8, 3072], strides = [1, 1]} : vector<2048x3072xf32> to vector<8x3072xf32>
      %lt3A_1275 = arith.cmpf olt, %slice3A_1274, %select_n3A_1270 : vector<8x3072xf32>
      %select_n3A_1276 = arith.select %lt3A_1275, %slice3A_1274, %select_n3A_1270 : vector<8x3072xi1>, vector<8x3072xf32>
      %broadcast_in_dim3A_1277 = arith.constant 1568 : i32
      %broadcast_in_dim3A_1278 = vector.broadcast %broadcast_in_dim3A_1277 : i32 to vector<8x3072xi32>
      %select_n3A_1279 = arith.select %lt3A_1275, %broadcast_in_dim3A_1278, %select_n3A_1273 : vector<8x3072xi1>, vector<8x3072xi32>
      %slice3A_1280 = vector.extract_strided_slice %add3A_100 {offsets = [1576, 0], sizes = [8, 3072], strides = [1, 1]} : vector<2048x3072xf32> to vector<8x3072xf32>
      %lt3A_1281 = arith.cmpf olt, %slice3A_1280, %select_n3A_1276 : vector<8x3072xf32>
      %select_n3A_1282 = arith.select %lt3A_1281, %slice3A_1280, %select_n3A_1276 : vector<8x3072xi1>, vector<8x3072xf32>
      %broadcast_in_dim3A_1283 = arith.constant 1576 : i32
      %broadcast_in_dim3A_1284 = vector.broadcast %broadcast_in_dim3A_1283 : i32 to vector<8x3072xi32>
      %select_n3A_1285 = arith.select %lt3A_1281, %broadcast_in_dim3A_1284, %select_n3A_1279 : vector<8x3072xi1>, vector<8x3072xi32>
      %slice3A_1286 = vector.extract_strided_slice %add3A_100 {offsets = [1584, 0], sizes = [8, 3072], strides = [1, 1]} : vector<2048x3072xf32> to vector<8x3072xf32>
      %lt3A_1287 = arith.cmpf olt, %slice3A_1286, %select_n3A_1282 : vector<8x3072xf32>
      %select_n3A_1288 = arith.select %lt3A_1287, %slice3A_1286, %select_n3A_1282 : vector<8x3072xi1>, vector<8x3072xf32>
      %broadcast_in_dim3A_1289 = arith.constant 1584 : i32
      %broadcast_in_dim3A_1290 = vector.broadcast %broadcast_in_dim3A_1289 : i32 to vector<8x3072xi32>
      %select_n3A_1291 = arith.select %lt3A_1287, %broadcast_in_dim3A_1290, %select_n3A_1285 : vector<8x3072xi1>, vector<8x3072xi32>
      %slice3A_1292 = vector.extract_strided_slice %add3A_100 {offsets = [1592, 0], sizes = [8, 3072], strides = [1, 1]} : vector<2048x3072xf32> to vector<8x3072xf32>
      %lt3A_1293 = arith.cmpf olt, %slice3A_1292, %select_n3A_1288 : vector<8x3072xf32>
      %select_n3A_1294 = arith.select %lt3A_1293, %slice3A_1292, %select_n3A_1288 : vector<8x3072xi1>, vector<8x3072xf32>
      %broadcast_in_dim3A_1295 = arith.constant 1592 : i32
      %broadcast_in_dim3A_1296 = vector.broadcast %broadcast_in_dim3A_1295 : i32 to vector<8x3072xi32>
      %select_n3A_1297 = arith.select %lt3A_1293, %broadcast_in_dim3A_1296, %select_n3A_1291 : vector<8x3072xi1>, vector<8x3072xi32>
      %slice3A_1298 = vector.extract_strided_slice %add3A_100 {offsets = [1600, 0], sizes = [8, 3072], strides = [1, 1]} : vector<2048x3072xf32> to vector<8x3072xf32>
      %lt3A_1299 = arith.cmpf olt, %slice3A_1298, %select_n3A_1294 : vector<8x3072xf32>
      %select_n3A_1300 = arith.select %lt3A_1299, %slice3A_1298, %select_n3A_1294 : vector<8x3072xi1>, vector<8x3072xf32>
      %broadcast_in_dim3A_1301 = arith.constant 1600 : i32
      %broadcast_in_dim3A_1302 = vector.broadcast %broadcast_in_dim3A_1301 : i32 to vector<8x3072xi32>
      %select_n3A_1303 = arith.select %lt3A_1299, %broadcast_in_dim3A_1302, %select_n3A_1297 : vector<8x3072xi1>, vector<8x3072xi32>
      %slice3A_1304 = vector.extract_strided_slice %add3A_100 {offsets = [1608, 0], sizes = [8, 3072], strides = [1, 1]} : vector<2048x3072xf32> to vector<8x3072xf32>
      %lt3A_1305 = arith.cmpf olt, %slice3A_1304, %select_n3A_1300 : vector<8x3072xf32>
      %select_n3A_1306 = arith.select %lt3A_1305, %slice3A_1304, %select_n3A_1300 : vector<8x3072xi1>, vector<8x3072xf32>
      %broadcast_in_dim3A_1307 = arith.constant 1608 : i32
      %broadcast_in_dim3A_1308 = vector.broadcast %broadcast_in_dim3A_1307 : i32 to vector<8x3072xi32>
      %select_n3A_1309 = arith.select %lt3A_1305, %broadcast_in_dim3A_1308, %select_n3A_1303 : vector<8x3072xi1>, vector<8x3072xi32>
      %slice3A_1310 = vector.extract_strided_slice %add3A_100 {offsets = [1616, 0], sizes = [8, 3072], strides = [1, 1]} : vector<2048x3072xf32> to vector<8x3072xf32>
      %lt3A_1311 = arith.cmpf olt, %slice3A_1310, %select_n3A_1306 : vector<8x3072xf32>
      %select_n3A_1312 = arith.select %lt3A_1311, %slice3A_1310, %select_n3A_1306 : vector<8x3072xi1>, vector<8x3072xf32>
      %broadcast_in_dim3A_1313 = arith.constant 1616 : i32
      %broadcast_in_dim3A_1314 = vector.broadcast %broadcast_in_dim3A_1313 : i32 to vector<8x3072xi32>
      %select_n3A_1315 = arith.select %lt3A_1311, %broadcast_in_dim3A_1314, %select_n3A_1309 : vector<8x3072xi1>, vector<8x3072xi32>
      %slice3A_1316 = vector.extract_strided_slice %add3A_100 {offsets = [1624, 0], sizes = [8, 3072], strides = [1, 1]} : vector<2048x3072xf32> to vector<8x3072xf32>
      %lt3A_1317 = arith.cmpf olt, %slice3A_1316, %select_n3A_1312 : vector<8x3072xf32>
      %select_n3A_1318 = arith.select %lt3A_1317, %slice3A_1316, %select_n3A_1312 : vector<8x3072xi1>, vector<8x3072xf32>
      %broadcast_in_dim3A_1319 = arith.constant 1624 : i32
      %broadcast_in_dim3A_1320 = vector.broadcast %broadcast_in_dim3A_1319 : i32 to vector<8x3072xi32>
      %select_n3A_1321 = arith.select %lt3A_1317, %broadcast_in_dim3A_1320, %select_n3A_1315 : vector<8x3072xi1>, vector<8x3072xi32>
      %slice3A_1322 = vector.extract_strided_slice %add3A_100 {offsets = [1632, 0], sizes = [8, 3072], strides = [1, 1]} : vector<2048x3072xf32> to vector<8x3072xf32>
      %lt3A_1323 = arith.cmpf olt, %slice3A_1322, %select_n3A_1318 : vector<8x3072xf32>
      %select_n3A_1324 = arith.select %lt3A_1323, %slice3A_1322, %select_n3A_1318 : vector<8x3072xi1>, vector<8x3072xf32>
      %broadcast_in_dim3A_1325 = arith.constant 1632 : i32
      %broadcast_in_dim3A_1326 = vector.broadcast %broadcast_in_dim3A_1325 : i32 to vector<8x3072xi32>
      %select_n3A_1327 = arith.select %lt3A_1323, %broadcast_in_dim3A_1326, %select_n3A_1321 : vector<8x3072xi1>, vector<8x3072xi32>
      %slice3A_1328 = vector.extract_strided_slice %add3A_100 {offsets = [1640, 0], sizes = [8, 3072], strides = [1, 1]} : vector<2048x3072xf32> to vector<8x3072xf32>
      %lt3A_1329 = arith.cmpf olt, %slice3A_1328, %select_n3A_1324 : vector<8x3072xf32>
      %select_n3A_1330 = arith.select %lt3A_1329, %slice3A_1328, %select_n3A_1324 : vector<8x3072xi1>, vector<8x3072xf32>
      %broadcast_in_dim3A_1331 = arith.constant 1640 : i32
      %broadcast_in_dim3A_1332 = vector.broadcast %broadcast_in_dim3A_1331 : i32 to vector<8x3072xi32>
      %select_n3A_1333 = arith.select %lt3A_1329, %broadcast_in_dim3A_1332, %select_n3A_1327 : vector<8x3072xi1>, vector<8x3072xi32>
      %slice3A_1334 = vector.extract_strided_slice %add3A_100 {offsets = [1648, 0], sizes = [8, 3072], strides = [1, 1]} : vector<2048x3072xf32> to vector<8x3072xf32>
      %lt3A_1335 = arith.cmpf olt, %slice3A_1334, %select_n3A_1330 : vector<8x3072xf32>
      %select_n3A_1336 = arith.select %lt3A_1335, %slice3A_1334, %select_n3A_1330 : vector<8x3072xi1>, vector<8x3072xf32>
      %broadcast_in_dim3A_1337 = arith.constant 1648 : i32
      %broadcast_in_dim3A_1338 = vector.broadcast %broadcast_in_dim3A_1337 : i32 to vector<8x3072xi32>
      %select_n3A_1339 = arith.select %lt3A_1335, %broadcast_in_dim3A_1338, %select_n3A_1333 : vector<8x3072xi1>, vector<8x3072xi32>
      %slice3A_1340 = vector.extract_strided_slice %add3A_100 {offsets = [1656, 0], sizes = [8, 3072], strides = [1, 1]} : vector<2048x3072xf32> to vector<8x3072xf32>
      %lt3A_1341 = arith.cmpf olt, %slice3A_1340, %select_n3A_1336 : vector<8x3072xf32>
      %select_n3A_1342 = arith.select %lt3A_1341, %slice3A_1340, %select_n3A_1336 : vector<8x3072xi1>, vector<8x3072xf32>
      %broadcast_in_dim3A_1343 = arith.constant 1656 : i32
      %broadcast_in_dim3A_1344 = vector.broadcast %broadcast_in_dim3A_1343 : i32 to vector<8x3072xi32>
      %select_n3A_1345 = arith.select %lt3A_1341, %broadcast_in_dim3A_1344, %select_n3A_1339 : vector<8x3072xi1>, vector<8x3072xi32>
      %slice3A_1346 = vector.extract_strided_slice %add3A_100 {offsets = [1664, 0], sizes = [8, 3072], strides = [1, 1]} : vector<2048x3072xf32> to vector<8x3072xf32>
      %lt3A_1347 = arith.cmpf olt, %slice3A_1346, %select_n3A_1342 : vector<8x3072xf32>
      %select_n3A_1348 = arith.select %lt3A_1347, %slice3A_1346, %select_n3A_1342 : vector<8x3072xi1>, vector<8x3072xf32>
      %broadcast_in_dim3A_1349 = arith.constant 1664 : i32
      %broadcast_in_dim3A_1350 = vector.broadcast %broadcast_in_dim3A_1349 : i32 to vector<8x3072xi32>
      %select_n3A_1351 = arith.select %lt3A_1347, %broadcast_in_dim3A_1350, %select_n3A_1345 : vector<8x3072xi1>, vector<8x3072xi32>
      %slice3A_1352 = vector.extract_strided_slice %add3A_100 {offsets = [1672, 0], sizes = [8, 3072], strides = [1, 1]} : vector<2048x3072xf32> to vector<8x3072xf32>
      %lt3A_1353 = arith.cmpf olt, %slice3A_1352, %select_n3A_1348 : vector<8x3072xf32>
      %select_n3A_1354 = arith.select %lt3A_1353, %slice3A_1352, %select_n3A_1348 : vector<8x3072xi1>, vector<8x3072xf32>
      %broadcast_in_dim3A_1355 = arith.constant 1672 : i32
      %broadcast_in_dim3A_1356 = vector.broadcast %broadcast_in_dim3A_1355 : i32 to vector<8x3072xi32>
      %select_n3A_1357 = arith.select %lt3A_1353, %broadcast_in_dim3A_1356, %select_n3A_1351 : vector<8x3072xi1>, vector<8x3072xi32>
      %slice3A_1358 = vector.extract_strided_slice %add3A_100 {offsets = [1680, 0], sizes = [8, 3072], strides = [1, 1]} : vector<2048x3072xf32> to vector<8x3072xf32>
      %lt3A_1359 = arith.cmpf olt, %slice3A_1358, %select_n3A_1354 : vector<8x3072xf32>
      %select_n3A_1360 = arith.select %lt3A_1359, %slice3A_1358, %select_n3A_1354 : vector<8x3072xi1>, vector<8x3072xf32>
      %broadcast_in_dim3A_1361 = arith.constant 1680 : i32
      %broadcast_in_dim3A_1362 = vector.broadcast %broadcast_in_dim3A_1361 : i32 to vector<8x3072xi32>
      %select_n3A_1363 = arith.select %lt3A_1359, %broadcast_in_dim3A_1362, %select_n3A_1357 : vector<8x3072xi1>, vector<8x3072xi32>
      %slice3A_1364 = vector.extract_strided_slice %add3A_100 {offsets = [1688, 0], sizes = [8, 3072], strides = [1, 1]} : vector<2048x3072xf32> to vector<8x3072xf32>
      %lt3A_1365 = arith.cmpf olt, %slice3A_1364, %select_n3A_1360 : vector<8x3072xf32>
      %select_n3A_1366 = arith.select %lt3A_1365, %slice3A_1364, %select_n3A_1360 : vector<8x3072xi1>, vector<8x3072xf32>
      %broadcast_in_dim3A_1367 = arith.constant 1688 : i32
      %broadcast_in_dim3A_1368 = vector.broadcast %broadcast_in_dim3A_1367 : i32 to vector<8x3072xi32>
      %select_n3A_1369 = arith.select %lt3A_1365, %broadcast_in_dim3A_1368, %select_n3A_1363 : vector<8x3072xi1>, vector<8x3072xi32>
      %slice3A_1370 = vector.extract_strided_slice %add3A_100 {offsets = [1696, 0], sizes = [8, 3072], strides = [1, 1]} : vector<2048x3072xf32> to vector<8x3072xf32>
      %lt3A_1371 = arith.cmpf olt, %slice3A_1370, %select_n3A_1366 : vector<8x3072xf32>
      %select_n3A_1372 = arith.select %lt3A_1371, %slice3A_1370, %select_n3A_1366 : vector<8x3072xi1>, vector<8x3072xf32>
      %broadcast_in_dim3A_1373 = arith.constant 1696 : i32
      %broadcast_in_dim3A_1374 = vector.broadcast %broadcast_in_dim3A_1373 : i32 to vector<8x3072xi32>
      %select_n3A_1375 = arith.select %lt3A_1371, %broadcast_in_dim3A_1374, %select_n3A_1369 : vector<8x3072xi1>, vector<8x3072xi32>
      %slice3A_1376 = vector.extract_strided_slice %add3A_100 {offsets = [1704, 0], sizes = [8, 3072], strides = [1, 1]} : vector<2048x3072xf32> to vector<8x3072xf32>
      %lt3A_1377 = arith.cmpf olt, %slice3A_1376, %select_n3A_1372 : vector<8x3072xf32>
      %select_n3A_1378 = arith.select %lt3A_1377, %slice3A_1376, %select_n3A_1372 : vector<8x3072xi1>, vector<8x3072xf32>
      %broadcast_in_dim3A_1379 = arith.constant 1704 : i32
      %broadcast_in_dim3A_1380 = vector.broadcast %broadcast_in_dim3A_1379 : i32 to vector<8x3072xi32>
      %select_n3A_1381 = arith.select %lt3A_1377, %broadcast_in_dim3A_1380, %select_n3A_1375 : vector<8x3072xi1>, vector<8x3072xi32>
      %slice3A_1382 = vector.extract_strided_slice %add3A_100 {offsets = [1712, 0], sizes = [8, 3072], strides = [1, 1]} : vector<2048x3072xf32> to vector<8x3072xf32>
      %lt3A_1383 = arith.cmpf olt, %slice3A_1382, %select_n3A_1378 : vector<8x3072xf32>
      %select_n3A_1384 = arith.select %lt3A_1383, %slice3A_1382, %select_n3A_1378 : vector<8x3072xi1>, vector<8x3072xf32>
      %broadcast_in_dim3A_1385 = arith.constant 1712 : i32
      %broadcast_in_dim3A_1386 = vector.broadcast %broadcast_in_dim3A_1385 : i32 to vector<8x3072xi32>
      %select_n3A_1387 = arith.select %lt3A_1383, %broadcast_in_dim3A_1386, %select_n3A_1381 : vector<8x3072xi1>, vector<8x3072xi32>
      %slice3A_1388 = vector.extract_strided_slice %add3A_100 {offsets = [1720, 0], sizes = [8, 3072], strides = [1, 1]} : vector<2048x3072xf32> to vector<8x3072xf32>
      %lt3A_1389 = arith.cmpf olt, %slice3A_1388, %select_n3A_1384 : vector<8x3072xf32>
      %select_n3A_1390 = arith.select %lt3A_1389, %slice3A_1388, %select_n3A_1384 : vector<8x3072xi1>, vector<8x3072xf32>
      %broadcast_in_dim3A_1391 = arith.constant 1720 : i32
      %broadcast_in_dim3A_1392 = vector.broadcast %broadcast_in_dim3A_1391 : i32 to vector<8x3072xi32>
      %select_n3A_1393 = arith.select %lt3A_1389, %broadcast_in_dim3A_1392, %select_n3A_1387 : vector<8x3072xi1>, vector<8x3072xi32>
      %slice3A_1394 = vector.extract_strided_slice %add3A_100 {offsets = [1728, 0], sizes = [8, 3072], strides = [1, 1]} : vector<2048x3072xf32> to vector<8x3072xf32>
      %lt3A_1395 = arith.cmpf olt, %slice3A_1394, %select_n3A_1390 : vector<8x3072xf32>
      %select_n3A_1396 = arith.select %lt3A_1395, %slice3A_1394, %select_n3A_1390 : vector<8x3072xi1>, vector<8x3072xf32>
      %broadcast_in_dim3A_1397 = arith.constant 1728 : i32
      %broadcast_in_dim3A_1398 = vector.broadcast %broadcast_in_dim3A_1397 : i32 to vector<8x3072xi32>
      %select_n3A_1399 = arith.select %lt3A_1395, %broadcast_in_dim3A_1398, %select_n3A_1393 : vector<8x3072xi1>, vector<8x3072xi32>
      %slice3A_1400 = vector.extract_strided_slice %add3A_100 {offsets = [1736, 0], sizes = [8, 3072], strides = [1, 1]} : vector<2048x3072xf32> to vector<8x3072xf32>
      %lt3A_1401 = arith.cmpf olt, %slice3A_1400, %select_n3A_1396 : vector<8x3072xf32>
      %select_n3A_1402 = arith.select %lt3A_1401, %slice3A_1400, %select_n3A_1396 : vector<8x3072xi1>, vector<8x3072xf32>
      %broadcast_in_dim3A_1403 = arith.constant 1736 : i32
      %broadcast_in_dim3A_1404 = vector.broadcast %broadcast_in_dim3A_1403 : i32 to vector<8x3072xi32>
      %select_n3A_1405 = arith.select %lt3A_1401, %broadcast_in_dim3A_1404, %select_n3A_1399 : vector<8x3072xi1>, vector<8x3072xi32>
      %slice3A_1406 = vector.extract_strided_slice %add3A_100 {offsets = [1744, 0], sizes = [8, 3072], strides = [1, 1]} : vector<2048x3072xf32> to vector<8x3072xf32>
      %lt3A_1407 = arith.cmpf olt, %slice3A_1406, %select_n3A_1402 : vector<8x3072xf32>
      %select_n3A_1408 = arith.select %lt3A_1407, %slice3A_1406, %select_n3A_1402 : vector<8x3072xi1>, vector<8x3072xf32>
      %broadcast_in_dim3A_1409 = arith.constant 1744 : i32
      %broadcast_in_dim3A_1410 = vector.broadcast %broadcast_in_dim3A_1409 : i32 to vector<8x3072xi32>
      %select_n3A_1411 = arith.select %lt3A_1407, %broadcast_in_dim3A_1410, %select_n3A_1405 : vector<8x3072xi1>, vector<8x3072xi32>
      %slice3A_1412 = vector.extract_strided_slice %add3A_100 {offsets = [1752, 0], sizes = [8, 3072], strides = [1, 1]} : vector<2048x3072xf32> to vector<8x3072xf32>
      %lt3A_1413 = arith.cmpf olt, %slice3A_1412, %select_n3A_1408 : vector<8x3072xf32>
      %select_n3A_1414 = arith.select %lt3A_1413, %slice3A_1412, %select_n3A_1408 : vector<8x3072xi1>, vector<8x3072xf32>
      %broadcast_in_dim3A_1415 = arith.constant 1752 : i32
      %broadcast_in_dim3A_1416 = vector.broadcast %broadcast_in_dim3A_1415 : i32 to vector<8x3072xi32>
      %select_n3A_1417 = arith.select %lt3A_1413, %broadcast_in_dim3A_1416, %select_n3A_1411 : vector<8x3072xi1>, vector<8x3072xi32>
      %slice3A_1418 = vector.extract_strided_slice %add3A_100 {offsets = [1760, 0], sizes = [8, 3072], strides = [1, 1]} : vector<2048x3072xf32> to vector<8x3072xf32>
      %lt3A_1419 = arith.cmpf olt, %slice3A_1418, %select_n3A_1414 : vector<8x3072xf32>
      %select_n3A_1420 = arith.select %lt3A_1419, %slice3A_1418, %select_n3A_1414 : vector<8x3072xi1>, vector<8x3072xf32>
      %broadcast_in_dim3A_1421 = arith.constant 1760 : i32
      %broadcast_in_dim3A_1422 = vector.broadcast %broadcast_in_dim3A_1421 : i32 to vector<8x3072xi32>
      %select_n3A_1423 = arith.select %lt3A_1419, %broadcast_in_dim3A_1422, %select_n3A_1417 : vector<8x3072xi1>, vector<8x3072xi32>
      %slice3A_1424 = vector.extract_strided_slice %add3A_100 {offsets = [1768, 0], sizes = [8, 3072], strides = [1, 1]} : vector<2048x3072xf32> to vector<8x3072xf32>
      %lt3A_1425 = arith.cmpf olt, %slice3A_1424, %select_n3A_1420 : vector<8x3072xf32>
      %select_n3A_1426 = arith.select %lt3A_1425, %slice3A_1424, %select_n3A_1420 : vector<8x3072xi1>, vector<8x3072xf32>
      %broadcast_in_dim3A_1427 = arith.constant 1768 : i32
      %broadcast_in_dim3A_1428 = vector.broadcast %broadcast_in_dim3A_1427 : i32 to vector<8x3072xi32>
      %select_n3A_1429 = arith.select %lt3A_1425, %broadcast_in_dim3A_1428, %select_n3A_1423 : vector<8x3072xi1>, vector<8x3072xi32>
      %slice3A_1430 = vector.extract_strided_slice %add3A_100 {offsets = [1776, 0], sizes = [8, 3072], strides = [1, 1]} : vector<2048x3072xf32> to vector<8x3072xf32>
      %lt3A_1431 = arith.cmpf olt, %slice3A_1430, %select_n3A_1426 : vector<8x3072xf32>
      %select_n3A_1432 = arith.select %lt3A_1431, %slice3A_1430, %select_n3A_1426 : vector<8x3072xi1>, vector<8x3072xf32>
      %broadcast_in_dim3A_1433 = arith.constant 1776 : i32
      %broadcast_in_dim3A_1434 = vector.broadcast %broadcast_in_dim3A_1433 : i32 to vector<8x3072xi32>
      %select_n3A_1435 = arith.select %lt3A_1431, %broadcast_in_dim3A_1434, %select_n3A_1429 : vector<8x3072xi1>, vector<8x3072xi32>
      %slice3A_1436 = vector.extract_strided_slice %add3A_100 {offsets = [1784, 0], sizes = [8, 3072], strides = [1, 1]} : vector<2048x3072xf32> to vector<8x3072xf32>
      %lt3A_1437 = arith.cmpf olt, %slice3A_1436, %select_n3A_1432 : vector<8x3072xf32>
      %select_n3A_1438 = arith.select %lt3A_1437, %slice3A_1436, %select_n3A_1432 : vector<8x3072xi1>, vector<8x3072xf32>
      %broadcast_in_dim3A_1439 = arith.constant 1784 : i32
      %broadcast_in_dim3A_1440 = vector.broadcast %broadcast_in_dim3A_1439 : i32 to vector<8x3072xi32>
      %select_n3A_1441 = arith.select %lt3A_1437, %broadcast_in_dim3A_1440, %select_n3A_1435 : vector<8x3072xi1>, vector<8x3072xi32>
      %slice3A_1442 = vector.extract_strided_slice %add3A_100 {offsets = [1792, 0], sizes = [8, 3072], strides = [1, 1]} : vector<2048x3072xf32> to vector<8x3072xf32>
      %lt3A_1443 = arith.cmpf olt, %slice3A_1442, %select_n3A_1438 : vector<8x3072xf32>
      %select_n3A_1444 = arith.select %lt3A_1443, %slice3A_1442, %select_n3A_1438 : vector<8x3072xi1>, vector<8x3072xf32>
      %broadcast_in_dim3A_1445 = arith.constant 1792 : i32
      %broadcast_in_dim3A_1446 = vector.broadcast %broadcast_in_dim3A_1445 : i32 to vector<8x3072xi32>
      %select_n3A_1447 = arith.select %lt3A_1443, %broadcast_in_dim3A_1446, %select_n3A_1441 : vector<8x3072xi1>, vector<8x3072xi32>
      %slice3A_1448 = vector.extract_strided_slice %add3A_100 {offsets = [1800, 0], sizes = [8, 3072], strides = [1, 1]} : vector<2048x3072xf32> to vector<8x3072xf32>
      %lt3A_1449 = arith.cmpf olt, %slice3A_1448, %select_n3A_1444 : vector<8x3072xf32>
      %select_n3A_1450 = arith.select %lt3A_1449, %slice3A_1448, %select_n3A_1444 : vector<8x3072xi1>, vector<8x3072xf32>
      %broadcast_in_dim3A_1451 = arith.constant 1800 : i32
      %broadcast_in_dim3A_1452 = vector.broadcast %broadcast_in_dim3A_1451 : i32 to vector<8x3072xi32>
      %select_n3A_1453 = arith.select %lt3A_1449, %broadcast_in_dim3A_1452, %select_n3A_1447 : vector<8x3072xi1>, vector<8x3072xi32>
      %slice3A_1454 = vector.extract_strided_slice %add3A_100 {offsets = [1808, 0], sizes = [8, 3072], strides = [1, 1]} : vector<2048x3072xf32> to vector<8x3072xf32>
      %lt3A_1455 = arith.cmpf olt, %slice3A_1454, %select_n3A_1450 : vector<8x3072xf32>
      %select_n3A_1456 = arith.select %lt3A_1455, %slice3A_1454, %select_n3A_1450 : vector<8x3072xi1>, vector<8x3072xf32>
      %broadcast_in_dim3A_1457 = arith.constant 1808 : i32
      %broadcast_in_dim3A_1458 = vector.broadcast %broadcast_in_dim3A_1457 : i32 to vector<8x3072xi32>
      %select_n3A_1459 = arith.select %lt3A_1455, %broadcast_in_dim3A_1458, %select_n3A_1453 : vector<8x3072xi1>, vector<8x3072xi32>
      %slice3A_1460 = vector.extract_strided_slice %add3A_100 {offsets = [1816, 0], sizes = [8, 3072], strides = [1, 1]} : vector<2048x3072xf32> to vector<8x3072xf32>
      %lt3A_1461 = arith.cmpf olt, %slice3A_1460, %select_n3A_1456 : vector<8x3072xf32>
      %select_n3A_1462 = arith.select %lt3A_1461, %slice3A_1460, %select_n3A_1456 : vector<8x3072xi1>, vector<8x3072xf32>
      %broadcast_in_dim3A_1463 = arith.constant 1816 : i32
      %broadcast_in_dim3A_1464 = vector.broadcast %broadcast_in_dim3A_1463 : i32 to vector<8x3072xi32>
      %select_n3A_1465 = arith.select %lt3A_1461, %broadcast_in_dim3A_1464, %select_n3A_1459 : vector<8x3072xi1>, vector<8x3072xi32>
      %slice3A_1466 = vector.extract_strided_slice %add3A_100 {offsets = [1824, 0], sizes = [8, 3072], strides = [1, 1]} : vector<2048x3072xf32> to vector<8x3072xf32>
      %lt3A_1467 = arith.cmpf olt, %slice3A_1466, %select_n3A_1462 : vector<8x3072xf32>
      %select_n3A_1468 = arith.select %lt3A_1467, %slice3A_1466, %select_n3A_1462 : vector<8x3072xi1>, vector<8x3072xf32>
      %broadcast_in_dim3A_1469 = arith.constant 1824 : i32
      %broadcast_in_dim3A_1470 = vector.broadcast %broadcast_in_dim3A_1469 : i32 to vector<8x3072xi32>
      %select_n3A_1471 = arith.select %lt3A_1467, %broadcast_in_dim3A_1470, %select_n3A_1465 : vector<8x3072xi1>, vector<8x3072xi32>
      %slice3A_1472 = vector.extract_strided_slice %add3A_100 {offsets = [1832, 0], sizes = [8, 3072], strides = [1, 1]} : vector<2048x3072xf32> to vector<8x3072xf32>
      %lt3A_1473 = arith.cmpf olt, %slice3A_1472, %select_n3A_1468 : vector<8x3072xf32>
      %select_n3A_1474 = arith.select %lt3A_1473, %slice3A_1472, %select_n3A_1468 : vector<8x3072xi1>, vector<8x3072xf32>
      %broadcast_in_dim3A_1475 = arith.constant 1832 : i32
      %broadcast_in_dim3A_1476 = vector.broadcast %broadcast_in_dim3A_1475 : i32 to vector<8x3072xi32>
      %select_n3A_1477 = arith.select %lt3A_1473, %broadcast_in_dim3A_1476, %select_n3A_1471 : vector<8x3072xi1>, vector<8x3072xi32>
      %slice3A_1478 = vector.extract_strided_slice %add3A_100 {offsets = [1840, 0], sizes = [8, 3072], strides = [1, 1]} : vector<2048x3072xf32> to vector<8x3072xf32>
      %lt3A_1479 = arith.cmpf olt, %slice3A_1478, %select_n3A_1474 : vector<8x3072xf32>
      %select_n3A_1480 = arith.select %lt3A_1479, %slice3A_1478, %select_n3A_1474 : vector<8x3072xi1>, vector<8x3072xf32>
      %broadcast_in_dim3A_1481 = arith.constant 1840 : i32
      %broadcast_in_dim3A_1482 = vector.broadcast %broadcast_in_dim3A_1481 : i32 to vector<8x3072xi32>
      %select_n3A_1483 = arith.select %lt3A_1479, %broadcast_in_dim3A_1482, %select_n3A_1477 : vector<8x3072xi1>, vector<8x3072xi32>
      %slice3A_1484 = vector.extract_strided_slice %add3A_100 {offsets = [1848, 0], sizes = [8, 3072], strides = [1, 1]} : vector<2048x3072xf32> to vector<8x3072xf32>
      %lt3A_1485 = arith.cmpf olt, %slice3A_1484, %select_n3A_1480 : vector<8x3072xf32>
      %select_n3A_1486 = arith.select %lt3A_1485, %slice3A_1484, %select_n3A_1480 : vector<8x3072xi1>, vector<8x3072xf32>
      %broadcast_in_dim3A_1487 = arith.constant 1848 : i32
      %broadcast_in_dim3A_1488 = vector.broadcast %broadcast_in_dim3A_1487 : i32 to vector<8x3072xi32>
      %select_n3A_1489 = arith.select %lt3A_1485, %broadcast_in_dim3A_1488, %select_n3A_1483 : vector<8x3072xi1>, vector<8x3072xi32>
      %slice3A_1490 = vector.extract_strided_slice %add3A_100 {offsets = [1856, 0], sizes = [8, 3072], strides = [1, 1]} : vector<2048x3072xf32> to vector<8x3072xf32>
      %lt3A_1491 = arith.cmpf olt, %slice3A_1490, %select_n3A_1486 : vector<8x3072xf32>
      %select_n3A_1492 = arith.select %lt3A_1491, %slice3A_1490, %select_n3A_1486 : vector<8x3072xi1>, vector<8x3072xf32>
      %broadcast_in_dim3A_1493 = arith.constant 1856 : i32
      %broadcast_in_dim3A_1494 = vector.broadcast %broadcast_in_dim3A_1493 : i32 to vector<8x3072xi32>
      %select_n3A_1495 = arith.select %lt3A_1491, %broadcast_in_dim3A_1494, %select_n3A_1489 : vector<8x3072xi1>, vector<8x3072xi32>
      %slice3A_1496 = vector.extract_strided_slice %add3A_100 {offsets = [1864, 0], sizes = [8, 3072], strides = [1, 1]} : vector<2048x3072xf32> to vector<8x3072xf32>
      %lt3A_1497 = arith.cmpf olt, %slice3A_1496, %select_n3A_1492 : vector<8x3072xf32>
      %select_n3A_1498 = arith.select %lt3A_1497, %slice3A_1496, %select_n3A_1492 : vector<8x3072xi1>, vector<8x3072xf32>
      %broadcast_in_dim3A_1499 = arith.constant 1864 : i32
      %broadcast_in_dim3A_1500 = vector.broadcast %broadcast_in_dim3A_1499 : i32 to vector<8x3072xi32>
      %select_n3A_1501 = arith.select %lt3A_1497, %broadcast_in_dim3A_1500, %select_n3A_1495 : vector<8x3072xi1>, vector<8x3072xi32>
      %slice3A_1502 = vector.extract_strided_slice %add3A_100 {offsets = [1872, 0], sizes = [8, 3072], strides = [1, 1]} : vector<2048x3072xf32> to vector<8x3072xf32>
      %lt3A_1503 = arith.cmpf olt, %slice3A_1502, %select_n3A_1498 : vector<8x3072xf32>
      %select_n3A_1504 = arith.select %lt3A_1503, %slice3A_1502, %select_n3A_1498 : vector<8x3072xi1>, vector<8x3072xf32>
      %broadcast_in_dim3A_1505 = arith.constant 1872 : i32
      %broadcast_in_dim3A_1506 = vector.broadcast %broadcast_in_dim3A_1505 : i32 to vector<8x3072xi32>
      %select_n3A_1507 = arith.select %lt3A_1503, %broadcast_in_dim3A_1506, %select_n3A_1501 : vector<8x3072xi1>, vector<8x3072xi32>
      %slice3A_1508 = vector.extract_strided_slice %add3A_100 {offsets = [1880, 0], sizes = [8, 3072], strides = [1, 1]} : vector<2048x3072xf32> to vector<8x3072xf32>
      %lt3A_1509 = arith.cmpf olt, %slice3A_1508, %select_n3A_1504 : vector<8x3072xf32>
      %select_n3A_1510 = arith.select %lt3A_1509, %slice3A_1508, %select_n3A_1504 : vector<8x3072xi1>, vector<8x3072xf32>
      %broadcast_in_dim3A_1511 = arith.constant 1880 : i32
      %broadcast_in_dim3A_1512 = vector.broadcast %broadcast_in_dim3A_1511 : i32 to vector<8x3072xi32>
      %select_n3A_1513 = arith.select %lt3A_1509, %broadcast_in_dim3A_1512, %select_n3A_1507 : vector<8x3072xi1>, vector<8x3072xi32>
      %slice3A_1514 = vector.extract_strided_slice %add3A_100 {offsets = [1888, 0], sizes = [8, 3072], strides = [1, 1]} : vector<2048x3072xf32> to vector<8x3072xf32>
      %lt3A_1515 = arith.cmpf olt, %slice3A_1514, %select_n3A_1510 : vector<8x3072xf32>
      %select_n3A_1516 = arith.select %lt3A_1515, %slice3A_1514, %select_n3A_1510 : vector<8x3072xi1>, vector<8x3072xf32>
      %broadcast_in_dim3A_1517 = arith.constant 1888 : i32
      %broadcast_in_dim3A_1518 = vector.broadcast %broadcast_in_dim3A_1517 : i32 to vector<8x3072xi32>
      %select_n3A_1519 = arith.select %lt3A_1515, %broadcast_in_dim3A_1518, %select_n3A_1513 : vector<8x3072xi1>, vector<8x3072xi32>
      %slice3A_1520 = vector.extract_strided_slice %add3A_100 {offsets = [1896, 0], sizes = [8, 3072], strides = [1, 1]} : vector<2048x3072xf32> to vector<8x3072xf32>
      %lt3A_1521 = arith.cmpf olt, %slice3A_1520, %select_n3A_1516 : vector<8x3072xf32>
      %select_n3A_1522 = arith.select %lt3A_1521, %slice3A_1520, %select_n3A_1516 : vector<8x3072xi1>, vector<8x3072xf32>
      %broadcast_in_dim3A_1523 = arith.constant 1896 : i32
      %broadcast_in_dim3A_1524 = vector.broadcast %broadcast_in_dim3A_1523 : i32 to vector<8x3072xi32>
      %select_n3A_1525 = arith.select %lt3A_1521, %broadcast_in_dim3A_1524, %select_n3A_1519 : vector<8x3072xi1>, vector<8x3072xi32>
      %slice3A_1526 = vector.extract_strided_slice %add3A_100 {offsets = [1904, 0], sizes = [8, 3072], strides = [1, 1]} : vector<2048x3072xf32> to vector<8x3072xf32>
      %lt3A_1527 = arith.cmpf olt, %slice3A_1526, %select_n3A_1522 : vector<8x3072xf32>
      %select_n3A_1528 = arith.select %lt3A_1527, %slice3A_1526, %select_n3A_1522 : vector<8x3072xi1>, vector<8x3072xf32>
      %broadcast_in_dim3A_1529 = arith.constant 1904 : i32
      %broadcast_in_dim3A_1530 = vector.broadcast %broadcast_in_dim3A_1529 : i32 to vector<8x3072xi32>
      %select_n3A_1531 = arith.select %lt3A_1527, %broadcast_in_dim3A_1530, %select_n3A_1525 : vector<8x3072xi1>, vector<8x3072xi32>
      %slice3A_1532 = vector.extract_strided_slice %add3A_100 {offsets = [1912, 0], sizes = [8, 3072], strides = [1, 1]} : vector<2048x3072xf32> to vector<8x3072xf32>
      %lt3A_1533 = arith.cmpf olt, %slice3A_1532, %select_n3A_1528 : vector<8x3072xf32>
      %select_n3A_1534 = arith.select %lt3A_1533, %slice3A_1532, %select_n3A_1528 : vector<8x3072xi1>, vector<8x3072xf32>
      %broadcast_in_dim3A_1535 = arith.constant 1912 : i32
      %broadcast_in_dim3A_1536 = vector.broadcast %broadcast_in_dim3A_1535 : i32 to vector<8x3072xi32>
      %select_n3A_1537 = arith.select %lt3A_1533, %broadcast_in_dim3A_1536, %select_n3A_1531 : vector<8x3072xi1>, vector<8x3072xi32>
      %slice3A_1538 = vector.extract_strided_slice %add3A_100 {offsets = [1920, 0], sizes = [8, 3072], strides = [1, 1]} : vector<2048x3072xf32> to vector<8x3072xf32>
      %lt3A_1539 = arith.cmpf olt, %slice3A_1538, %select_n3A_1534 : vector<8x3072xf32>
      %select_n3A_1540 = arith.select %lt3A_1539, %slice3A_1538, %select_n3A_1534 : vector<8x3072xi1>, vector<8x3072xf32>
      %broadcast_in_dim3A_1541 = arith.constant 1920 : i32
      %broadcast_in_dim3A_1542 = vector.broadcast %broadcast_in_dim3A_1541 : i32 to vector<8x3072xi32>
      %select_n3A_1543 = arith.select %lt3A_1539, %broadcast_in_dim3A_1542, %select_n3A_1537 : vector<8x3072xi1>, vector<8x3072xi32>
      %slice3A_1544 = vector.extract_strided_slice %add3A_100 {offsets = [1928, 0], sizes = [8, 3072], strides = [1, 1]} : vector<2048x3072xf32> to vector<8x3072xf32>
      %lt3A_1545 = arith.cmpf olt, %slice3A_1544, %select_n3A_1540 : vector<8x3072xf32>
      %select_n3A_1546 = arith.select %lt3A_1545, %slice3A_1544, %select_n3A_1540 : vector<8x3072xi1>, vector<8x3072xf32>
      %broadcast_in_dim3A_1547 = arith.constant 1928 : i32
      %broadcast_in_dim3A_1548 = vector.broadcast %broadcast_in_dim3A_1547 : i32 to vector<8x3072xi32>
      %select_n3A_1549 = arith.select %lt3A_1545, %broadcast_in_dim3A_1548, %select_n3A_1543 : vector<8x3072xi1>, vector<8x3072xi32>
      %slice3A_1550 = vector.extract_strided_slice %add3A_100 {offsets = [1936, 0], sizes = [8, 3072], strides = [1, 1]} : vector<2048x3072xf32> to vector<8x3072xf32>
      %lt3A_1551 = arith.cmpf olt, %slice3A_1550, %select_n3A_1546 : vector<8x3072xf32>
      %select_n3A_1552 = arith.select %lt3A_1551, %slice3A_1550, %select_n3A_1546 : vector<8x3072xi1>, vector<8x3072xf32>
      %broadcast_in_dim3A_1553 = arith.constant 1936 : i32
      %broadcast_in_dim3A_1554 = vector.broadcast %broadcast_in_dim3A_1553 : i32 to vector<8x3072xi32>
      %select_n3A_1555 = arith.select %lt3A_1551, %broadcast_in_dim3A_1554, %select_n3A_1549 : vector<8x3072xi1>, vector<8x3072xi32>
      %slice3A_1556 = vector.extract_strided_slice %add3A_100 {offsets = [1944, 0], sizes = [8, 3072], strides = [1, 1]} : vector<2048x3072xf32> to vector<8x3072xf32>
      %lt3A_1557 = arith.cmpf olt, %slice3A_1556, %select_n3A_1552 : vector<8x3072xf32>
      %select_n3A_1558 = arith.select %lt3A_1557, %slice3A_1556, %select_n3A_1552 : vector<8x3072xi1>, vector<8x3072xf32>
      %broadcast_in_dim3A_1559 = arith.constant 1944 : i32
      %broadcast_in_dim3A_1560 = vector.broadcast %broadcast_in_dim3A_1559 : i32 to vector<8x3072xi32>
      %select_n3A_1561 = arith.select %lt3A_1557, %broadcast_in_dim3A_1560, %select_n3A_1555 : vector<8x3072xi1>, vector<8x3072xi32>
      %slice3A_1562 = vector.extract_strided_slice %add3A_100 {offsets = [1952, 0], sizes = [8, 3072], strides = [1, 1]} : vector<2048x3072xf32> to vector<8x3072xf32>
      %lt3A_1563 = arith.cmpf olt, %slice3A_1562, %select_n3A_1558 : vector<8x3072xf32>
      %select_n3A_1564 = arith.select %lt3A_1563, %slice3A_1562, %select_n3A_1558 : vector<8x3072xi1>, vector<8x3072xf32>
      %broadcast_in_dim3A_1565 = arith.constant 1952 : i32
      %broadcast_in_dim3A_1566 = vector.broadcast %broadcast_in_dim3A_1565 : i32 to vector<8x3072xi32>
      %select_n3A_1567 = arith.select %lt3A_1563, %broadcast_in_dim3A_1566, %select_n3A_1561 : vector<8x3072xi1>, vector<8x3072xi32>
      %slice3A_1568 = vector.extract_strided_slice %add3A_100 {offsets = [1960, 0], sizes = [8, 3072], strides = [1, 1]} : vector<2048x3072xf32> to vector<8x3072xf32>
      %lt3A_1569 = arith.cmpf olt, %slice3A_1568, %select_n3A_1564 : vector<8x3072xf32>
      %select_n3A_1570 = arith.select %lt3A_1569, %slice3A_1568, %select_n3A_1564 : vector<8x3072xi1>, vector<8x3072xf32>
      %broadcast_in_dim3A_1571 = arith.constant 1960 : i32
      %broadcast_in_dim3A_1572 = vector.broadcast %broadcast_in_dim3A_1571 : i32 to vector<8x3072xi32>
      %select_n3A_1573 = arith.select %lt3A_1569, %broadcast_in_dim3A_1572, %select_n3A_1567 : vector<8x3072xi1>, vector<8x3072xi32>
      %slice3A_1574 = vector.extract_strided_slice %add3A_100 {offsets = [1968, 0], sizes = [8, 3072], strides = [1, 1]} : vector<2048x3072xf32> to vector<8x3072xf32>
      %lt3A_1575 = arith.cmpf olt, %slice3A_1574, %select_n3A_1570 : vector<8x3072xf32>
      %select_n3A_1576 = arith.select %lt3A_1575, %slice3A_1574, %select_n3A_1570 : vector<8x3072xi1>, vector<8x3072xf32>
      %broadcast_in_dim3A_1577 = arith.constant 1968 : i32
      %broadcast_in_dim3A_1578 = vector.broadcast %broadcast_in_dim3A_1577 : i32 to vector<8x3072xi32>
      %select_n3A_1579 = arith.select %lt3A_1575, %broadcast_in_dim3A_1578, %select_n3A_1573 : vector<8x3072xi1>, vector<8x3072xi32>
      %slice3A_1580 = vector.extract_strided_slice %add3A_100 {offsets = [1976, 0], sizes = [8, 3072], strides = [1, 1]} : vector<2048x3072xf32> to vector<8x3072xf32>
      %lt3A_1581 = arith.cmpf olt, %slice3A_1580, %select_n3A_1576 : vector<8x3072xf32>
      %select_n3A_1582 = arith.select %lt3A_1581, %slice3A_1580, %select_n3A_1576 : vector<8x3072xi1>, vector<8x3072xf32>
      %broadcast_in_dim3A_1583 = arith.constant 1976 : i32
      %broadcast_in_dim3A_1584 = vector.broadcast %broadcast_in_dim3A_1583 : i32 to vector<8x3072xi32>
      %select_n3A_1585 = arith.select %lt3A_1581, %broadcast_in_dim3A_1584, %select_n3A_1579 : vector<8x3072xi1>, vector<8x3072xi32>
      %slice3A_1586 = vector.extract_strided_slice %add3A_100 {offsets = [1984, 0], sizes = [8, 3072], strides = [1, 1]} : vector<2048x3072xf32> to vector<8x3072xf32>
      %lt3A_1587 = arith.cmpf olt, %slice3A_1586, %select_n3A_1582 : vector<8x3072xf32>
      %select_n3A_1588 = arith.select %lt3A_1587, %slice3A_1586, %select_n3A_1582 : vector<8x3072xi1>, vector<8x3072xf32>
      %broadcast_in_dim3A_1589 = arith.constant 1984 : i32
      %broadcast_in_dim3A_1590 = vector.broadcast %broadcast_in_dim3A_1589 : i32 to vector<8x3072xi32>
      %select_n3A_1591 = arith.select %lt3A_1587, %broadcast_in_dim3A_1590, %select_n3A_1585 : vector<8x3072xi1>, vector<8x3072xi32>
      %slice3A_1592 = vector.extract_strided_slice %add3A_100 {offsets = [1992, 0], sizes = [8, 3072], strides = [1, 1]} : vector<2048x3072xf32> to vector<8x3072xf32>
      %lt3A_1593 = arith.cmpf olt, %slice3A_1592, %select_n3A_1588 : vector<8x3072xf32>
      %select_n3A_1594 = arith.select %lt3A_1593, %slice3A_1592, %select_n3A_1588 : vector<8x3072xi1>, vector<8x3072xf32>
      %broadcast_in_dim3A_1595 = arith.constant 1992 : i32
      %broadcast_in_dim3A_1596 = vector.broadcast %broadcast_in_dim3A_1595 : i32 to vector<8x3072xi32>
      %select_n3A_1597 = arith.select %lt3A_1593, %broadcast_in_dim3A_1596, %select_n3A_1591 : vector<8x3072xi1>, vector<8x3072xi32>
      %slice3A_1598 = vector.extract_strided_slice %add3A_100 {offsets = [2000, 0], sizes = [8, 3072], strides = [1, 1]} : vector<2048x3072xf32> to vector<8x3072xf32>
      %lt3A_1599 = arith.cmpf olt, %slice3A_1598, %select_n3A_1594 : vector<8x3072xf32>
      %select_n3A_1600 = arith.select %lt3A_1599, %slice3A_1598, %select_n3A_1594 : vector<8x3072xi1>, vector<8x3072xf32>
      %broadcast_in_dim3A_1601 = arith.constant 2000 : i32
      %broadcast_in_dim3A_1602 = vector.broadcast %broadcast_in_dim3A_1601 : i32 to vector<8x3072xi32>
      %select_n3A_1603 = arith.select %lt3A_1599, %broadcast_in_dim3A_1602, %select_n3A_1597 : vector<8x3072xi1>, vector<8x3072xi32>
      %slice3A_1604 = vector.extract_strided_slice %add3A_100 {offsets = [2008, 0], sizes = [8, 3072], strides = [1, 1]} : vector<2048x3072xf32> to vector<8x3072xf32>
      %lt3A_1605 = arith.cmpf olt, %slice3A_1604, %select_n3A_1600 : vector<8x3072xf32>
      %select_n3A_1606 = arith.select %lt3A_1605, %slice3A_1604, %select_n3A_1600 : vector<8x3072xi1>, vector<8x3072xf32>
      %broadcast_in_dim3A_1607 = arith.constant 2008 : i32
      %broadcast_in_dim3A_1608 = vector.broadcast %broadcast_in_dim3A_1607 : i32 to vector<8x3072xi32>
      %select_n3A_1609 = arith.select %lt3A_1605, %broadcast_in_dim3A_1608, %select_n3A_1603 : vector<8x3072xi1>, vector<8x3072xi32>
      %slice3A_1610 = vector.extract_strided_slice %add3A_100 {offsets = [2016, 0], sizes = [8, 3072], strides = [1, 1]} : vector<2048x3072xf32> to vector<8x3072xf32>
      %lt3A_1611 = arith.cmpf olt, %slice3A_1610, %select_n3A_1606 : vector<8x3072xf32>
      %select_n3A_1612 = arith.select %lt3A_1611, %slice3A_1610, %select_n3A_1606 : vector<8x3072xi1>, vector<8x3072xf32>
      %broadcast_in_dim3A_1613 = arith.constant 2016 : i32
      %broadcast_in_dim3A_1614 = vector.broadcast %broadcast_in_dim3A_1613 : i32 to vector<8x3072xi32>
      %select_n3A_1615 = arith.select %lt3A_1611, %broadcast_in_dim3A_1614, %select_n3A_1609 : vector<8x3072xi1>, vector<8x3072xi32>
      %slice3A_1616 = vector.extract_strided_slice %add3A_100 {offsets = [2024, 0], sizes = [8, 3072], strides = [1, 1]} : vector<2048x3072xf32> to vector<8x3072xf32>
      %lt3A_1617 = arith.cmpf olt, %slice3A_1616, %select_n3A_1612 : vector<8x3072xf32>
      %select_n3A_1618 = arith.select %lt3A_1617, %slice3A_1616, %select_n3A_1612 : vector<8x3072xi1>, vector<8x3072xf32>
      %broadcast_in_dim3A_1619 = arith.constant 2024 : i32
      %broadcast_in_dim3A_1620 = vector.broadcast %broadcast_in_dim3A_1619 : i32 to vector<8x3072xi32>
      %select_n3A_1621 = arith.select %lt3A_1617, %broadcast_in_dim3A_1620, %select_n3A_1615 : vector<8x3072xi1>, vector<8x3072xi32>
      %slice3A_1622 = vector.extract_strided_slice %add3A_100 {offsets = [2032, 0], sizes = [8, 3072], strides = [1, 1]} : vector<2048x3072xf32> to vector<8x3072xf32>
      %lt3A_1623 = arith.cmpf olt, %slice3A_1622, %select_n3A_1618 : vector<8x3072xf32>
      %select_n3A_1624 = arith.select %lt3A_1623, %slice3A_1622, %select_n3A_1618 : vector<8x3072xi1>, vector<8x3072xf32>
      %broadcast_in_dim3A_1625 = arith.constant 2032 : i32
      %broadcast_in_dim3A_1626 = vector.broadcast %broadcast_in_dim3A_1625 : i32 to vector<8x3072xi32>
      %select_n3A_1627 = arith.select %lt3A_1623, %broadcast_in_dim3A_1626, %select_n3A_1621 : vector<8x3072xi1>, vector<8x3072xi32>
      %slice3A_1628 = vector.extract_strided_slice %add3A_100 {offsets = [2040, 0], sizes = [8, 3072], strides = [1, 1]} : vector<2048x3072xf32> to vector<8x3072xf32>
      %lt3A_1629 = arith.cmpf olt, %slice3A_1628, %select_n3A_1624 : vector<8x3072xf32>
      %select_n3A_1630 = arith.select %lt3A_1629, %slice3A_1628, %select_n3A_1624 : vector<8x3072xi1>, vector<8x3072xf32>
      %broadcast_in_dim3A_1631 = arith.constant 2040 : i32
      %broadcast_in_dim3A_1632 = vector.broadcast %broadcast_in_dim3A_1631 : i32 to vector<8x3072xi32>
      %select_n3A_1633 = arith.select %lt3A_1629, %broadcast_in_dim3A_1632, %select_n3A_1627 : vector<8x3072xi1>, vector<8x3072xi32>
      %add3A_1634 = arith.addi %select_n3A_1633, %iota3A : vector<8x3072xi32>
      %mul3A_1635 = arith.constant 2048 : i32
      %mul3A_1636 = arith.muli %scan3A_84, %mul3A_1635 : i32
      %add3A_1637 = vector.broadcast %mul3A_1636 : i32 to vector<8x3072xi32>
      %add3A_1638 = arith.addi %add3A_1634, %add3A_1637 : vector<8x3072xi32>
      %lt3A_1639 = arith.cmpf olt, %select_n3A_1630, %scan3A_85 : vector<8x3072xf32>
      %select_n3A_1640 = arith.select %lt3A_1639, %select_n3A_1630, %scan3A_85 : vector<8x3072xi1>, vector<8x3072xf32>
      %select_n3A_1641 = arith.select %lt3A_1639, %add3A_1638, %scan3A_86 : vector<8x3072xi1>, vector<8x3072xi32>
      scf.yield %select_n3A_1640, %select_n3A_1641 : vector<8x3072xf32>, vector<8x3072xi32>
    }
    %scan3A_26 = arith.constant 4 : i32
    %slice3A = vector.extract_strided_slice %scan3A_25#0 {offsets = [0, 0], sizes = [4, 3072], strides = [1, 1]} : vector<8x3072xf32> to vector<4x3072xf32>
    %slice3A_27 = vector.extract_strided_slice %scan3A_25#0 {offsets = [4, 0], sizes = [4, 3072], strides = [1, 1]} : vector<8x3072xf32> to vector<4x3072xf32>
    %slice3A_28 = vector.extract_strided_slice %scan3A_25#1 {offsets = [0, 0], sizes = [4, 3072], strides = [1, 1]} : vector<8x3072xi32> to vector<4x3072xi32>
    %slice3A_29 = vector.extract_strided_slice %scan3A_25#1 {offsets = [4, 0], sizes = [4, 3072], strides = [1, 1]} : vector<8x3072xi32> to vector<4x3072xi32>
    %lt3A = arith.cmpf olt, %slice3A_27, %slice3A : vector<4x3072xf32>
    %eq3A_30 = arith.cmpf oeq, %slice3A_27, %slice3A : vector<4x3072xf32>
    %lt3A_31 = arith.cmpi slt, %slice3A_29, %slice3A_28 : vector<4x3072xi32>
    %and3A = arith.andi %eq3A_30, %lt3A_31 : vector<4x3072xi1>
    %or3A = arith.ori %lt3A, %and3A : vector<4x3072xi1>
    %select_n3A = arith.select %or3A, %slice3A_27, %slice3A : vector<4x3072xi1>, vector<4x3072xf32>
    %select_n3A_32 = arith.select %or3A, %slice3A_29, %slice3A_28 : vector<4x3072xi1>, vector<4x3072xi32>
    %slice3A_33 = vector.extract_strided_slice %select_n3A {offsets = [0, 0], sizes = [2, 3072], strides = [1, 1]} : vector<4x3072xf32> to vector<2x3072xf32>
    %slice3A_34 = vector.extract_strided_slice %select_n3A {offsets = [2, 0], sizes = [2, 3072], strides = [1, 1]} : vector<4x3072xf32> to vector<2x3072xf32>
    %slice3A_35 = vector.extract_strided_slice %select_n3A_32 {offsets = [0, 0], sizes = [2, 3072], strides = [1, 1]} : vector<4x3072xi32> to vector<2x3072xi32>
    %slice3A_36 = vector.extract_strided_slice %select_n3A_32 {offsets = [2, 0], sizes = [2, 3072], strides = [1, 1]} : vector<4x3072xi32> to vector<2x3072xi32>
    %lt3A_37 = arith.cmpf olt, %slice3A_34, %slice3A_33 : vector<2x3072xf32>
    %eq3A_38 = arith.cmpf oeq, %slice3A_34, %slice3A_33 : vector<2x3072xf32>
    %lt3A_39 = arith.cmpi slt, %slice3A_36, %slice3A_35 : vector<2x3072xi32>
    %and3A_40 = arith.andi %eq3A_38, %lt3A_39 : vector<2x3072xi1>
    %or3A_41 = arith.ori %lt3A_37, %and3A_40 : vector<2x3072xi1>
    %select_n3A_42 = arith.select %or3A_41, %slice3A_34, %slice3A_33 : vector<2x3072xi1>, vector<2x3072xf32>
    %select_n3A_43 = arith.select %or3A_41, %slice3A_36, %slice3A_35 : vector<2x3072xi1>, vector<2x3072xi32>
    %slice3A_44 = vector.extract_strided_slice %select_n3A_42 {offsets = [0, 0], sizes = [1, 3072], strides = [1, 1]} : vector<2x3072xf32> to vector<1x3072xf32>
    %slice3A_45 = vector.extract_strided_slice %select_n3A_42 {offsets = [1, 0], sizes = [1, 3072], strides = [1, 1]} : vector<2x3072xf32> to vector<1x3072xf32>
    %slice3A_46 = vector.extract_strided_slice %select_n3A_43 {offsets = [0, 0], sizes = [1, 3072], strides = [1, 1]} : vector<2x3072xi32> to vector<1x3072xi32>
    %slice3A_47 = vector.extract_strided_slice %select_n3A_43 {offsets = [1, 0], sizes = [1, 3072], strides = [1, 1]} : vector<2x3072xi32> to vector<1x3072xi32>
    %lt3A_48 = arith.cmpf olt, %slice3A_45, %slice3A_44 : vector<1x3072xf32>
    %eq3A_49 = arith.cmpf oeq, %slice3A_45, %slice3A_44 : vector<1x3072xf32>
    %lt3A_50 = arith.cmpi slt, %slice3A_47, %slice3A_46 : vector<1x3072xi32>
    %and3A_51 = arith.andi %eq3A_49, %lt3A_50 : vector<1x3072xi1>
    %or3A_52 = arith.ori %lt3A_48, %and3A_51 : vector<1x3072xi1>
    %select_n3A_53 = arith.select %or3A_52, %slice3A_45, %slice3A_44 : vector<1x3072xi1>, vector<1x3072xf32>
    %select_n3A_54 = arith.select %or3A_52, %slice3A_47, %slice3A_46 : vector<1x3072xi1>, vector<1x3072xi32>
    %broadcast_in_dim3A_55 = vector.shape_cast %select_n3A_54 : vector<1x3072xi32> to vector<1x1x3072xi32>
    %swap3A = arith.constant 0 : index
    %swap3A_56 = arith.constant 0 : index
    %swap3A_57 = arith.constant 0 : index
    %swap3A_58 = vector.load %arg7[%swap3A, %swap3A_56, %swap3A_57] : memref<1x1x3072xi32, #tpu.memory_space<vmem>>, vector<1x1x3072xi32>
    tpu.vector_store %arg7[%swap3A, %swap3A_56, %swap3A_57], %broadcast_in_dim3A_55 {strides = array<i32>} : memref<1x1x3072xi32, #tpu.memory_space<vmem>>, vector<1x1x3072xi32>,
    %mul3A_59 = arith.mulf %concatenate3A, %concatenate3A : vector<3072x128xf32>
    %reduce_sum3A = vector.shape_cast %mul3A_59 : vector<3072x128xf32> to vector<1x3072x128xf32>
    %reduce_sum3A_60 = arith.constant dense<0.000000e+00> : vector<1xf32>
    %reduce_sum3A_61 = vector.multi_reduction <add>, %reduce_sum3A, %reduce_sum3A_60 [1, 2] : vector<1x3072x128xf32> to vector<1xf32>
    %reduce_sum3A_62 = vector.shape_cast %reduce_sum3A_61 : vector<1xf32> to vector<1x1x1xf32>
    %reduce_sum3A_63 = vector.extract %reduce_sum3A_62[0, 0, 0] : f32 from vector<1x1x1xf32>
    %reduce_sum3A_64 = vector.shape_cast %select_n3A_53 : vector<1x3072xf32> to vector<1x1x3072xf32>
    %reduce_sum3A_65 = arith.constant dense<0.000000e+00> : vector<1xf32>
    %reduce_sum3A_66 = vector.multi_reduction <add>, %reduce_sum3A_64, %reduce_sum3A_65 [1, 2] : vector<1x1x3072xf32> to vector<1xf32>
    %reduce_sum3A_67 = vector.shape_cast %reduce_sum3A_66 : vector<1xf32> to vector<1x1x1xf32>
    %reduce_sum3A_68 = vector.extract %reduce_sum3A_67[0, 0, 0] : f32 from vector<1x1x1xf32>
    %add3A_69 = arith.addf %reduce_sum3A_63, %reduce_sum3A_68 : f32
    %eq3A_70 = arith.constant 0 : i32
    %eq3A_71 = arith.cmpi eq, %arg0, %eq3A_70 : i32
    %convert_element_type3A_72 = arith.extui %eq3A_71 : i1 to i32
    %cond3A_73 = arith.constant 0 : i32
    %cond3A_74 = arith.cmpi ne, %convert_element_type3A_72, %cond3A_73 : i32
    scf.if %cond3A_74 {
      %swap3A_84 = arith.constant 0 : index
      %swap3A_85 = arith.constant 0 : index
      %swap3A_86 = memref.load %arg12[%swap3A_84, %swap3A_85] : memref<1x1xf32, #tpu.memory_space<smem>>
      memref.store %add3A_69, %arg12[%swap3A_84, %swap3A_85] : memref<1x1xf32, #tpu.memory_space<smem>>
    } else {
    }
    %ne3A = arith.constant 0 : i32
    %ne3A_75 = arith.cmpi ne, %arg0, %ne3A : i32
    %convert_element_type3A_76 = arith.extui %ne3A_75 : i1 to i32
    %cond3A_77 = arith.constant 0 : i32
    %cond3A_78 = arith.cmpi ne, %convert_element_type3A_76, %cond3A_77 : i32
    scf.if %cond3A_78 {
      %get3A_84 = arith.constant 0 : index
      %get3A_85 = arith.constant 0 : index
      %get3A_86 = memref.load %arg12[%get3A_84, %get3A_85] : memref<1x1xf32, #tpu.memory_space<smem>>
      %add3A_87 = arith.addf %get3A_86, %add3A_69 : f32
      %swap3A_88 = arith.constant 0 : index
      %swap3A_89 = arith.constant 0 : index
      %swap3A_90 = memref.load %arg12[%swap3A_88, %swap3A_89] : memref<1x1xf32, #tpu.memory_space<smem>>
      memref.store %add3A_87, %arg12[%swap3A_88, %swap3A_89] : memref<1x1xf32, #tpu.memory_space<smem>>
    } else {
    }
    %eq3A_79 = arith.constant 2 : i32
    %eq3A_80 = arith.cmpi eq, %arg0, %eq3A_79 : i32
    %convert_element_type3A_81 = arith.extui %eq3A_80 : i1 to i32
    %cond3A_82 = arith.constant 0 : i32
    %cond3A_83 = arith.cmpi ne, %convert_element_type3A_81, %cond3A_82 : i32
    scf.if %cond3A_83 {
      %get3A_84 = arith.constant 0 : index
      %get3A_85 = arith.constant 0 : index
      %get3A_86 = memref.load %arg12[%get3A_84, %get3A_85] : memref<1x1xf32, #tpu.memory_space<smem>>
      %mul3A_87 = arith.constant 3.000000e+00 : f32
      %mul3A_88 = arith.mulf %mul3A_87, %get3A_86 : f32
      %div3A = arith.constant 5.898240e+05 : f32
      %div3A_89 = arith.divf %mul3A_88, %div3A : f32
      %swap3A_90 = arith.constant 0 : index
      %swap3A_91 = arith.constant 0 : index
      %swap3A_92 = memref.load %arg9[%swap3A_90, %swap3A_91] : memref<1x1xf32, #tpu.memory_space<smem>>
      memref.store %div3A_89, %arg9[%swap3A_90, %swap3A_91] : memref<1x1xf32, #tpu.memory_space<smem>>
    } else {
    }
    return
  }
  func.func @transform_0(%arg0: i32) -> (i32, i32) {
    %c0_i32 = arith.constant 0 : i32
    %c0_i32_0 = arith.constant 0 : i32
    return %arg0, %c0_i32 : i32, i32
  }
  func.func @transform_1(%arg0: i32) -> (i32, i32) {
    %c0_i32 = arith.constant 0 : i32
    %c0_i32_0 = arith.constant 0 : i32
    %c0_i32_1 = arith.constant 0 : i32
    return %c0_i32, %c0_i32_0 : i32, i32
  }
  func.func @transform_2(%arg0: i32) -> (i32, i32) {
    %c0_i32 = arith.constant 0 : i32
    %c0_i32_0 = arith.constant 0 : i32
    %c0_i32_1 = arith.constant 0 : i32
    return %c0_i32, %c0_i32_0 : i32, i32
  }
  func.func @transform_3(%arg0: i32) -> (i32, i32) {
    %c0_i32 = arith.constant 0 : i32
    %c0_i32_0 = arith.constant 0 : i32
    %c0_i32_1 = arith.constant 0 : i32
    return %c0_i32, %c0_i32_0 : i32, i32
  }
  func.func @transform_4(%arg0: i32) -> (i32, i32) {
    %c0_i32 = arith.constant 0 : i32
    %c0_i32_0 = arith.constant 0 : i32
    %c0_i32_1 = arith.constant 0 : i32
    return %c0_i32, %c0_i32_0 : i32, i32
  }
  func.func @transform_5(%arg0: i32) -> (i32, i32) {
    %c0_i32 = arith.constant 0 : i32
    %c0_i32_0 = arith.constant 0 : i32
    %c0_i32_1 = arith.constant 0 : i32
    return %c0_i32, %c0_i32_0 : i32, i32
  }
  func.func @transform_6(%arg0: i32) -> (i32, i32, i32) {
    %c0_i32 = arith.constant 0 : i32
    %c0_i32_0 = arith.constant 0 : i32
    %c0_i32_1 = arith.constant 0 : i32
    return %arg0, %c0_i32, %c0_i32_0 : i32, i32, i32
  }
  func.func @transform_7(%arg0: i32) -> (i32, i32) {
    %c0_i32 = arith.constant 0 : i32
    %c0_i32_0 = arith.constant 0 : i32
    %c0_i32_1 = arith.constant 0 : i32
    return %c0_i32, %c0_i32_0 : i32, i32
  }
  func.func @transform_8(%arg0: i32) -> (i32, i32) {
    %c0_i32 = arith.constant 0 : i32
    %c0_i32_0 = arith.constant 0 : i32
    %c0_i32_1 = arith.constant 0 : i32
    return %c0_i32, %c0_i32_0 : i32, i32
  }
}

</mosaic_0001>

<sc_bundles>
// kernel: kernel.5.cloned.1.call-start
scs
__scs_entry_jumppad:
0x0: {  	(pc) =	sbr.rel $0x88, $3  }
0x1: {  	(tag) =	ssettag $0x0;
	lr =	simm.s32 $0x1  }
0x2: {  	[smem:$0x3F99] =	sst lr;
	_ =	strace $0xD0000000  }
0x3: {  	_ = 	snop  }
0x4: {  	_ = 	snop  }
0x5: {  	_ = 	snop  }
0x6: {  	_ = 	snop  }
0x7: {  	_ = 	snop  }
__scs_overlays_trampoline_lowered:
0x8: {  	[smem:$0x3FA8] =	sst s0  }
0x9: {  	[smem:$0x3FA9] =	sst s1  }
0xa: {  	[smem:$0x3FAA] =	sst s2  }
0xb: {  	[smem:$0x3FAB] =	sst s3  }
0xc: {  	[smem:$0x3FAC] =	sst s4  }
0xd: {  	[smem:$0x3FAD] =	sst s5  }
0xe: {  	[smem:$0x3FAE] =	sst s6  }
0xf: {  	[smem:$0x3FAF] =	sst s7  }
0x10: {  	[smem:$0x3FB0] =	sst s8  }
0x11: {  	[smem:$0x3FB1] =	sst s9;
	s0 =	simm.s32 @!p0 $0x0  }
0x12: {  	s1 =	sld [smem:$0x3F97];
	s0 =	simm.s32 @p0 $0x1  }
0x13: {  	[smem:$0x3FB2] =	sst s0;
	s0 =	simm.s32 @!p1 $0x0  }
0x14: {  	s2 =	sld [smem:$0x3F96];
	s0 =	simm.s32 @p1 $0x1  }
0x15: {  	[smem:$0x3FB3] =	sst s0;
	s0 =	simm.s32 @!p2 $0x0  }
0x16: {  	s3 =	sld [smem:$0x3FDB];
	s0 =	simm.s32 @p2 $0x1  }
0x17: {  	s4 =	simm.s32 $0x1BF5;
	[smem:$0x3FB5] =	sst s0  }
0x18: {  	s0 =	sld [smem:$0x3F98];
	_ =	swait.ge [sflag:s4], $0x0  }
0x19: {  	s7 =	sld [smem:$0x3F99]  }
0x1a: {  	s8 =	sadd.s32 $0xFFFFE003, lr  }
0x1b: {  	s9 =	sadd.s32 $0xFFFFFEF7, lr;
	s5 =	simm.s32 $0xFFFFFFFF;
	p2 =	slt.u32 s8, $0xFFFFF086  }
0x1c: {  	p1 =	slt.u32 s9, $0xF7A;
	s5 =	simm.s32 @!p2 $0x0  }
0x1d: {  	s5 =	simm.s32 @p1 $0x1;
	p0 =	seq.s32 s7, s2  }
0x1e: {  	s7 =	smul.u32 @!p0 $0xF7A, s2;
	p2 =	seq.s32 @!p0 s5, $0x0  }
0x1f: {  	s9 =	smul.u32 $0xF7A, s1;
	s8 =	simm.s32 @!p0 $0x1BF5;
	p2 =	por !p2, p0  }
0x20: {  	[sflag:s8] =	ssyncset.s32 @!p0 $0xFFFFF086;
	s6 =	sadd.s32 @!p0 s3, s7;
	s7 =	simm.s32 @!p0 $0x108  }
0x21: {  	s3 =	sadd.s32 s3, s9;
	s6 =	sadd.s32 @!p0 $0x88, s6;
	s7 =	simm.s32 @p2 $0x1082  }
0x22: {  	[simem:s7], [sflag:s8] =	dma.local @!p0 [hbm:s6], $0xF7A  }
0x23: {  	s9 =	sor.u32 $0xD0000000, s2;
	s6 =	simm.s32 $0x108;
	_ =	swait.ge @!p0 [sflag:s8], $0x0  }
0x24: {  	s3 =	sadd.s32 $0x88, s3;
	s6 =	simm.s32 @!p1 $0x1082;
	[sflag:s4] =	ssyncset.s32 $0xFFFFF086  }
0x25: {  	[simem:s6], [sflag:s4] =	dma.local [hbm:s3], $0xF7A  }
0x26: {  	[smem:$0x3F99] =	sst s1;
	(tag) =	ssettag s2;
	_ =	strace s9  }
0x27: {  	s1 =	sld [smem:$0x3FA9]  }
0x28: {  	s2 =	sld [smem:$0x3FAA]  }
0x29: {  	s4 =	sld [smem:$0x3FAC]  }
0x2a: {  	p0 =	seq.s32 s5, $0x0;
	s5 =	sld [smem:$0x3FAD]  }
0x2b: {  	s6 =	sld [smem:$0x3FAE]  }
0x2c: {  	s7 =	sld [smem:$0x3FAF]  }
0x2d: {  	s3 =	simm.s32 $0x108;
	s8 =	sld [smem:$0x3FB0]  }
0x2e: {  	s3 =	simm.s32 @!p0 $0x1082;
	s9 =	sld [smem:$0x3FB1]  }
0x2f: {  	lr =	sadd.s32 s0, s3;
	s0 =	sld [smem:$0x3FA8]  }
0x30: {  	s3 =	sld [smem:$0x3FAB]  }
0x31: {  	[smem:$0x3FB4] =	sst s10  }
0x32: {  	s10 =	sld [smem:$0x3FB2];
	_ =	sdelay $0x3  }
0x33: {  	p0 =	seq.s32 s10, $0x1;
	s10 =	sld [smem:$0x3FB4];
	_ =	sdelay $0x3  }
0x34: {  	[smem:$0x3FB4] =	sst s10  }
0x35: {  	s10 =	sld [smem:$0x3FB3];
	_ =	sdelay $0x3  }
0x36: {  	p1 =	seq.s32 s10, $0x1;
	s10 =	sld [smem:$0x3FB4];
	_ =	sdelay $0x3  }
0x37: {  	[smem:$0x3FB4] =	sst s10  }
0x38: {  	s10 =	sld [smem:$0x3FB5]  }
0x39: {  	_ = 	snop;
	(pc) =	sbr.ind lr, $3  }
0x3a: {  	_ = 	snop  }
0x3b: {  	_ = 	snop  }
0x3c: {  	p2 =	seq.s32 s10, $0x1;
	s10 =	sld [smem:$0x3FB4]  }
0x3d: {  	_ =	shalt  }
0x3e: {  	_ =	shalt  }
0x3f: {  	_ =	shalt  }
0x40: {  	_ =	shalt  }
0x41: {  	_ =	shalt  }
0x42: {  	_ =	shalt  }
0x43: {  	_ =	shalt  }
0x44: {  	_ =	shalt  }
0x45: {  	_ =	shalt  }
0x46: {  	_ =	shalt  }
0x47: {  	_ =	shalt  }
0x48: {  	_ =	shalt  }
0x49: {  	_ =	shalt  }
0x4a: {  	_ =	shalt  }
0x4b: {  	_ =	shalt  }
0x4c: {  	_ =	shalt  }
0x4d: {  	_ =	shalt  }
0x4e: {  	_ =	shalt  }
0x4f: {  	_ =	shalt  }
0x50: {  	_ =	shalt  }
0x51: {  	_ =	shalt  }
0x52: {  	_ =	shalt  }
0x53: {  	_ =	shalt  }
0x54: {  	_ =	shalt  }
0x55: {  	_ =	shalt  }
0x56: {  	_ =	shalt  }
0x57: {  	_ =	shalt  }
0x58: {  	_ =	shalt  }
0x59: {  	_ =	shalt  }
0x5a: {  	_ =	shalt  }
0x5b: {  	_ =	shalt  }
0x5c: {  	_ =	shalt  }
0x5d: {  	_ =	shalt  }
0x5e: {  	_ =	shalt  }
0x5f: {  	_ =	shalt  }
0x60: {  	_ =	shalt  }
0x61: {  	_ =	shalt  }
0x62: {  	_ =	shalt  }
0x63: {  	_ =	shalt  }
0x64: {  	_ =	shalt  }
0x65: {  	_ =	shalt  }
0x66: {  	_ =	shalt  }
0x67: {  	_ =	shalt  }
0x68: {  	_ =	shalt  }
0x69: {  	_ =	shalt  }
0x6a: {  	_ =	shalt  }
0x6b: {  	_ =	shalt  }
0x6c: {  	_ =	shalt  }
0x6d: {  	_ =	shalt  }
0x6e: {  	_ =	shalt  }
0x6f: {  	_ =	shalt  }
0x70: {  	_ =	shalt  }
0x71: {  	_ =	shalt  }
0x72: {  	_ =	shalt  }
0x73: {  	_ =	shalt  }
0x74: {  	_ =	shalt  }
0x75: {  	_ =	shalt  }
0x76: {  	_ =	shalt  }
0x77: {  	_ =	shalt  }
0x78: {  	_ =	shalt  }
0x79: {  	_ =	shalt  }
0x7a: {  	_ =	shalt  }
0x7b: {  	_ =	shalt  }
0x7c: {  	_ =	shalt  }
0x7d: {  	_ =	shalt  }
0x7e: {  	_ =	shalt  }
0x7f: {  	_ =	shalt  }
0x80: {  	_ =	shalt  }
0x81: {  	_ =	shalt  }
0x82: {  	_ =	shalt  }
0x83: {  	_ =	shalt  }
0x84: {  	_ =	shalt  }
0x85: {  	_ =	shalt  }
0x86: {  	_ =	shalt  }
0x87: {  	_ =	shalt  }
.Lfunc_end0:
.L_simem_size_0:
called_computation_lowered:
.L_overlay_start_0:
0x88: {  	s2 =	sld [smem:$0x3FD9]  }
0x89: {  	s3 =	sld [smem:$0x3FFE];
	_ =	sdelay $0x1  }
0x8a: {  	s1 =	srdreg.scid  }
0x8b: {  	s0 =	sand.u32 $0x1, s1  }
0x8c: {  	s14 =	sshll.u32 s0, $0xA;
	s2 =	sadd.s32 s3, s2  }
0x8d: {  	s2 =	sadd.s32 s2, s14  }
0x8e: {  	[smem:$0x3FC0] =	sst s2  }
0x8f: {  	_ = 	snop  }
0x90: {  	s2 =	sld [smem:$0x3FD0];
	_ =	sdelay $0x2  }
0x91: {  	s15 =	simm.s32 $0xA;
	s4 =	simm.s32 $0x10  }
0x92: {  	[smem:s4], [sflag:s15] =	dma.local [hbm:s2], $0x1  }
0x93: {  	_ =	swait.eq [sflag:s15], $0x1  }
0x94: {  	[sflag:s15] =	ssyncset.done $0x0  }
0x95: {  	[sflag:s15] =	ssyncadd.s32 $0xFFFFFFFF  }
0x96: {  	s16 =	sld [smem:$0x10];
	(tm) =	ssettm $0x1  }
0x97: {  	s17 =	sld [smem:$0x3FFB];
	_ =	sdelay $0x3  }
0x98: {  	_ =	strace s17  }
0x99: {  	s3 =	sld [smem:$0x3FFC];
	_ =	sdelay $0x3  }
0x9a: {  	_ =	strace s3  }
0x9b: {  	s3 =	sld [smem:$0x3FFD];
	_ =	sdelay $0x3  }
0x9c: {  	_ =	strace s3  }
0x9d: {  	_ =	strace $0x8FFFFFFF  }
0x9e: {  	s18 =	sld [smem:$0x3FDB];
	_ =	sdelay $0x1  }
0x9f: {  	s19 =	simm.s32 $_scs_section_size  }
0xa0: {  	s5 =	simm.s32 $_size__tile_overlayer_lowered;
	s6 =	simm.s32 $_tile_overlayer_lowered  }
0xa1: {  	s22 =	simm.s32 $0x1BFF;
	s21 =	sshll.u32 s6, $0x1;
	s3 =	sadd.s32 s19, s18  }
0xa2: {  	s7 =	simm.s32 $0x0;
	s20 =	sshll.u32 s5, $0x1;
	s5 =	sadd.s32 s21, s3  }
0xa3: {  	[timem:s7], [sflag:s22] =	dma.local [hbm:s5], s20  }
0xa4: {  	_ =	swait.ge [sflag:s22], s20  }
0xa5: {  	s4 =	ssub.s32 $0x0, s20;
	[sflag:s22] =	ssyncset.done $0x0  }
0xa6: {  	[sflag:s22] =	ssyncadd.s32 s4;
	_ =	sdelay $0x1  }
0xa7: {  	s23 =	simm.s32 $0x1B8B  }
0xa8: {  	_ =	swait.ge [sflag:s23], $0x1  }
0xa9: {  	[sflag:s23] =	ssyncset.done $0x0  }
0xaa: {  	s25 =	simm.s32 $0x1B8E;
	s24 =	sld [smem:$0x3FFE];
	[sflag:s23] =	ssyncadd.s32 $0xFFFFFFFF  }
0xab: {  	s26 =	simm.s32 $execute0_lowered;
	[smem:$0x3FD2] =	sst s25  }
0xac: {  	s5 =	sshll.u32 s26, $0x1;
	_ =	strace $0x80000046;
	[dreg:$0x1] =	wrdreg $0xFFFFFFFF  }
0xad: {  	s28 =	simm.s32 $_size_execute0_lowered;
	s3 =	sadd.s32 s3, s5;
	[dreg:$0x0] =	wrdreg $0x0  }
0xae: {  	s5 =	sshll.u32 s28, $0x1;
	[dreg:$0x2] =	wrdreg s3  }
0xaf: {  	[dreg:$0x3] =	wrdreg s5  }
0xb0: {  	[dreg:$0x4] =	wrdreg $0xC0  }
0xb1: {  	_ =	task [dreg:s7], $0x5FFFF  }
0xb2: {  	[dreg:$0x1] =	wrdreg $0xFFFFFFFF  }
0xb3: {  	[dreg:$0x0] =	wrdreg $0x60  }
0xb4: {  	[dreg:$0x2] =	wrdreg s24  }
0xb5: {  	[dreg:$0x3] =	wrdreg s16  }
0xb6: {  	[dreg:$0x4] =	wrdreg $0x9  }
0xb7: {  	_ =	task.clear_ibuf [dreg:s7], $0x5FFFF;
	_ =	strace $0x90000046  }
0xb8: {  	s29 =	simm.s32 $0x9;
	_ =	strace $0x80000048  }
0xb9: {  	_ =	swait.ge [sflag:s29], $0x1  }
0xba: {  	[sflag:s29] =	ssyncadd.s32 $0xFFFFFFFF  }
0xbb: {  	_ =	strace $0x90000048  }
0xbc: {  	_ =	sfence  }
0xbd: {  	s30 =	sld [smem:$0x0];
	_ =	sdelay $0x2  }
0xbe: {  	s31 =	sshll.u32 s1, $0xD;
	s1 =	sshrl.u32 s1, $0x2  }
0xbf: {  	s3 =	sand.u32 $0x4000, s31;
	s1 =	sadd.s32 s1, s30  }
0xc0: {  	s0 =	sor.u32 s3, s0;
	s1 =	sshll.u32 s1, $0x11  }
0xc1: {  	s0 =	sor.u32 s1, s0  }
0xc2: {  	s0 =	sadd.s32 $0x8F2B, s0  }
0xc3: {  	[sflag:s0] =	ssyncadd.remote.s32 $0x1  }
0xc4: {  	_ =	sfence.sel $0xFFFF  }
0xc5: {  	[dreg:$0x0] =	wrdreg $0xFFFFFFFF;
	(pc) =	sbr.abs _section_cstart, $3  }
0xc6: {  	[dreg:$0x1] =	wrdreg $0xFFFFFFFF  }
0xc7: {  	_ =	task.clear_ibuf [dreg:s7], $0x2FFFF;
	_ =	strace $0x9FFFFFFF  }
0xc8: {  	(tm) =	ssettm $0x7FFFFFFF  }
0xc9: {  	_ =	shalt  }
tec
execute0_lowered:
.L_overlay_start_1:
0x0: {  	(tag) =	ssettag $0x1  }
0x1: {  	s1 =	srdreg.scid;
	s0 =	stileid.u32  }
0x2: {  	s11 =	sand.u32 $0x1, s1;
	s30 =	sshll.u32 s0, $0x1  }
0x3: {  	s5 =	rddreg [dreg:$0x0];
	s12 =	sor.u32 s11, s30  }
0x4: {  	s13 =	rddreg [dreg:$0x1];
	s3 =	smul.u32 $0x24, s12  }
0x5: {  	s2 =	simm.s32 $0x0;
	s1 =	rddreg [dreg:$0x2]  }
0x6: {  	[smem:$0x7FF] =	sst s2;
	s3 =	sadd.s32 s3, s5  }
0x7: {  	_ =	strace $0x80000047;
	s4 =	sadd.s32 $0x21A00, s3;
	s3 =	simm.s32 $0x3  }
0x8: {  	[tilespmem:s2], [sflag:$0x3] =	stream.linear.gather [hbm4b:s4+s2], $0x120, $0x38;
	[tilespmem:$0x9180] =	vst v63  }
0x9: {  	_ =	swait.ge [sflag:s3], $0x120  }
0xa: {  	s6 =	simm.s32 $0x90;
	[sflag:s3] =	ssyncset.done $0x0  }
0xb: {  	s7 =	simm.s32 $0x180;
	s5 =	sadd.s32 $0x1A00, s5;
	[sflag:s3] =	ssyncadd.s32 $0xFFFFFEE0  }
0xc: {  	[tilespmem:s7], [sflag:$0x1] =	stream.indirect.gather [hbm4b:s5+s6], $0x80, s2, s6, $0xb8;
	[tilespmem:$0x9180] =	vst v63  }
0xd: {  	s8 =	simm.s32 $0x4980;
	s9 =	simm.s32 $0x1  }
0xe: {  	[tilespmem:s8], [sflag:$0x2] =	stream.indirect.gather [hbm4b:s5+s6], $0x80, s6, s6, $0xb8;
	[tilespmem:$0x9180] =	vst v63  }
0xf: {  	s10 =	smul.u32 $0x1200, s12;
	_ =	swait.ge [sflag:s9], $0x4800  }
0x10: {  	[sflag:s9] =	ssyncset.done $0x0  }
0x11: {  	s14 =	ssub.s32 $0x2, s11;
	s10 =	sadd.s32 s13, s10;
	[sflag:s9] =	ssyncadd.s32 $0xFFFFB800  }
0x12: {  	[hbm4b:s10+s2] =	stream.linear.scatter [tilespmem:s7], [sflag:$0x3], $0x4800, $0x38;
	[tilespmem:$0x9180] =	vst v63  }
0x13: {  	s15 =	sshrl.u32 s14, $0x1;
	_ =	swait.ge [sflag:s3], $0x4800  }
0x14: {  	s12 =	smul.u32 $0x9000, s12;
	s14 =	ssub.s32 s14, s15;
	[sflag:s3] =	ssyncset.done $0x0  }
0x15: {  	s11 =	simm.s32 $0x2;
	s31 =	smax.u32 s14, $0x1;
	[sflag:s3] =	ssyncadd.s32 $0xFFFFB800  }
0x16: {  	s12 =	sshrl.u32 s12, $0x3;
	p0 =	sne.s32 s31, $0x1;
	_ =	swait.ge [sflag:s11], $0x4800  }
.Ltmp0:
0x17: {  	s12 =	sadd.s32 s13, s12;
	[sflag:s11] =	ssyncset.done $0x0;
	(pc) =	sbr.rel @!p0 .LBB2_2-.Ltmp0, $4  }
0x18: {  	s12 =	sadd.s32 $0x900, s12;
	[sflag:s11] =	ssyncadd.s32 $0xFFFFB800  }
0x19: {  	[hbm4b:s12+s2] =	stream.linear.scatter [tilespmem:s8], [sflag:$0x3], $0x4800, $0x38;
	[tilespmem:$0x9180] =	vst v63  }
0x1a: {  	_ =	swait.ge [sflag:s3], $0x4800  }
0x1b: {  	s13 =	sadd.s32 $0xFFFFFFFF, s31;
	[sflag:s3] =	ssyncset.done $0x0  }
.LBB2_1:
0x1c: {  	p0 =	sne.s32 s13, $0x1;
	s13 =	sadd.s32 $0xFFFFFFFF, s13;
	[sflag:s3] =	ssyncadd.s32 $0xFFFFB800  }
0x1d: {  	[tilespmem:s2], [sflag:$0x3] =	stream.linear.gather [hbm4b:s4+s2], $0x120, $0x38;
	[tilespmem:$0x9180] =	vst v63  }
0x1e: {  	_ =	swait.ge [sflag:s3], $0x120  }
0x1f: {  	[sflag:s3] =	ssyncset.done $0x0  }
0x20: {  	[sflag:s3] =	ssyncadd.s32 $0xFFFFFEE0  }
0x21: {  	[tilespmem:s7], [sflag:$0x1] =	stream.indirect.gather [hbm4b:s5+s6], $0x80, s2, s6, $0xb8;
	[tilespmem:$0x9180] =	vst v63  }
0x22: {  	_ = 	snop  }
0x23: {  	[tilespmem:s8], [sflag:$0x2] =	stream.indirect.gather [hbm4b:s5+s6], $0x80, s6, s6, $0xb8;
	[tilespmem:$0x9180] =	vst v63  }
0x24: {  	_ =	swait.ge [sflag:s9], $0x4800  }
0x25: {  	[sflag:s9] =	ssyncset.done $0x0  }
0x26: {  	[sflag:s9] =	ssyncadd.s32 $0xFFFFB800  }
0x27: {  	[hbm4b:s10+s2] =	stream.linear.scatter [tilespmem:s7], [sflag:$0x3], $0x4800, $0x38;
	[tilespmem:$0x9180] =	vst v63  }
0x28: {  	_ =	swait.ge [sflag:s3], $0x4800  }
0x29: {  	[sflag:s3] =	ssyncset.done $0x0  }
0x2a: {  	[sflag:s3] =	ssyncadd.s32 $0xFFFFB800  }
0x2b: {  	_ =	swait.ge [sflag:s11], $0x4800  }
.Ltmp1:
0x2c: {  	[sflag:s11] =	ssyncset.done $0x0;
	(pc) =	sbr.rel @p0 .LBB2_1-.Ltmp1, $4  }
0x2d: {  	[sflag:s11] =	ssyncadd.s32 $0xFFFFB800  }
0x2e: {  	[hbm4b:s12+s2] =	stream.linear.scatter [tilespmem:s8], [sflag:$0x3], $0x4800, $0x38;
	[tilespmem:$0x9180] =	vst v63  }
0x2f: {  	_ =	swait.ge [sflag:s3], $0x4800  }
0x30: {  	[sflag:s3] =	ssyncset.done $0x0  }
.LBB2_2:
0x31: {  	[sflag:s3] =	ssyncadd.s32 $0xFFFFB800  }
0x32: {  	_ =	sfence.sel $0x180000  }
0x33: {  	[bflag:$0x0] =	sbarrier.arrive $0xFFFF  }
0x34: {  	p0 =	sne.s32 s0, $0x0;
	_ =	strace $0x90000047  }
0x35: {  	s0 =	sadd.s32 @!p0 $0x100000, s1;
	[bflag:$0x2] =	sbarrier.arrive $0xFFFF  }
0x36: {  	[sflag:s0] =	ssyncadd.tile.s32 @!p0 $0x1;
	_ =	shalt  }
.Lfunc_end2:
_tile_overlayer_lowered:
.L_overlay_start_2:
0x37: {  	(tag) =	ssettag $0x2  }
0x38: {  	s0 =	rddreg [dreg:$0x0];
	s2 =	stileid.u32  }
0x39: {  	s1 =	rddreg [dreg:$0x1];
	p0 =	sne.s32 s2, $0x0  }
0x3a: {  	s3 =	rddreg [dreg:$0x2];
	[bflag:$0x3] =	sbarrier.arrive $0xFFFF;
	s2 =	simm.s32 @!p0 $0x1C03  }
0x3b: {  	[timem:s3], [sflag:s2] =	dma.local @!p0 [hbm:s0], s1  }
0x3c: {  	s0 =	simm.s32 @!p0 $0x3  }
0x3d: {  	_ =	swait.ge @!p0 [sflag:s0], s1  }
0x3e: {  	s1 =	ssub.s32 @!p0 $0x0, s1;
	[sflag:s0] =	ssyncset.done @!p0 $0x0  }
0x3f: {  	[sflag:s0] =	ssyncadd.s32 @!p0 s1  }
0x40: {  	[bflag:$0x3] =	sbarrier.arrive $0xFFFF  }
0x41: {  	_ =	shalt  }

</sc_bundles>
